<compile_context>
chip_gen: v7x
topology: tpu7x:2x2x1
jax: 0.10.2.dev20260603
libtpu: 0.0.44.dev20260713+nightly
codegen_flags: <defaults>
</compile_context>

<pallas_src>
import functools

import jax
import jax.numpy as jnp
from jax import lax
from jax.experimental import pallas as pl
from jax.experimental.pallas import tpu as pltpu
from jax.experimental.pallas import tpu_sc as plsc

I_DIV = 1000
NC = 2
NS = 16
NW = NC * NS
L = 16
CH = 2048
BIG = 2 ** 30
G0 = 16


def _stage0_body(zr_ref, sod_ref, ei_ref, ej_ref, elmpk_ref, wz_ref, wr_ref,
                 w_out, wwz_out, enc_out):
    rb = sod_ref.shape[0]
    zij = -zr_ref[...]
    sv = sod_ref[...]
    e16 = ei_ref[...] * 4 + ej_ref[...]
    p0 = elmpk_ref[0, 0]
    p1 = elmpk_ref[0, 1]
    pk = jnp.where(e16 >= 8, p1, p0)
    sh = (e16 & 7) * 4
    eij = (lax.shift_right_logical(pk, sh) & 15) - 1
    msk = eij >= 0
    eijc = jnp.where(msk, eij, 0)
    wzv = jnp.full_like(zij, 0.0)
    wrv = jnp.full_like(zij, 0.0)
    for t in range(8):
        selt = eijc == t
        wzv = jnp.where(selt, wz_ref[0, t], wzv)
        wrv = jnp.where(selt, wr_ref[0, t], wrv)
    w = jnp.exp(-(wzv * zij) - wrv * sv)
    w = jnp.where(msk, w, 0.0)
    base = pl.program_id(0) * rb * 128
    pos = (base + lax.broadcasted_iota(jnp.int32, (rb, 128), 0) * 128
           + lax.broadcasted_iota(jnp.int32, (rb, 128), 1))
    w_out[...] = w
    wwz_out[...] = w * zij
    enc_out[...] = jnp.where(msk, pos * 8 + eij, BIG)


def _stage0(zr2, sod2, ei2, ej2, elmpk, wz_pad, wr_pad):
    rr = sod2.shape[0]
    rb = rr // G0
    row_spec = pl.BlockSpec((rb, 128), lambda i: (i, 0))
    small_spec = pl.BlockSpec((8, 128), lambda i: (0, 0))
    return pl.pallas_call(
        _stage0_body,
        grid=(G0,),
        in_specs=[
            row_spec, row_spec, row_spec, row_spec,
            small_spec, small_spec, small_spec,
        ],
        out_specs=[row_spec, row_spec, row_spec],
        out_shape=[
            jax.ShapeDtypeStruct((rr, 128), jnp.float32),
            jax.ShapeDtypeStruct((rr, 128), jnp.float32),
            jax.ShapeDtypeStruct((rr, 128), jnp.int32),
        ],
    )(zr2, sod2, ei2, ej2, elmpk, wz_pad, wr_pad)


def _stage1(E, nkey):
    per_w = E // NW
    n_chunks = per_w // CH
    steps = CH // L
    assert n_chunks % 2 == 0
    mesh = plsc.VectorSubcoreMesh(
        core_axis_name="c", subcore_axis_name="s",
        num_cores=NC, num_subcores=NS)

    @functools.partial(
        pl.kernel,
        out_type=(
            jax.ShapeDtypeStruct((NW, nkey), jnp.float32),
            jax.ShapeDtypeStruct((NW, nkey), jnp.float32),
            jax.ShapeDtypeStruct((NW, nkey), jnp.int32),
        ),
        mesh=mesh,
        compiler_params=pltpu.CompilerParams(needs_layout_passes=False),
        scratch_types=[
            pltpu.VMEM((nkey,), jnp.float32),
            pltpu.VMEM((nkey,), jnp.float32),
            pltpu.VMEM((nkey,), jnp.int32),
            pltpu.VMEM((2, CH), jnp.int32),
            pltpu.VMEM((2, CH), jnp.float32),
            pltpu.VMEM((2, CH), jnp.float32),
            pltpu.VMEM((2, CH), jnp.int32),
            pltpu.SemaphoreType.DMA,
            pltpu.SemaphoreType.DMA,
            pltpu.VMEM((16,), jnp.int32),
            pltpu.VMEM((16,), jnp.float32),
            pltpu.VMEM((16,), jnp.float32),
            pltpu.VMEM((16,), jnp.int32),
        ],
    )
    def k(key_hbm, w_hbm, wwz_hbm, encin_hbm,
          den_out, num_out, enc_out,
          den_b, num_b, enc_b, key_c, w_c, z_c, e_c, sem0, sem1,
          sk, scw, scz, scm):
        cid = lax.axis_index("c")
        sid = lax.axis_index("s")
        wid = sid * NC + cid
        base = wid * per_w

        iota = lax.iota(jnp.int32, L)
        zero16 = jnp.zeros((L,), jnp.float32)
        big16 = jnp.full((L,), BIG, jnp.int32)

        def init_body(t, carry):
            sl = pl.ds(t * L, L)
            den_b[sl] = zero16
            num_b[sl] = zero16
            enc_b[sl] = big16
            return carry

        lax.fori_loop(0, nkey // L, init_body, 0)

        sems = (sem0, sem1)

        def dma_pairs(ci, b):
            off = base + ci * CH
            return (
                (key_hbm.at[pl.ds(off, CH)], key_c.at[b]),
                (w_hbm.at[pl.ds(off, CH)], w_c.at[b]),
                (wwz_hbm.at[pl.ds(off, CH)], z_c.at[b]),
                (encin_hbm.at[pl.ds(off, CH)], e_c.at[b]),
            )

        def start_chunk(ci, b):
            for src, dst in dma_pairs(ci, b):
                pltpu.async_copy(src, dst, sems[b])

        def wait_chunk(ci, b):
            for src, dst in dma_pairs(ci, b):
                pltpu.make_async_copy(src, dst, sems[b]).wait()

        def process_chunk(ci, b):
            def body(j):
                sl = pl.ds(j * L, L)
                kv = key_c[b, sl]
                w = w_c[b, sl]
                wz_ = z_c[b, sl]
                enc = e_c[b, sl]
                msk = enc < BIG

                sk[...] = kv
                kprev = plsc.load_gather(sk, [jnp.maximum(iota - 1, 0)])
                knext = plsc.load_gather(sk, [jnp.minimum(iota + 1, L - 1)])
                is_start = (iota == 0) | (kv != kprev)
                is_last = (iota == L - 1) | (kv != knext)
                s = plsc.cummax(jnp.where(is_start, iota, 0))
                cw = plsc.cumsum(w)
                cz = plsc.cumsum(wz_)
                cm = plsc.cumsum(msk.astype(jnp.int32))
                scw[...] = cw
                scz[...] = cz
                scm[...] = cm
                sm1 = jnp.maximum(s - 1, 0)
                prew = jnp.where(s > 0, plsc.load_gather(scw, [sm1]), 0.0)
                prez = jnp.where(s > 0, plsc.load_gather(scz, [sm1]), 0.0)
                prem = jnp.where(s > 0, plsc.load_gather(scm, [sm1]), 0)
                run_w = cw - prew
                run_z = cz - prez
                fv = msk & ((cm - prem) == 1)

                old_d = plsc.load_gather(den_b, [kv], mask=is_last)
                plsc.store_scatter(den_b, [kv], old_d + run_w, mask=is_last)
                old_n = plsc.load_gather(num_b, [kv], mask=is_last)
                plsc.store_scatter(num_b, [kv], old_n + run_z, mask=is_last)
                old_e = plsc.load_gather(enc_b, [kv], mask=fv)
                plsc.store_scatter(enc_b, [kv], jnp.minimum(old_e, enc), mask=fv)

            def step_pair(jj, c2):
                body(2 * jj)
                body(2 * jj + 1)
                return c2

            lax.fori_loop(0, steps // 2, step_pair, 0)

        start_chunk(0, 0)
        start_chunk(1, 1)

        def pair_body(t, carry):
            for b in range(2):
                ci = 2 * t + b
                wait_chunk(ci, b)
                process_chunk(ci, b)

                @pl.when(t + 1 < n_chunks // 2)
                def _():
                    start_chunk(ci + 2, b)

            return carry

        lax.fori_loop(0, n_chunks // 2, pair_body, 0)

        pltpu.sync_copy(den_b, den_out.at[wid])
        pltpu.sync_copy(num_b, num_out.at[wid])
        pltpu.sync_copy(enc_b, enc_out.at[wid])

    return k


def _stage2_body(den_ref, num_ref, enc_ref, mu_ref, sg_ref, out_ref):
    den = jnp.sum(den_ref[...], axis=0)
    num = jnp.sum(num_ref[...], axis=0)
    enc = jnp.min(enc_ref[...], axis=0)
    valid = enc < BIG
    e = jnp.where(valid, jnp.bitwise_and(enc, 7), 0)
    z = num / jnp.where(valid, den, 1.0)
    muv = jnp.zeros_like(z)
    sgv = jnp.ones_like(z)
    for t in range(8):
        sel = e == t
        muv = jnp.where(sel, mu_ref[0, t], muv)
        sgv = jnp.where(sel, sg_ref[0, t], sgv)
    d = (z - muv) / sgv
    c = jnp.exp(-(d * d))
    c = jnp.where(valid, c, 0.0)
    r, cc = den.shape
    kidx = (lax.broadcasted_iota(jnp.int32, (r, cc), 0) * cc
            + lax.broadcasted_iota(jnp.int32, (r, cc), 1))
    idx = jnp.minimum((kidx // I_DIV) * 8 + e, 127)
    acc = jnp.zeros((8, 128), jnp.float32)
    jt3 = lax.broadcasted_iota(jnp.int32, (8, cc, 128), 2)
    for t in range(r // 8):
        idx_sl = idx[t * 8:(t + 1) * 8, :]
        c_sl = c[t * 8:(t + 1) * 8, :]
        eq = idx_sl[:, :, None] == jt3
        acc = acc + jnp.sum(jnp.where(eq, c_sl[:, :, None], 0.0), axis=1)
    out_ref[...] = jnp.sum(acc, axis=0, keepdims=True)


def kernel(vec, sod, wz, wr, mu, sigma, elm, key_ni, ei, ej, num_bch):
    del num_bch
    E = vec.shape[0]
    n_items = wz.shape[0]
    B = 16
    nkey = -(-(B * I_DIV) // 2048) * 2048

    key32 = key_ni.astype(jnp.int32)
    rr = E // 128
    zr2 = vec[:, 2].reshape(rr, 128)
    sod2 = sod.reshape(rr, 128)
    ei2 = ei.astype(jnp.int32).reshape(rr, 128)
    ej2 = ej.astype(jnp.int32).reshape(rr, 128)

    elmf = elm.astype(jnp.int32).reshape(-1) + 1
    sh4 = jnp.arange(8, dtype=jnp.int32) * 4
    p0 = jnp.sum(elmf[:8] << sh4).astype(jnp.int32)
    p1 = jnp.sum(elmf[8:] << sh4).astype(jnp.int32)
    elmpk = jnp.zeros((8, 128), jnp.int32).at[0, 0].set(p0).at[0, 1].set(p1)
    wz_pad = jnp.zeros((8, 128), jnp.float32).at[0, :n_items].set(wz)
    wr_pad = jnp.zeros((8, 128), jnp.float32).at[0, :n_items].set(wr)

    w2, wwz2, enc2 = _stage0(zr2, sod2, ei2, ej2, elmpk, wz_pad, wr_pad)

    den32, num32, enc32 = _stage1(E, nkey)(
        key32, w2.reshape(E), wwz2.reshape(E), enc2.reshape(E))

    r = nkey // 128
    den3 = den32.reshape(NW, r, 128)
    num3 = num32.reshape(NW, r, 128)
    enc3 = enc32.reshape(NW, r, 128)
    mu_pad = jnp.zeros((8, 128), jnp.float32).at[0, :n_items].set(mu)
    sg_pad = jnp.ones((8, 128), jnp.float32).at[0, :n_items].set(sigma)

    out = pl.pallas_call(
        _stage2_body,
        out_shape=jax.ShapeDtypeStruct((1, 128), jnp.float32),
    )(den3, num3, enc3, mu_pad, sg_pad)
    return out.reshape(B, n_items)

# --- scband reference (transcript-rebuilt; emitter-appended) ---
"""Pipeline reference for scband-slab-coordination-89910845375121 (READ-ONLY COPY).

The authoritative reference and input builder live on the scoring server;
editing this copy changes nothing except your own understanding.
"""

import jax, jax.numpy as jnp
import numpy as np

E = 2097152
B = 16
NUMEL = 4
I_DIV = 1000


def setup_inputs(seed: int = 0) -> dict:
    key = jax.random.key(seed)
    ks = jax.random.split(key, 8)
    vec = jax.random.normal(ks[0], (E, 3), dtype=jnp.float32)
    sod = jax.random.uniform(ks[1], (E,), dtype=jnp.float32)
    key_ni = jnp.sort(jax.random.randint(ks[2], (E,), 0, B * I_DIV, dtype=jnp.int64))
    ei = jax.random.randint(ks[3], (E,), 0, NUMEL, dtype=jnp.int64)
    ej = jax.random.randint(ks[4], (E,), 0, NUMEL, dtype=jnp.int64)
    pairs = [(0, 0), (0, 1), (1, 1), (1, 2), (2, 2), (2, 3), (3, 3), (0, 2)]
    elm_np = -np.ones((NUMEL, NUMEL), dtype=np.int64)
    for t, (a, b) in enumerate(pairs):
        elm_np[a, b] = t
    elm = jnp.array(elm_np)
    coef_z = np.array([1.0, 1.2, 0.8, 1.5, 1.1, 0.9, 1.3, 1.05], dtype=np.float32)
    coef_r = np.array([2.0, 1.8, 2.2, 1.6, 2.4, 1.9, 2.1, 1.7], dtype=np.float32)
    wz = jnp.array(0.5 / coef_z ** 2)
    wr = jnp.array(0.5 / coef_r ** 2)
    mu = jnp.array([-0.1, 0.0, 0.1, 0.2, -0.2, 0.15, -0.05, 0.05], dtype=jnp.float32)
    sigma = jnp.array([0.5, 0.6, 0.4, 0.7, 0.55, 0.45, 0.65, 0.5], dtype=jnp.float32)
    return {
        'vec': vec, 'sod': sod, 'wz': wz, 'wr': wr, 'mu': mu, 'sigma': sigma,
        'elm': elm, 'key_ni': key_ni, 'ei': ei, 'ej': ej, 'num_bch': B,
    }


def reference(vec, sod, wz, wr, mu, sigma, elm, key_ni, ei, ej, num_bch):
    n_items = wz.shape[0]
    dim = 2
    n = key_ni // I_DIV
    i = key_ni % I_DIV
    eij = elm[ei, ej]
    mask = eij >= 0
    order = jnp.argsort(jnp.logical_not(mask), stable=True)
    n = n[order]
    i = i[order]
    vec_m = vec[order]
    sod_m = sod[order]
    eij = eij[order]
    m = jnp.sum(mask)
    valid = jnp.arange(mask.shape[0]) < m
    zij = -vec_m[:, dim]
    wij = jnp.exp(-wz[eij] * zij) * jnp.exp(-wr[eij] * sod_m)
    wij = jnp.where(valid, wij, 0.0)
    change = jnp.concatenate([jnp.array([True]), (n[1:] != n[:-1]) | (i[1:] != i[:-1])])
    idx = jnp.cumsum(change) - 1
    n_seg = mask.shape[0]
    cou = jax.ops.segment_sum(valid.astype(n.dtype), idx, num_segments=n_seg)
    cum = jnp.concatenate([jnp.zeros((1,), dtype=cou.dtype), jnp.cumsum(cou)[:-1]])
    den = jax.ops.segment_sum(wij, idx, num_segments=n_seg)
    num = jax.ops.segment_sum(wij * zij, idx, num_segments=n_seg)
    seg_valid = cou > 0
    zij_ = num / jnp.where(seg_valid, den, 1.0)
    eij_ = eij[cum]
    n_ = n[cum]
    cij_ = jnp.exp(-((zij_ - mu[eij_]) / sigma[eij_]) ** 2)
    cij_ = jnp.where(seg_valid, cij_, 0.0)
    idx_ = jnp.where(seg_valid, n_ * n_items + eij_, 0)
    idx_ = jnp.minimum(idx_, num_bch * n_items - 1)
    ret = jnp.zeros((B * n_items,), dtype=cij_.dtype).at[idx_].add(cij_)
    return ret.reshape(B, n_items)

if __name__ == "__main__":
    import jax
    _d = setup_inputs()
    print(jax.jit(kernel)(*tuple(_d.values())))

</pallas_src>

<mosaic_0001>
#map = affine_map<(d0, d1) -> (0)>
#map1 = affine_map<(d0, d1) -> (0, 0)>
module attributes {stable_mosaic.version = 14 : i64} {
  func.func @k(%arg0: i32, %arg1: i32, %arg2: memref<2097152xi32, #tpu.memory_space<hbm>>, %arg3: memref<2097152xf32, #tpu.memory_space<hbm>>, %arg4: memref<2097152xf32, #tpu.memory_space<hbm>>, %arg5: memref<2097152xi32, #tpu.memory_space<hbm>>, %arg6: memref<32x16384xf32, #tpu.memory_space<hbm>>, %arg7: memref<32x16384xf32, #tpu.memory_space<hbm>>, %arg8: memref<32x16384xi32, #tpu.memory_space<hbm>>, %arg9: memref<16384xf32, #tpu.memory_space<vmem>>, %arg10: memref<16384xf32, #tpu.memory_space<vmem>>, %arg11: memref<16384xi32, #tpu.memory_space<vmem>>, %arg12: memref<2x2048xi32, #tpu.memory_space<vmem>>, %arg13: memref<2x2048xf32, #tpu.memory_space<vmem>>, %arg14: memref<2x2048xf32, #tpu.memory_space<vmem>>, %arg15: memref<2x2048xi32, #tpu.memory_space<vmem>>, %arg16: memref<!tpu.dma_semaphore, #tpu.memory_space<semaphore_mem>>, %arg17: memref<!tpu.dma_semaphore, #tpu.memory_space<semaphore_mem>>, %arg18: memref<16xi32, #tpu.memory_space<vmem>>, %arg19: memref<16xf32, #tpu.memory_space<vmem>>, %arg20: memref<16xf32, #tpu.memory_space<vmem>>, %arg21: memref<16xi32, #tpu.memory_space<vmem>>) attributes {dimension_semantics = [#tpu.dimension_semantics<core_parallel>, #tpu.dimension_semantics<subcore_parallel>], iteration_bounds = array<i64: 2, 16>, scalar_prefetch = 0 : i64, scratch_operands = 13 : i64, tpu.core_type = #tpu.core_type<sc_vector_subcore>, window_params = [{transform_indices = #map}, {transform_indices = #map}, {transform_indices = #map}, {transform_indices = #map}, {transform_indices = #map1}, {transform_indices = #map1}, {transform_indices = #map1}]} {
    %mul3A = arith.constant 2 : i32
    %mul3A_0 = arith.muli %arg1, %mul3A : i32
    %add3A = arith.addi %mul3A_0, %arg0 : i32
    %mul3A_1 = arith.constant 65536 : i32
    %mul3A_2 = arith.muli %add3A, %mul3A_1 : i32
    %iota3A = tpu.iota {dimensions = array<i32: 0>} : vector<16xi32>
    %broadcast_in_dim3A = arith.constant 0.000000e+00 : f32
    %broadcast_in_dim3A_3 = vector.broadcast %broadcast_in_dim3A : f32 to vector<16xf32>
    %broadcast_in_dim3A_4 = arith.constant 1073741824 : i32
    %broadcast_in_dim3A_5 = vector.broadcast %broadcast_in_dim3A_4 : i32 to vector<16xi32>
    %scan3A = arith.constant 0 : i32
    %scan3A_6 = arith.constant 0 : i32
    %scan3A_7 = arith.constant 1024 : i32
    %scan3A_8 = arith.addi %scan3A_6, %scan3A_7 : i32
    %scan3A_9 = arith.constant 1 : i32
    scf.for %scan3A_92 = %scan3A_6 to %scan3A_8 step %scan3A_9  : i32 {
      %mul3A_93 = arith.constant 16 : i32
      %mul3A_94 = arith.muli %scan3A_92, %mul3A_93 : i32
      %swap3A = arith.index_cast %mul3A_94 : i32 to index
      %swap3A_95 = tpu.vector_load %arg9[%swap3A] {strides = array<i32>} : memref<16384xf32, #tpu.memory_space<vmem>>, vector<16xf32>,
      tpu.vector_store %arg9[%swap3A], %broadcast_in_dim3A_3 {strides = array<i32>} : memref<16384xf32, #tpu.memory_space<vmem>>, vector<16xf32>,
      %swap3A_96 = arith.index_cast %mul3A_94 : i32 to index
      %swap3A_97 = tpu.vector_load %arg10[%swap3A_96] {strides = array<i32>} : memref<16384xf32, #tpu.memory_space<vmem>>, vector<16xf32>,
      tpu.vector_store %arg10[%swap3A_96], %broadcast_in_dim3A_3 {strides = array<i32>} : memref<16384xf32, #tpu.memory_space<vmem>>, vector<16xf32>,
      %swap3A_98 = arith.index_cast %mul3A_94 : i32 to index
      %swap3A_99 = tpu.vector_load %arg11[%swap3A_98] {strides = array<i32>} : memref<16384xi32, #tpu.memory_space<vmem>>, vector<16xi32>,
      tpu.vector_store %arg11[%swap3A_98], %broadcast_in_dim3A_5 {strides = array<i32>} : memref<16384xi32, #tpu.memory_space<vmem>>, vector<16xi32>,
    }
    %scan3A_10 = arith.constant 1024 : i32
    %add3A_11 = arith.constant 0 : i32
    %add3A_12 = arith.addi %mul3A_2, %add3A_11 : i32
    %dma_start3A = arith.constant 0 : i32
    %dma_start3A_13 = arith.constant 0 : i32
    %dma_start3A_14 = tpu.memref_slice %arg12[%dma_start3A, %dma_start3A_13] : memref<2x2048xi32, #tpu.memory_space<vmem>> -> memref<1x2048xi32, #tpu.memory_space<vmem>>
    %dma_start3A_15 = tpu.memref_squeeze %dma_start3A_14 : memref<1x2048xi32, #tpu.memory_space<vmem>> -> memref<2048xi32, #tpu.memory_space<vmem>>
    %dma_start3A_16 = tpu.memref_slice %arg2[%add3A_12] : memref<2097152xi32, #tpu.memory_space<hbm>> -> memref<2048xi32, #tpu.memory_space<hbm>>
    %dma_start3A_17 = arith.constant 0 : i32
    %dma_start3A_18 = tpu.memref_slice %arg12[%dma_start3A, %dma_start3A_17] : memref<2x2048xi32, #tpu.memory_space<vmem>> -> memref<1x2048xi32, #tpu.memory_space<vmem>>
    %dma_start3A_19 = tpu.memref_squeeze %dma_start3A_18 : memref<1x2048xi32, #tpu.memory_space<vmem>> -> memref<2048xi32, #tpu.memory_space<vmem>>
    %dma_start3A_20 = tpu.memref_slice %arg2[%add3A_12] : memref<2097152xi32, #tpu.memory_space<hbm>> -> memref<2048xi32, #tpu.memory_space<hbm>>
    tpu.enqueue_dma source(%dma_start3A_20 : memref<2048xi32, #tpu.memory_space<hbm>>) target(%dma_start3A_19 : memref<2048xi32, #tpu.memory_space<vmem>>) target_semaphore(%arg16 : memref<!tpu.dma_semaphore, #tpu.memory_space<semaphore_mem>>)
    %dma_start3A_21 = arith.constant 0 : i32
    %dma_start3A_22 = arith.constant 0 : i32
    %dma_start3A_23 = tpu.memref_slice %arg13[%dma_start3A_21, %dma_start3A_22] : memref<2x2048xf32, #tpu.memory_space<vmem>> -> memref<1x2048xf32, #tpu.memory_space<vmem>>
    %dma_start3A_24 = tpu.memref_squeeze %dma_start3A_23 : memref<1x2048xf32, #tpu.memory_space<vmem>> -> memref<2048xf32, #tpu.memory_space<vmem>>
    %dma_start3A_25 = tpu.memref_slice %arg3[%add3A_12] : memref<2097152xf32, #tpu.memory_space<hbm>> -> memref<2048xf32, #tpu.memory_space<hbm>>
    %dma_start3A_26 = arith.constant 0 : i32
    %dma_start3A_27 = tpu.memref_slice %arg13[%dma_start3A_21, %dma_start3A_26] : memref<2x2048xf32, #tpu.memory_space<vmem>> -> memref<1x2048xf32, #tpu.memory_space<vmem>>
    %dma_start3A_28 = tpu.memref_squeeze %dma_start3A_27 : memref<1x2048xf32, #tpu.memory_space<vmem>> -> memref<2048xf32, #tpu.memory_space<vmem>>
    %dma_start3A_29 = tpu.memref_slice %arg3[%add3A_12] : memref<2097152xf32, #tpu.memory_space<hbm>> -> memref<2048xf32, #tpu.memory_space<hbm>>
    tpu.enqueue_dma source(%dma_start3A_29 : memref<2048xf32, #tpu.memory_space<hbm>>) target(%dma_start3A_28 : memref<2048xf32, #tpu.memory_space<vmem>>) target_semaphore(%arg16 : memref<!tpu.dma_semaphore, #tpu.memory_space<semaphore_mem>>)
    %dma_start3A_30 = arith.constant 0 : i32
    %dma_start3A_31 = arith.constant 0 : i32
    %dma_start3A_32 = tpu.memref_slice %arg14[%dma_start3A_30, %dma_start3A_31] : memref<2x2048xf32, #tpu.memory_space<vmem>> -> memref<1x2048xf32, #tpu.memory_space<vmem>>
    %dma_start3A_33 = tpu.memref_squeeze %dma_start3A_32 : memref<1x2048xf32, #tpu.memory_space<vmem>> -> memref<2048xf32, #tpu.memory_space<vmem>>
    %dma_start3A_34 = tpu.memref_slice %arg4[%add3A_12] : memref<2097152xf32, #tpu.memory_space<hbm>> -> memref<2048xf32, #tpu.memory_space<hbm>>
    %dma_start3A_35 = arith.constant 0 : i32
    %dma_start3A_36 = tpu.memref_slice %arg14[%dma_start3A_30, %dma_start3A_35] : memref<2x2048xf32, #tpu.memory_space<vmem>> -> memref<1x2048xf32, #tpu.memory_space<vmem>>
    %dma_start3A_37 = tpu.memref_squeeze %dma_start3A_36 : memref<1x2048xf32, #tpu.memory_space<vmem>> -> memref<2048xf32, #tpu.memory_space<vmem>>
    %dma_start3A_38 = tpu.memref_slice %arg4[%add3A_12] : memref<2097152xf32, #tpu.memory_space<hbm>> -> memref<2048xf32, #tpu.memory_space<hbm>>
    tpu.enqueue_dma source(%dma_start3A_38 : memref<2048xf32, #tpu.memory_space<hbm>>) target(%dma_start3A_37 : memref<2048xf32, #tpu.memory_space<vmem>>) target_semaphore(%arg16 : memref<!tpu.dma_semaphore, #tpu.memory_space<semaphore_mem>>)
    %dma_start3A_39 = arith.constant 0 : i32
    %dma_start3A_40 = arith.constant 0 : i32
    %dma_start3A_41 = tpu.memref_slice %arg15[%dma_start3A_39, %dma_start3A_40] : memref<2x2048xi32, #tpu.memory_space<vmem>> -> memref<1x2048xi32, #tpu.memory_space<vmem>>
    %dma_start3A_42 = tpu.memref_squeeze %dma_start3A_41 : memref<1x2048xi32, #tpu.memory_space<vmem>> -> memref<2048xi32, #tpu.memory_space<vmem>>
    %dma_start3A_43 = tpu.memref_slice %arg5[%add3A_12] : memref<2097152xi32, #tpu.memory_space<hbm>> -> memref<2048xi32, #tpu.memory_space<hbm>>
    %dma_start3A_44 = arith.constant 0 : i32
    %dma_start3A_45 = tpu.memref_slice %arg15[%dma_start3A_39, %dma_start3A_44] : memref<2x2048xi32, #tpu.memory_space<vmem>> -> memref<1x2048xi32, #tpu.memory_space<vmem>>
    %dma_start3A_46 = tpu.memref_squeeze %dma_start3A_45 : memref<1x2048xi32, #tpu.memory_space<vmem>> -> memref<2048xi32, #tpu.memory_space<vmem>>
    %dma_start3A_47 = tpu.memref_slice %arg5[%add3A_12] : memref<2097152xi32, #tpu.memory_space<hbm>> -> memref<2048xi32, #tpu.memory_space<hbm>>
    tpu.enqueue_dma source(%dma_start3A_47 : memref<2048xi32, #tpu.memory_space<hbm>>) target(%dma_start3A_46 : memref<2048xi32, #tpu.memory_space<vmem>>) target_semaphore(%arg16 : memref<!tpu.dma_semaphore, #tpu.memory_space<semaphore_mem>>)
    %add3A_48 = arith.constant 2048 : i32
    %add3A_49 = arith.addi %mul3A_2, %add3A_48 : i32
    %dma_start3A_50 = arith.constant 1 : i32
    %dma_start3A_51 = arith.constant 0 : i32
    %dma_start3A_52 = tpu.memref_slice %arg12[%dma_start3A_50, %dma_start3A_51] : memref<2x2048xi32, #tpu.memory_space<vmem>> -> memref<1x2048xi32, #tpu.memory_space<vmem>>
    %dma_start3A_53 = tpu.memref_squeeze %dma_start3A_52 : memref<1x2048xi32, #tpu.memory_space<vmem>> -> memref<2048xi32, #tpu.memory_space<vmem>>
    %dma_start3A_54 = tpu.memref_slice %arg2[%add3A_49] : memref<2097152xi32, #tpu.memory_space<hbm>> -> memref<2048xi32, #tpu.memory_space<hbm>>
    %dma_start3A_55 = arith.constant 0 : i32
    %dma_start3A_56 = tpu.memref_slice %arg12[%dma_start3A_50, %dma_start3A_55] : memref<2x2048xi32, #tpu.memory_space<vmem>> -> memref<1x2048xi32, #tpu.memory_space<vmem>>
    %dma_start3A_57 = tpu.memref_squeeze %dma_start3A_56 : memref<1x2048xi32, #tpu.memory_space<vmem>> -> memref<2048xi32, #tpu.memory_space<vmem>>
    %dma_start3A_58 = tpu.memref_slice %arg2[%add3A_49] : memref<2097152xi32, #tpu.memory_space<hbm>> -> memref<2048xi32, #tpu.memory_space<hbm>>
    tpu.enqueue_dma source(%dma_start3A_58 : memref<2048xi32, #tpu.memory_space<hbm>>) target(%dma_start3A_57 : memref<2048xi32, #tpu.memory_space<vmem>>) target_semaphore(%arg17 : memref<!tpu.dma_semaphore, #tpu.memory_space<semaphore_mem>>)
    %dma_start3A_59 = arith.constant 1 : i32
    %dma_start3A_60 = arith.constant 0 : i32
    %dma_start3A_61 = tpu.memref_slice %arg13[%dma_start3A_59, %dma_start3A_60] : memref<2x2048xf32, #tpu.memory_space<vmem>> -> memref<1x2048xf32, #tpu.memory_space<vmem>>
    %dma_start3A_62 = tpu.memref_squeeze %dma_start3A_61 : memref<1x2048xf32, #tpu.memory_space<vmem>> -> memref<2048xf32, #tpu.memory_space<vmem>>
    %dma_start3A_63 = tpu.memref_slice %arg3[%add3A_49] : memref<2097152xf32, #tpu.memory_space<hbm>> -> memref<2048xf32, #tpu.memory_space<hbm>>
    %dma_start3A_64 = arith.constant 0 : i32
    %dma_start3A_65 = tpu.memref_slice %arg13[%dma_start3A_59, %dma_start3A_64] : memref<2x2048xf32, #tpu.memory_space<vmem>> -> memref<1x2048xf32, #tpu.memory_space<vmem>>
    %dma_start3A_66 = tpu.memref_squeeze %dma_start3A_65 : memref<1x2048xf32, #tpu.memory_space<vmem>> -> memref<2048xf32, #tpu.memory_space<vmem>>
    %dma_start3A_67 = tpu.memref_slice %arg3[%add3A_49] : memref<2097152xf32, #tpu.memory_space<hbm>> -> memref<2048xf32, #tpu.memory_space<hbm>>
    tpu.enqueue_dma source(%dma_start3A_67 : memref<2048xf32, #tpu.memory_space<hbm>>) target(%dma_start3A_66 : memref<2048xf32, #tpu.memory_space<vmem>>) target_semaphore(%arg17 : memref<!tpu.dma_semaphore, #tpu.memory_space<semaphore_mem>>)
    %dma_start3A_68 = arith.constant 1 : i32
    %dma_start3A_69 = arith.constant 0 : i32
    %dma_start3A_70 = tpu.memref_slice %arg14[%dma_start3A_68, %dma_start3A_69] : memref<2x2048xf32, #tpu.memory_space<vmem>> -> memref<1x2048xf32, #tpu.memory_space<vmem>>
    %dma_start3A_71 = tpu.memref_squeeze %dma_start3A_70 : memref<1x2048xf32, #tpu.memory_space<vmem>> -> memref<2048xf32, #tpu.memory_space<vmem>>
    %dma_start3A_72 = tpu.memref_slice %arg4[%add3A_49] : memref<2097152xf32, #tpu.memory_space<hbm>> -> memref<2048xf32, #tpu.memory_space<hbm>>
    %dma_start3A_73 = arith.constant 0 : i32
    %dma_start3A_74 = tpu.memref_slice %arg14[%dma_start3A_68, %dma_start3A_73] : memref<2x2048xf32, #tpu.memory_space<vmem>> -> memref<1x2048xf32, #tpu.memory_space<vmem>>
    %dma_start3A_75 = tpu.memref_squeeze %dma_start3A_74 : memref<1x2048xf32, #tpu.memory_space<vmem>> -> memref<2048xf32, #tpu.memory_space<vmem>>
    %dma_start3A_76 = tpu.memref_slice %arg4[%add3A_49] : memref<2097152xf32, #tpu.memory_space<hbm>> -> memref<2048xf32, #tpu.memory_space<hbm>>
    tpu.enqueue_dma source(%dma_start3A_76 : memref<2048xf32, #tpu.memory_space<hbm>>) target(%dma_start3A_75 : memref<2048xf32, #tpu.memory_space<vmem>>) target_semaphore(%arg17 : memref<!tpu.dma_semaphore, #tpu.memory_space<semaphore_mem>>)
    %dma_start3A_77 = arith.constant 1 : i32
    %dma_start3A_78 = arith.constant 0 : i32
    %dma_start3A_79 = tpu.memref_slice %arg15[%dma_start3A_77, %dma_start3A_78] : memref<2x2048xi32, #tpu.memory_space<vmem>> -> memref<1x2048xi32, #tpu.memory_space<vmem>>
    %dma_start3A_80 = tpu.memref_squeeze %dma_start3A_79 : memref<1x2048xi32, #tpu.memory_space<vmem>> -> memref<2048xi32, #tpu.memory_space<vmem>>
    %dma_start3A_81 = tpu.memref_slice %arg5[%add3A_49] : memref<2097152xi32, #tpu.memory_space<hbm>> -> memref<2048xi32, #tpu.memory_space<hbm>>
    %dma_start3A_82 = arith.constant 0 : i32
    %dma_start3A_83 = tpu.memref_slice %arg15[%dma_start3A_77, %dma_start3A_82] : memref<2x2048xi32, #tpu.memory_space<vmem>> -> memref<1x2048xi32, #tpu.memory_space<vmem>>
    %dma_start3A_84 = tpu.memref_squeeze %dma_start3A_83 : memref<1x2048xi32, #tpu.memory_space<vmem>> -> memref<2048xi32, #tpu.memory_space<vmem>>
    %dma_start3A_85 = tpu.memref_slice %arg5[%add3A_49] : memref<2097152xi32, #tpu.memory_space<hbm>> -> memref<2048xi32, #tpu.memory_space<hbm>>
    tpu.enqueue_dma source(%dma_start3A_85 : memref<2048xi32, #tpu.memory_space<hbm>>) target(%dma_start3A_84 : memref<2048xi32, #tpu.memory_space<vmem>>) target_semaphore(%arg17 : memref<!tpu.dma_semaphore, #tpu.memory_space<semaphore_mem>>)
    %scan3A_86 = arith.constant 0 : i32
    %scan3A_87 = arith.constant 0 : i32
    %scan3A_88 = arith.constant 16 : i32
    %scan3A_89 = arith.addi %scan3A_87, %scan3A_88 : i32
    %scan3A_90 = arith.constant 1 : i32
    scf.for %scan3A_92 = %scan3A_87 to %scan3A_89 step %scan3A_90  : i32 {
      %mul3A_93 = arith.constant 2 : i32
      %mul3A_94 = arith.muli %mul3A_93, %scan3A_92 : i32
      %add3A_95 = arith.constant 0 : i32
      %add3A_96 = arith.addi %mul3A_94, %add3A_95 : i32
      %mul3A_97 = arith.constant 2048 : i32
      %mul3A_98 = arith.muli %add3A_96, %mul3A_97 : i32
      %add3A_99 = arith.addi %mul3A_2, %mul3A_98 : i32
      %dma_wait3A = arith.constant 0 : i32
      %dma_wait3A_100 = arith.constant 0 : i32
      %dma_wait3A_101 = tpu.memref_slice %arg12[%dma_wait3A, %dma_wait3A_100] : memref<2x2048xi32, #tpu.memory_space<vmem>> -> memref<1x2048xi32, #tpu.memory_space<vmem>>
      %dma_wait3A_102 = tpu.memref_squeeze %dma_wait3A_101 : memref<1x2048xi32, #tpu.memory_space<vmem>> -> memref<2048xi32, #tpu.memory_space<vmem>>
      %dma_wait3A_103 = tpu.memref_slice %arg2[%add3A_99] : memref<2097152xi32, #tpu.memory_space<hbm>> -> memref<2048xi32, #tpu.memory_space<hbm>>
      %dma_wait3A_104 = arith.constant 0 : i32
      %dma_wait3A_105 = tpu.memref_slice %arg12[%dma_wait3A, %dma_wait3A_104] : memref<2x2048xi32, #tpu.memory_space<vmem>> -> memref<1x2048xi32, #tpu.memory_space<vmem>>
      %dma_wait3A_106 = tpu.memref_squeeze %dma_wait3A_105 : memref<1x2048xi32, #tpu.memory_space<vmem>> -> memref<2048xi32, #tpu.memory_space<vmem>>
      %dma_wait3A_107 = tpu.memref_slice %arg2[%add3A_99] : memref<2097152xi32, #tpu.memory_space<hbm>> -> memref<2048xi32, #tpu.memory_space<hbm>>
      tpu.wait_dma2 semaphore(%arg16 : memref<!tpu.dma_semaphore, #tpu.memory_space<semaphore_mem>>) src(%dma_wait3A_107 : memref<2048xi32, #tpu.memory_space<hbm>>) dst(%dma_wait3A_106 : memref<2048xi32, #tpu.memory_space<vmem>>)
      %dma_wait3A_108 = arith.constant 0 : i32
      %dma_wait3A_109 = arith.constant 0 : i32
      %dma_wait3A_110 = tpu.memref_slice %arg13[%dma_wait3A_108, %dma_wait3A_109] : memref<2x2048xf32, #tpu.memory_space<vmem>> -> memref<1x2048xf32, #tpu.memory_space<vmem>>
      %dma_wait3A_111 = tpu.memref_squeeze %dma_wait3A_110 : memref<1x2048xf32, #tpu.memory_space<vmem>> -> memref<2048xf32, #tpu.memory_space<vmem>>
      %dma_wait3A_112 = tpu.memref_slice %arg3[%add3A_99] : memref<2097152xf32, #tpu.memory_space<hbm>> -> memref<2048xf32, #tpu.memory_space<hbm>>
      %dma_wait3A_113 = arith.constant 0 : i32
      %dma_wait3A_114 = tpu.memref_slice %arg13[%dma_wait3A_108, %dma_wait3A_113] : memref<2x2048xf32, #tpu.memory_space<vmem>> -> memref<1x2048xf32, #tpu.memory_space<vmem>>
      %dma_wait3A_115 = tpu.memref_squeeze %dma_wait3A_114 : memref<1x2048xf32, #tpu.memory_space<vmem>> -> memref<2048xf32, #tpu.memory_space<vmem>>
      %dma_wait3A_116 = tpu.memref_slice %arg3[%add3A_99] : memref<2097152xf32, #tpu.memory_space<hbm>> -> memref<2048xf32, #tpu.memory_space<hbm>>
      tpu.wait_dma2 semaphore(%arg16 : memref<!tpu.dma_semaphore, #tpu.memory_space<semaphore_mem>>) src(%dma_wait3A_116 : memref<2048xf32, #tpu.memory_space<hbm>>) dst(%dma_wait3A_115 : memref<2048xf32, #tpu.memory_space<vmem>>)
      %dma_wait3A_117 = arith.constant 0 : i32
      %dma_wait3A_118 = arith.constant 0 : i32
      %dma_wait3A_119 = tpu.memref_slice %arg14[%dma_wait3A_117, %dma_wait3A_118] : memref<2x2048xf32, #tpu.memory_space<vmem>> -> memref<1x2048xf32, #tpu.memory_space<vmem>>
      %dma_wait3A_120 = tpu.memref_squeeze %dma_wait3A_119 : memref<1x2048xf32, #tpu.memory_space<vmem>> -> memref<2048xf32, #tpu.memory_space<vmem>>
      %dma_wait3A_121 = tpu.memref_slice %arg4[%add3A_99] : memref<2097152xf32, #tpu.memory_space<hbm>> -> memref<2048xf32, #tpu.memory_space<hbm>>
      %dma_wait3A_122 = arith.constant 0 : i32
      %dma_wait3A_123 = tpu.memref_slice %arg14[%dma_wait3A_117, %dma_wait3A_122] : memref<2x2048xf32, #tpu.memory_space<vmem>> -> memref<1x2048xf32, #tpu.memory_space<vmem>>
      %dma_wait3A_124 = tpu.memref_squeeze %dma_wait3A_123 : memref<1x2048xf32, #tpu.memory_space<vmem>> -> memref<2048xf32, #tpu.memory_space<vmem>>
      %dma_wait3A_125 = tpu.memref_slice %arg4[%add3A_99] : memref<2097152xf32, #tpu.memory_space<hbm>> -> memref<2048xf32, #tpu.memory_space<hbm>>
      tpu.wait_dma2 semaphore(%arg16 : memref<!tpu.dma_semaphore, #tpu.memory_space<semaphore_mem>>) src(%dma_wait3A_125 : memref<2048xf32, #tpu.memory_space<hbm>>) dst(%dma_wait3A_124 : memref<2048xf32, #tpu.memory_space<vmem>>)
      %dma_wait3A_126 = arith.constant 0 : i32
      %dma_wait3A_127 = arith.constant 0 : i32
      %dma_wait3A_128 = tpu.memref_slice %arg15[%dma_wait3A_126, %dma_wait3A_127] : memref<2x2048xi32, #tpu.memory_space<vmem>> -> memref<1x2048xi32, #tpu.memory_space<vmem>>
      %dma_wait3A_129 = tpu.memref_squeeze %dma_wait3A_128 : memref<1x2048xi32, #tpu.memory_space<vmem>> -> memref<2048xi32, #tpu.memory_space<vmem>>
      %dma_wait3A_130 = tpu.memref_slice %arg5[%add3A_99] : memref<2097152xi32, #tpu.memory_space<hbm>> -> memref<2048xi32, #tpu.memory_space<hbm>>
      %dma_wait3A_131 = arith.constant 0 : i32
      %dma_wait3A_132 = tpu.memref_slice %arg15[%dma_wait3A_126, %dma_wait3A_131] : memref<2x2048xi32, #tpu.memory_space<vmem>> -> memref<1x2048xi32, #tpu.memory_space<vmem>>
      %dma_wait3A_133 = tpu.memref_squeeze %dma_wait3A_132 : memref<1x2048xi32, #tpu.memory_space<vmem>> -> memref<2048xi32, #tpu.memory_space<vmem>>
      %dma_wait3A_134 = tpu.memref_slice %arg5[%add3A_99] : memref<2097152xi32, #tpu.memory_space<hbm>> -> memref<2048xi32, #tpu.memory_space<hbm>>
      tpu.wait_dma2 semaphore(%arg16 : memref<!tpu.dma_semaphore, #tpu.memory_space<semaphore_mem>>) src(%dma_wait3A_134 : memref<2048xi32, #tpu.memory_space<hbm>>) dst(%dma_wait3A_133 : memref<2048xi32, #tpu.memory_space<vmem>>)
      %scan3A_135 = arith.constant 0 : i32
      %scan3A_136 = arith.constant 0 : i32
      %scan3A_137 = arith.constant 64 : i32
      %scan3A_138 = arith.addi %scan3A_136, %scan3A_137 : i32
      %scan3A_139 = arith.constant 1 : i32
      scf.for %scan3A_201 = %scan3A_136 to %scan3A_138 step %scan3A_139  : i32 {
        %mul3A_202 = arith.constant 2 : i32
        %mul3A_203 = arith.muli %mul3A_202, %scan3A_201 : i32
        %mul3A_204 = arith.constant 16 : i32
        %mul3A_205 = arith.muli %mul3A_203, %mul3A_204 : i32
        %get3A = arith.constant 0 : i32
        %get3A_206 = arith.index_cast %get3A : i32 to index
        %get3A_207 = arith.index_cast %mul3A_205 : i32 to index
        %get3A_208 = tpu.vector_load %arg12[%get3A_206, %get3A_207] {strides = array<i32>} : memref<2x2048xi32, #tpu.memory_space<vmem>>, vector<16xi32>,
        %get3A_209 = arith.constant 0 : i32
        %get3A_210 = arith.index_cast %get3A_209 : i32 to index
        %get3A_211 = arith.index_cast %mul3A_205 : i32 to index
        %get3A_212 = tpu.vector_load %arg13[%get3A_210, %get3A_211] {strides = array<i32>} : memref<2x2048xf32, #tpu.memory_space<vmem>>, vector<16xf32>,
        %get3A_213 = arith.constant 0 : i32
        %get3A_214 = arith.index_cast %get3A_213 : i32 to index
        %get3A_215 = arith.index_cast %mul3A_205 : i32 to index
        %get3A_216 = tpu.vector_load %arg14[%get3A_214, %get3A_215] {strides = array<i32>} : memref<2x2048xf32, #tpu.memory_space<vmem>>, vector<16xf32>,
        %get3A_217 = arith.constant 0 : i32
        %get3A_218 = arith.index_cast %get3A_217 : i32 to index
        %get3A_219 = arith.index_cast %mul3A_205 : i32 to index
        %get3A_220 = tpu.vector_load %arg15[%get3A_218, %get3A_219] {strides = array<i32>} : memref<2x2048xi32, #tpu.memory_space<vmem>>, vector<16xi32>,
        %lt3A_221 = arith.constant 1073741824 : i32
        %lt3A_222 = vector.broadcast %lt3A_221 : i32 to vector<16xi32>
        %lt3A_223 = arith.cmpi slt, %get3A_220, %lt3A_222 : vector<16xi32>
        %swap3A = arith.constant 0 : index
        %swap3A_224 = tpu.vector_load %arg18[%swap3A] {strides = array<i32>} : memref<16xi32, #tpu.memory_space<vmem>>, vector<16xi32>,
        tpu.vector_store %arg18[%swap3A], %get3A_208 {strides = array<i32>} : memref<16xi32, #tpu.memory_space<vmem>>, vector<16xi32>,
        %sub3A = arith.constant 1 : i32
        %sub3A_225 = vector.broadcast %sub3A : i32 to vector<16xi32>
        %sub3A_226 = arith.subi %iota3A, %sub3A_225 : vector<16xi32>
        %max3A = arith.constant 0 : i32
        %max3A_227 = vector.broadcast %max3A : i32 to vector<16xi32>
        %max3A_228 = arith.maxsi %sub3A_226, %max3A_227 : vector<16xi32>
        %gather3A = tpu.vector_load_idx %arg18[%max3A_228] : memref<16xi32, #tpu.memory_space<vmem>>[vector<16xi32>], vector<16xi32>,
        %add3A_229 = arith.constant 1 : i32
        %add3A_230 = vector.broadcast %add3A_229 : i32 to vector<16xi32>
        %add3A_231 = arith.addi %iota3A, %add3A_230 : vector<16xi32>
        %min3A = arith.constant 15 : i32
        %min3A_232 = vector.broadcast %min3A : i32 to vector<16xi32>
        %min3A_233 = arith.minsi %add3A_231, %min3A_232 : vector<16xi32>
        %gather3A_234 = tpu.vector_load_idx %arg18[%min3A_233] : memref<16xi32, #tpu.memory_space<vmem>>[vector<16xi32>], vector<16xi32>,
        %eq3A = arith.constant 0 : i32
        %eq3A_235 = vector.broadcast %eq3A : i32 to vector<16xi32>
        %eq3A_236 = arith.cmpi eq, %iota3A, %eq3A_235 : vector<16xi32>
        %ne3A = arith.cmpi ne, %get3A_208, %gather3A : vector<16xi32>
        %or3A = arith.ori %eq3A_236, %ne3A : vector<16xi1>
        %eq3A_237 = arith.constant 15 : i32
        %eq3A_238 = vector.broadcast %eq3A_237 : i32 to vector<16xi32>
        %eq3A_239 = arith.cmpi eq, %iota3A, %eq3A_238 : vector<16xi32>
        %ne3A_240 = arith.cmpi ne, %get3A_208, %gather3A_234 : vector<16xi32>
        %or3A_241 = arith.ori %eq3A_239, %ne3A_240 : vector<16xi1>
        %jit3A = arith.constant 0 : i32
        %broadcast_in_dim3A_242 = vector.broadcast %jit3A : i32 to vector<16xi32>
        %select_n3A = arith.select %or3A, %iota3A, %broadcast_in_dim3A_242 : vector<16xi1>, vector<16xi32>
        %broadcast_in_dim3A_243 = arith.constant true
        %broadcast_in_dim3A_244 = vector.broadcast %broadcast_in_dim3A_243 : i1 to vector<16xi1>
        %masked_cummax3A = arith.constant -2147483648 : i32
        %masked_cummax3A_245 = vector.broadcast %masked_cummax3A : i32 to vector<16xi32>
        %masked_cummax3A_246 = arith.xori %select_n3A, %masked_cummax3A_245 : vector<16xi32>
        %masked_cummax3A_247 = tpu.scan <max>, %masked_cummax3A_246 masked %broadcast_in_dim3A_244 : vector<16xi32>, vector<16xi1> -> vector<16xi32>
        %masked_cummax3A_248 = arith.xori %masked_cummax3A_247, %masked_cummax3A_245 : vector<16xi32>
        %broadcast_in_dim3A_249 = arith.constant true
        %broadcast_in_dim3A_250 = vector.broadcast %broadcast_in_dim3A_249 : i1 to vector<16xi1>
        %masked_cumsum3A = tpu.scan <sum>, %get3A_212 masked %broadcast_in_dim3A_250 : vector<16xf32>, vector<16xi1> -> vector<16xf32>
        %broadcast_in_dim3A_251 = arith.constant true
        %broadcast_in_dim3A_252 = vector.broadcast %broadcast_in_dim3A_251 : i1 to vector<16xi1>
        %masked_cumsum3A_253 = tpu.scan <sum>, %get3A_216 masked %broadcast_in_dim3A_252 : vector<16xf32>, vector<16xi1> -> vector<16xf32>
        %convert_element_type3A_254 = arith.extui %lt3A_223 : vector<16xi1> to vector<16xi32>
        %broadcast_in_dim3A_255 = arith.constant true
        %broadcast_in_dim3A_256 = vector.broadcast %broadcast_in_dim3A_255 : i1 to vector<16xi1>
        %masked_cumsum3A_257 = tpu.scan <sum>, %convert_element_type3A_254 masked %broadcast_in_dim3A_256 : vector<16xi32>, vector<16xi1> -> vector<16xi32>
        %swap3A_258 = arith.constant 0 : index
        %swap3A_259 = tpu.vector_load %arg19[%swap3A_258] {strides = array<i32>} : memref<16xf32, #tpu.memory_space<vmem>>, vector<16xf32>,
        tpu.vector_store %arg19[%swap3A_258], %masked_cumsum3A {strides = array<i32>} : memref<16xf32, #tpu.memory_space<vmem>>, vector<16xf32>,
        %swap3A_260 = arith.constant 0 : index
        %swap3A_261 = tpu.vector_load %arg20[%swap3A_260] {strides = array<i32>} : memref<16xf32, #tpu.memory_space<vmem>>, vector<16xf32>,
        tpu.vector_store %arg20[%swap3A_260], %masked_cumsum3A_253 {strides = array<i32>} : memref<16xf32, #tpu.memory_space<vmem>>, vector<16xf32>,
        %swap3A_262 = arith.constant 0 : index
        %swap3A_263 = tpu.vector_load %arg21[%swap3A_262] {strides = array<i32>} : memref<16xi32, #tpu.memory_space<vmem>>, vector<16xi32>,
        tpu.vector_store %arg21[%swap3A_262], %masked_cumsum3A_257 {strides = array<i32>} : memref<16xi32, #tpu.memory_space<vmem>>, vector<16xi32>,
        %sub3A_264 = arith.constant 1 : i32
        %sub3A_265 = vector.broadcast %sub3A_264 : i32 to vector<16xi32>
        %sub3A_266 = arith.subi %masked_cummax3A_248, %sub3A_265 : vector<16xi32>
        %max3A_267 = arith.constant 0 : i32
        %max3A_268 = vector.broadcast %max3A_267 : i32 to vector<16xi32>
        %max3A_269 = arith.maxsi %sub3A_266, %max3A_268 : vector<16xi32>
        %gt3A = arith.constant 0 : i32
        %gt3A_270 = vector.broadcast %gt3A : i32 to vector<16xi32>
        %gt3A_271 = arith.cmpi sgt, %masked_cummax3A_248, %gt3A_270 : vector<16xi32>
        %gather3A_272 = tpu.vector_load_idx %arg19[%max3A_269] : memref<16xf32, #tpu.memory_space<vmem>>[vector<16xi32>], vector<16xf32>,
        %jit3A_273 = arith.constant 0.000000e+00 : f32
        %broadcast_in_dim3A_274 = vector.broadcast %jit3A_273 : f32 to vector<16xf32>
        %select_n3A_275 = arith.select %gt3A_271, %gather3A_272, %broadcast_in_dim3A_274 : vector<16xi1>, vector<16xf32>
        %gt3A_276 = arith.constant 0 : i32
        %gt3A_277 = vector.broadcast %gt3A_276 : i32 to vector<16xi32>
        %gt3A_278 = arith.cmpi sgt, %masked_cummax3A_248, %gt3A_277 : vector<16xi32>
        %gather3A_279 = tpu.vector_load_idx %arg20[%max3A_269] : memref<16xf32, #tpu.memory_space<vmem>>[vector<16xi32>], vector<16xf32>,
        %jit3A_280 = arith.constant 0.000000e+00 : f32
        %broadcast_in_dim3A_281 = vector.broadcast %jit3A_280 : f32 to vector<16xf32>
        %select_n3A_282 = arith.select %gt3A_278, %gather3A_279, %broadcast_in_dim3A_281 : vector<16xi1>, vector<16xf32>
        %gt3A_283 = arith.constant 0 : i32
        %gt3A_284 = vector.broadcast %gt3A_283 : i32 to vector<16xi32>
        %gt3A_285 = arith.cmpi sgt, %masked_cummax3A_248, %gt3A_284 : vector<16xi32>
        %gather3A_286 = tpu.vector_load_idx %arg21[%max3A_269] : memref<16xi32, #tpu.memory_space<vmem>>[vector<16xi32>], vector<16xi32>,
        %jit3A_287 = arith.constant 0 : i32
        %broadcast_in_dim3A_288 = vector.broadcast %jit3A_287 : i32 to vector<16xi32>
        %select_n3A_289 = arith.select %gt3A_285, %gather3A_286, %broadcast_in_dim3A_288 : vector<16xi1>, vector<16xi32>
        %sub3A_290 = arith.subf %masked_cumsum3A, %select_n3A_275 : vector<16xf32>
        %sub3A_291 = arith.subf %masked_cumsum3A_253, %select_n3A_282 : vector<16xf32>
        %sub3A_292 = arith.subi %masked_cumsum3A_257, %select_n3A_289 : vector<16xi32>
        %eq3A_293 = arith.constant 1 : i32
        %eq3A_294 = vector.broadcast %eq3A_293 : i32 to vector<16xi32>
        %eq3A_295 = arith.cmpi eq, %sub3A_292, %eq3A_294 : vector<16xi32>
        %and3A = arith.andi %lt3A_223, %eq3A_295 : vector<16xi1>
        %gather3A_296 = tpu.vector_load_idx %arg9[%get3A_208] masked %or3A_241 : memref<16384xf32, #tpu.memory_space<vmem>>[vector<16xi32>], vector<16xf32>, vector<16xi1>
        %add3A_297 = arith.addf %gather3A_296, %sub3A_290 : vector<16xf32>
        tpu.vector_store_idx %arg9[%get3A_208], %add3A_297 masked %or3A_241 : memref<16384xf32, #tpu.memory_space<vmem>>[vector<16xi32>], vector<16xf32>, vector<16xi1>
        %gather3A_298 = tpu.vector_load_idx %arg10[%get3A_208] masked %or3A_241 : memref<16384xf32, #tpu.memory_space<vmem>>[vector<16xi32>], vector<16xf32>, vector<16xi1>
        %add3A_299 = arith.addf %gather3A_298, %sub3A_291 : vector<16xf32>
        tpu.vector_store_idx %arg10[%get3A_208], %add3A_299 masked %or3A_241 : memref<16384xf32, #tpu.memory_space<vmem>>[vector<16xi32>], vector<16xf32>, vector<16xi1>
        %gather3A_300 = tpu.vector_load_idx %arg11[%get3A_208] masked %and3A : memref<16384xi32, #tpu.memory_space<vmem>>[vector<16xi32>], vector<16xi32>, vector<16xi1>
        %min3A_301 = arith.minsi %gather3A_300, %get3A_220 : vector<16xi32>
        tpu.vector_store_idx %arg11[%get3A_208], %min3A_301 masked %and3A : memref<16384xi32, #tpu.memory_space<vmem>>[vector<16xi32>], vector<16xi32>, vector<16xi1>
        %mul3A_302 = arith.constant 2 : i32
        %mul3A_303 = arith.muli %mul3A_302, %scan3A_201 : i32
        %add3A_304 = arith.constant 1 : i32
        %add3A_305 = arith.addi %mul3A_303, %add3A_304 : i32
        %mul3A_306 = arith.constant 16 : i32
        %mul3A_307 = arith.muli %add3A_305, %mul3A_306 : i32
        %get3A_308 = arith.constant 0 : i32
        %get3A_309 = arith.index_cast %get3A_308 : i32 to index
        %get3A_310 = arith.index_cast %mul3A_307 : i32 to index
        %get3A_311 = tpu.vector_load %arg12[%get3A_309, %get3A_310] {strides = array<i32>} : memref<2x2048xi32, #tpu.memory_space<vmem>>, vector<16xi32>,
        %get3A_312 = arith.constant 0 : i32
        %get3A_313 = arith.index_cast %get3A_312 : i32 to index
        %get3A_314 = arith.index_cast %mul3A_307 : i32 to index
        %get3A_315 = tpu.vector_load %arg13[%get3A_313, %get3A_314] {strides = array<i32>} : memref<2x2048xf32, #tpu.memory_space<vmem>>, vector<16xf32>,
        %get3A_316 = arith.constant 0 : i32
        %get3A_317 = arith.index_cast %get3A_316 : i32 to index
        %get3A_318 = arith.index_cast %mul3A_307 : i32 to index
        %get3A_319 = tpu.vector_load %arg14[%get3A_317, %get3A_318] {strides = array<i32>} : memref<2x2048xf32, #tpu.memory_space<vmem>>, vector<16xf32>,
        %get3A_320 = arith.constant 0 : i32
        %get3A_321 = arith.index_cast %get3A_320 : i32 to index
        %get3A_322 = arith.index_cast %mul3A_307 : i32 to index
        %get3A_323 = tpu.vector_load %arg15[%get3A_321, %get3A_322] {strides = array<i32>} : memref<2x2048xi32, #tpu.memory_space<vmem>>, vector<16xi32>,
        %lt3A_324 = arith.constant 1073741824 : i32
        %lt3A_325 = vector.broadcast %lt3A_324 : i32 to vector<16xi32>
        %lt3A_326 = arith.cmpi slt, %get3A_323, %lt3A_325 : vector<16xi32>
        %swap3A_327 = arith.constant 0 : index
        %swap3A_328 = tpu.vector_load %arg18[%swap3A_327] {strides = array<i32>} : memref<16xi32, #tpu.memory_space<vmem>>, vector<16xi32>,
        tpu.vector_store %arg18[%swap3A_327], %get3A_311 {strides = array<i32>} : memref<16xi32, #tpu.memory_space<vmem>>, vector<16xi32>,
        %sub3A_329 = arith.constant 1 : i32
        %sub3A_330 = vector.broadcast %sub3A_329 : i32 to vector<16xi32>
        %sub3A_331 = arith.subi %iota3A, %sub3A_330 : vector<16xi32>
        %max3A_332 = arith.constant 0 : i32
        %max3A_333 = vector.broadcast %max3A_332 : i32 to vector<16xi32>
        %max3A_334 = arith.maxsi %sub3A_331, %max3A_333 : vector<16xi32>
        %gather3A_335 = tpu.vector_load_idx %arg18[%max3A_334] : memref<16xi32, #tpu.memory_space<vmem>>[vector<16xi32>], vector<16xi32>,
        %add3A_336 = arith.constant 1 : i32
        %add3A_337 = vector.broadcast %add3A_336 : i32 to vector<16xi32>
        %add3A_338 = arith.addi %iota3A, %add3A_337 : vector<16xi32>
        %min3A_339 = arith.constant 15 : i32
        %min3A_340 = vector.broadcast %min3A_339 : i32 to vector<16xi32>
        %min3A_341 = arith.minsi %add3A_338, %min3A_340 : vector<16xi32>
        %gather3A_342 = tpu.vector_load_idx %arg18[%min3A_341] : memref<16xi32, #tpu.memory_space<vmem>>[vector<16xi32>], vector<16xi32>,
        %eq3A_343 = arith.constant 0 : i32
        %eq3A_344 = vector.broadcast %eq3A_343 : i32 to vector<16xi32>
        %eq3A_345 = arith.cmpi eq, %iota3A, %eq3A_344 : vector<16xi32>
        %ne3A_346 = arith.cmpi ne, %get3A_311, %gather3A_335 : vector<16xi32>
        %or3A_347 = arith.ori %eq3A_345, %ne3A_346 : vector<16xi1>
        %eq3A_348 = arith.constant 15 : i32
        %eq3A_349 = vector.broadcast %eq3A_348 : i32 to vector<16xi32>
        %eq3A_350 = arith.cmpi eq, %iota3A, %eq3A_349 : vector<16xi32>
        %ne3A_351 = arith.cmpi ne, %get3A_311, %gather3A_342 : vector<16xi32>
        %or3A_352 = arith.ori %eq3A_350, %ne3A_351 : vector<16xi1>
        %jit3A_353 = arith.constant 0 : i32
        %broadcast_in_dim3A_354 = vector.broadcast %jit3A_353 : i32 to vector<16xi32>
        %select_n3A_355 = arith.select %or3A_347, %iota3A, %broadcast_in_dim3A_354 : vector<16xi1>, vector<16xi32>
        %broadcast_in_dim3A_356 = arith.constant true
        %broadcast_in_dim3A_357 = vector.broadcast %broadcast_in_dim3A_356 : i1 to vector<16xi1>
        %masked_cummax3A_358 = arith.constant -2147483648 : i32
        %masked_cummax3A_359 = vector.broadcast %masked_cummax3A_358 : i32 to vector<16xi32>
        %masked_cummax3A_360 = arith.xori %select_n3A_355, %masked_cummax3A_359 : vector<16xi32>
        %masked_cummax3A_361 = tpu.scan <max>, %masked_cummax3A_360 masked %broadcast_in_dim3A_357 : vector<16xi32>, vector<16xi1> -> vector<16xi32>
        %masked_cummax3A_362 = arith.xori %masked_cummax3A_361, %masked_cummax3A_359 : vector<16xi32>
        %broadcast_in_dim3A_363 = arith.constant true
        %broadcast_in_dim3A_364 = vector.broadcast %broadcast_in_dim3A_363 : i1 to vector<16xi1>
        %masked_cumsum3A_365 = tpu.scan <sum>, %get3A_315 masked %broadcast_in_dim3A_364 : vector<16xf32>, vector<16xi1> -> vector<16xf32>
        %broadcast_in_dim3A_366 = arith.constant true
        %broadcast_in_dim3A_367 = vector.broadcast %broadcast_in_dim3A_366 : i1 to vector<16xi1>
        %masked_cumsum3A_368 = tpu.scan <sum>, %get3A_319 masked %broadcast_in_dim3A_367 : vector<16xf32>, vector<16xi1> -> vector<16xf32>
        %convert_element_type3A_369 = arith.extui %lt3A_326 : vector<16xi1> to vector<16xi32>
        %broadcast_in_dim3A_370 = arith.constant true
        %broadcast_in_dim3A_371 = vector.broadcast %broadcast_in_dim3A_370 : i1 to vector<16xi1>
        %masked_cumsum3A_372 = tpu.scan <sum>, %convert_element_type3A_369 masked %broadcast_in_dim3A_371 : vector<16xi32>, vector<16xi1> -> vector<16xi32>
        %swap3A_373 = arith.constant 0 : index
        %swap3A_374 = tpu.vector_load %arg19[%swap3A_373] {strides = array<i32>} : memref<16xf32, #tpu.memory_space<vmem>>, vector<16xf32>,
        tpu.vector_store %arg19[%swap3A_373], %masked_cumsum3A_365 {strides = array<i32>} : memref<16xf32, #tpu.memory_space<vmem>>, vector<16xf32>,
        %swap3A_375 = arith.constant 0 : index
        %swap3A_376 = tpu.vector_load %arg20[%swap3A_375] {strides = array<i32>} : memref<16xf32, #tpu.memory_space<vmem>>, vector<16xf32>,
        tpu.vector_store %arg20[%swap3A_375], %masked_cumsum3A_368 {strides = array<i32>} : memref<16xf32, #tpu.memory_space<vmem>>, vector<16xf32>,
        %swap3A_377 = arith.constant 0 : index
        %swap3A_378 = tpu.vector_load %arg21[%swap3A_377] {strides = array<i32>} : memref<16xi32, #tpu.memory_space<vmem>>, vector<16xi32>,
        tpu.vector_store %arg21[%swap3A_377], %masked_cumsum3A_372 {strides = array<i32>} : memref<16xi32, #tpu.memory_space<vmem>>, vector<16xi32>,
        %sub3A_379 = arith.constant 1 : i32
        %sub3A_380 = vector.broadcast %sub3A_379 : i32 to vector<16xi32>
        %sub3A_381 = arith.subi %masked_cummax3A_362, %sub3A_380 : vector<16xi32>
        %max3A_382 = arith.constant 0 : i32
        %max3A_383 = vector.broadcast %max3A_382 : i32 to vector<16xi32>
        %max3A_384 = arith.maxsi %sub3A_381, %max3A_383 : vector<16xi32>
        %gt3A_385 = arith.constant 0 : i32
        %gt3A_386 = vector.broadcast %gt3A_385 : i32 to vector<16xi32>
        %gt3A_387 = arith.cmpi sgt, %masked_cummax3A_362, %gt3A_386 : vector<16xi32>
        %gather3A_388 = tpu.vector_load_idx %arg19[%max3A_384] : memref<16xf32, #tpu.memory_space<vmem>>[vector<16xi32>], vector<16xf32>,
        %jit3A_389 = arith.constant 0.000000e+00 : f32
        %broadcast_in_dim3A_390 = vector.broadcast %jit3A_389 : f32 to vector<16xf32>
        %select_n3A_391 = arith.select %gt3A_387, %gather3A_388, %broadcast_in_dim3A_390 : vector<16xi1>, vector<16xf32>
        %gt3A_392 = arith.constant 0 : i32
        %gt3A_393 = vector.broadcast %gt3A_392 : i32 to vector<16xi32>
        %gt3A_394 = arith.cmpi sgt, %masked_cummax3A_362, %gt3A_393 : vector<16xi32>
        %gather3A_395 = tpu.vector_load_idx %arg20[%max3A_384] : memref<16xf32, #tpu.memory_space<vmem>>[vector<16xi32>], vector<16xf32>,
        %jit3A_396 = arith.constant 0.000000e+00 : f32
        %broadcast_in_dim3A_397 = vector.broadcast %jit3A_396 : f32 to vector<16xf32>
        %select_n3A_398 = arith.select %gt3A_394, %gather3A_395, %broadcast_in_dim3A_397 : vector<16xi1>, vector<16xf32>
        %gt3A_399 = arith.constant 0 : i32
        %gt3A_400 = vector.broadcast %gt3A_399 : i32 to vector<16xi32>
        %gt3A_401 = arith.cmpi sgt, %masked_cummax3A_362, %gt3A_400 : vector<16xi32>
        %gather3A_402 = tpu.vector_load_idx %arg21[%max3A_384] : memref<16xi32, #tpu.memory_space<vmem>>[vector<16xi32>], vector<16xi32>,
        %jit3A_403 = arith.constant 0 : i32
        %broadcast_in_dim3A_404 = vector.broadcast %jit3A_403 : i32 to vector<16xi32>
        %select_n3A_405 = arith.select %gt3A_401, %gather3A_402, %broadcast_in_dim3A_404 : vector<16xi1>, vector<16xi32>
        %sub3A_406 = arith.subf %masked_cumsum3A_365, %select_n3A_391 : vector<16xf32>
        %sub3A_407 = arith.subf %masked_cumsum3A_368, %select_n3A_398 : vector<16xf32>
        %sub3A_408 = arith.subi %masked_cumsum3A_372, %select_n3A_405 : vector<16xi32>
        %eq3A_409 = arith.constant 1 : i32
        %eq3A_410 = vector.broadcast %eq3A_409 : i32 to vector<16xi32>
        %eq3A_411 = arith.cmpi eq, %sub3A_408, %eq3A_410 : vector<16xi32>
        %and3A_412 = arith.andi %lt3A_326, %eq3A_411 : vector<16xi1>
        %gather3A_413 = tpu.vector_load_idx %arg9[%get3A_311] masked %or3A_352 : memref<16384xf32, #tpu.memory_space<vmem>>[vector<16xi32>], vector<16xf32>, vector<16xi1>
        %add3A_414 = arith.addf %gather3A_413, %sub3A_406 : vector<16xf32>
        tpu.vector_store_idx %arg9[%get3A_311], %add3A_414 masked %or3A_352 : memref<16384xf32, #tpu.memory_space<vmem>>[vector<16xi32>], vector<16xf32>, vector<16xi1>
        %gather3A_415 = tpu.vector_load_idx %arg10[%get3A_311] masked %or3A_352 : memref<16384xf32, #tpu.memory_space<vmem>>[vector<16xi32>], vector<16xf32>, vector<16xi1>
        %add3A_416 = arith.addf %gather3A_415, %sub3A_407 : vector<16xf32>
        tpu.vector_store_idx %arg10[%get3A_311], %add3A_416 masked %or3A_352 : memref<16384xf32, #tpu.memory_space<vmem>>[vector<16xi32>], vector<16xf32>, vector<16xi1>
        %gather3A_417 = tpu.vector_load_idx %arg11[%get3A_311] masked %and3A_412 : memref<16384xi32, #tpu.memory_space<vmem>>[vector<16xi32>], vector<16xi32>, vector<16xi1>
        %min3A_418 = arith.minsi %gather3A_417, %get3A_323 : vector<16xi32>
        tpu.vector_store_idx %arg11[%get3A_311], %min3A_418 masked %and3A_412 : memref<16384xi32, #tpu.memory_space<vmem>>[vector<16xi32>], vector<16xi32>, vector<16xi1>
      }
      %scan3A_140 = arith.constant 64 : i32
      %add3A_141 = arith.constant 1 : i32
      %add3A_142 = arith.addi %scan3A_92, %add3A_141 : i32
      %lt3A = arith.constant 16 : i32
      %lt3A_143 = arith.cmpi slt, %add3A_142, %lt3A : i32
      %convert_element_type3A = arith.extui %lt3A_143 : i1 to i32
      %cond3A = arith.constant 0 : i32
      %cond3A_144 = arith.cmpi ne, %convert_element_type3A, %cond3A : i32
      scf.if %cond3A_144 {
        %add3A_201 = arith.constant 2 : i32
        %add3A_202 = arith.addi %add3A_96, %add3A_201 : i32
        %mul3A_203 = arith.constant 2048 : i32
        %mul3A_204 = arith.muli %add3A_202, %mul3A_203 : i32
        %add3A_205 = arith.addi %mul3A_2, %mul3A_204 : i32
        %dma_start3A_206 = arith.constant 0 : i32
        %dma_start3A_207 = arith.constant 0 : i32
        %dma_start3A_208 = tpu.memref_slice %arg12[%dma_start3A_206, %dma_start3A_207] : memref<2x2048xi32, #tpu.memory_space<vmem>> -> memref<1x2048xi32, #tpu.memory_space<vmem>>
        %dma_start3A_209 = tpu.memref_squeeze %dma_start3A_208 : memref<1x2048xi32, #tpu.memory_space<vmem>> -> memref<2048xi32, #tpu.memory_space<vmem>>
        %dma_start3A_210 = tpu.memref_slice %arg2[%add3A_205] : memref<2097152xi32, #tpu.memory_space<hbm>> -> memref<2048xi32, #tpu.memory_space<hbm>>
        %dma_start3A_211 = arith.constant 0 : i32
        %dma_start3A_212 = tpu.memref_slice %arg12[%dma_start3A_206, %dma_start3A_211] : memref<2x2048xi32, #tpu.memory_space<vmem>> -> memref<1x2048xi32, #tpu.memory_space<vmem>>
        %dma_start3A_213 = tpu.memref_squeeze %dma_start3A_212 : memref<1x2048xi32, #tpu.memory_space<vmem>> -> memref<2048xi32, #tpu.memory_space<vmem>>
        %dma_start3A_214 = tpu.memref_slice %arg2[%add3A_205] : memref<2097152xi32, #tpu.memory_space<hbm>> -> memref<2048xi32, #tpu.memory_space<hbm>>
        tpu.enqueue_dma source(%dma_start3A_214 : memref<2048xi32, #tpu.memory_space<hbm>>) target(%dma_start3A_213 : memref<2048xi32, #tpu.memory_space<vmem>>) target_semaphore(%arg16 : memref<!tpu.dma_semaphore, #tpu.memory_space<semaphore_mem>>)
        %dma_start3A_215 = arith.constant 0 : i32
        %dma_start3A_216 = arith.constant 0 : i32
        %dma_start3A_217 = tpu.memref_slice %arg13[%dma_start3A_215, %dma_start3A_216] : memref<2x2048xf32, #tpu.memory_space<vmem>> -> memref<1x2048xf32, #tpu.memory_space<vmem>>
        %dma_start3A_218 = tpu.memref_squeeze %dma_start3A_217 : memref<1x2048xf32, #tpu.memory_space<vmem>> -> memref<2048xf32, #tpu.memory_space<vmem>>
        %dma_start3A_219 = tpu.memref_slice %arg3[%add3A_205] : memref<2097152xf32, #tpu.memory_space<hbm>> -> memref<2048xf32, #tpu.memory_space<hbm>>
        %dma_start3A_220 = arith.constant 0 : i32
        %dma_start3A_221 = tpu.memref_slice %arg13[%dma_start3A_215, %dma_start3A_220] : memref<2x2048xf32, #tpu.memory_space<vmem>> -> memref<1x2048xf32, #tpu.memory_space<vmem>>
        %dma_start3A_222 = tpu.memref_squeeze %dma_start3A_221 : memref<1x2048xf32, #tpu.memory_space<vmem>> -> memref<2048xf32, #tpu.memory_space<vmem>>
        %dma_start3A_223 = tpu.memref_slice %arg3[%add3A_205] : memref<2097152xf32, #tpu.memory_space<hbm>> -> memref<2048xf32, #tpu.memory_space<hbm>>
        tpu.enqueue_dma source(%dma_start3A_223 : memref<2048xf32, #tpu.memory_space<hbm>>) target(%dma_start3A_222 : memref<2048xf32, #tpu.memory_space<vmem>>) target_semaphore(%arg16 : memref<!tpu.dma_semaphore, #tpu.memory_space<semaphore_mem>>)
        %dma_start3A_224 = arith.constant 0 : i32
        %dma_start3A_225 = arith.constant 0 : i32
        %dma_start3A_226 = tpu.memref_slice %arg14[%dma_start3A_224, %dma_start3A_225] : memref<2x2048xf32, #tpu.memory_space<vmem>> -> memref<1x2048xf32, #tpu.memory_space<vmem>>
        %dma_start3A_227 = tpu.memref_squeeze %dma_start3A_226 : memref<1x2048xf32, #tpu.memory_space<vmem>> -> memref<2048xf32, #tpu.memory_space<vmem>>
        %dma_start3A_228 = tpu.memref_slice %arg4[%add3A_205] : memref<2097152xf32, #tpu.memory_space<hbm>> -> memref<2048xf32, #tpu.memory_space<hbm>>
        %dma_start3A_229 = arith.constant 0 : i32
        %dma_start3A_230 = tpu.memref_slice %arg14[%dma_start3A_224, %dma_start3A_229] : memref<2x2048xf32, #tpu.memory_space<vmem>> -> memref<1x2048xf32, #tpu.memory_space<vmem>>
        %dma_start3A_231 = tpu.memref_squeeze %dma_start3A_230 : memref<1x2048xf32, #tpu.memory_space<vmem>> -> memref<2048xf32, #tpu.memory_space<vmem>>
        %dma_start3A_232 = tpu.memref_slice %arg4[%add3A_205] : memref<2097152xf32, #tpu.memory_space<hbm>> -> memref<2048xf32, #tpu.memory_space<hbm>>
        tpu.enqueue_dma source(%dma_start3A_232 : memref<2048xf32, #tpu.memory_space<hbm>>) target(%dma_start3A_231 : memref<2048xf32, #tpu.memory_space<vmem>>) target_semaphore(%arg16 : memref<!tpu.dma_semaphore, #tpu.memory_space<semaphore_mem>>)
        %dma_start3A_233 = arith.constant 0 : i32
        %dma_start3A_234 = arith.constant 0 : i32
        %dma_start3A_235 = tpu.memref_slice %arg15[%dma_start3A_233, %dma_start3A_234] : memref<2x2048xi32, #tpu.memory_space<vmem>> -> memref<1x2048xi32, #tpu.memory_space<vmem>>
        %dma_start3A_236 = tpu.memref_squeeze %dma_start3A_235 : memref<1x2048xi32, #tpu.memory_space<vmem>> -> memref<2048xi32, #tpu.memory_space<vmem>>
        %dma_start3A_237 = tpu.memref_slice %arg5[%add3A_205] : memref<2097152xi32, #tpu.memory_space<hbm>> -> memref<2048xi32, #tpu.memory_space<hbm>>
        %dma_start3A_238 = arith.constant 0 : i32
        %dma_start3A_239 = tpu.memref_slice %arg15[%dma_start3A_233, %dma_start3A_238] : memref<2x2048xi32, #tpu.memory_space<vmem>> -> memref<1x2048xi32, #tpu.memory_space<vmem>>
        %dma_start3A_240 = tpu.memref_squeeze %dma_start3A_239 : memref<1x2048xi32, #tpu.memory_space<vmem>> -> memref<2048xi32, #tpu.memory_space<vmem>>
        %dma_start3A_241 = tpu.memref_slice %arg5[%add3A_205] : memref<2097152xi32, #tpu.memory_space<hbm>> -> memref<2048xi32, #tpu.memory_space<hbm>>
        tpu.enqueue_dma source(%dma_start3A_241 : memref<2048xi32, #tpu.memory_space<hbm>>) target(%dma_start3A_240 : memref<2048xi32, #tpu.memory_space<vmem>>) target_semaphore(%arg16 : memref<!tpu.dma_semaphore, #tpu.memory_space<semaphore_mem>>)
      } else {
      }
      %mul3A_145 = arith.constant 2 : i32
      %mul3A_146 = arith.muli %mul3A_145, %scan3A_92 : i32
      %add3A_147 = arith.constant 1 : i32
      %add3A_148 = arith.addi %mul3A_146, %add3A_147 : i32
      %mul3A_149 = arith.constant 2048 : i32
      %mul3A_150 = arith.muli %add3A_148, %mul3A_149 : i32
      %add3A_151 = arith.addi %mul3A_2, %mul3A_150 : i32
      %dma_wait3A_152 = arith.constant 1 : i32
      %dma_wait3A_153 = arith.constant 0 : i32
      %dma_wait3A_154 = tpu.memref_slice %arg12[%dma_wait3A_152, %dma_wait3A_153] : memref<2x2048xi32, #tpu.memory_space<vmem>> -> memref<1x2048xi32, #tpu.memory_space<vmem>>
      %dma_wait3A_155 = tpu.memref_squeeze %dma_wait3A_154 : memref<1x2048xi32, #tpu.memory_space<vmem>> -> memref<2048xi32, #tpu.memory_space<vmem>>
      %dma_wait3A_156 = tpu.memref_slice %arg2[%add3A_151] : memref<2097152xi32, #tpu.memory_space<hbm>> -> memref<2048xi32, #tpu.memory_space<hbm>>
      %dma_wait3A_157 = arith.constant 0 : i32
      %dma_wait3A_158 = tpu.memref_slice %arg12[%dma_wait3A_152, %dma_wait3A_157] : memref<2x2048xi32, #tpu.memory_space<vmem>> -> memref<1x2048xi32, #tpu.memory_space<vmem>>
      %dma_wait3A_159 = tpu.memref_squeeze %dma_wait3A_158 : memref<1x2048xi32, #tpu.memory_space<vmem>> -> memref<2048xi32, #tpu.memory_space<vmem>>
      %dma_wait3A_160 = tpu.memref_slice %arg2[%add3A_151] : memref<2097152xi32, #tpu.memory_space<hbm>> -> memref<2048xi32, #tpu.memory_space<hbm>>
      tpu.wait_dma2 semaphore(%arg17 : memref<!tpu.dma_semaphore, #tpu.memory_space<semaphore_mem>>) src(%dma_wait3A_160 : memref<2048xi32, #tpu.memory_space<hbm>>) dst(%dma_wait3A_159 : memref<2048xi32, #tpu.memory_space<vmem>>)
      %dma_wait3A_161 = arith.constant 1 : i32
      %dma_wait3A_162 = arith.constant 0 : i32
      %dma_wait3A_163 = tpu.memref_slice %arg13[%dma_wait3A_161, %dma_wait3A_162] : memref<2x2048xf32, #tpu.memory_space<vmem>> -> memref<1x2048xf32, #tpu.memory_space<vmem>>
      %dma_wait3A_164 = tpu.memref_squeeze %dma_wait3A_163 : memref<1x2048xf32, #tpu.memory_space<vmem>> -> memref<2048xf32, #tpu.memory_space<vmem>>
      %dma_wait3A_165 = tpu.memref_slice %arg3[%add3A_151] : memref<2097152xf32, #tpu.memory_space<hbm>> -> memref<2048xf32, #tpu.memory_space<hbm>>
      %dma_wait3A_166 = arith.constant 0 : i32
      %dma_wait3A_167 = tpu.memref_slice %arg13[%dma_wait3A_161, %dma_wait3A_166] : memref<2x2048xf32, #tpu.memory_space<vmem>> -> memref<1x2048xf32, #tpu.memory_space<vmem>>
      %dma_wait3A_168 = tpu.memref_squeeze %dma_wait3A_167 : memref<1x2048xf32, #tpu.memory_space<vmem>> -> memref<2048xf32, #tpu.memory_space<vmem>>
      %dma_wait3A_169 = tpu.memref_slice %arg3[%add3A_151] : memref<2097152xf32, #tpu.memory_space<hbm>> -> memref<2048xf32, #tpu.memory_space<hbm>>
      tpu.wait_dma2 semaphore(%arg17 : memref<!tpu.dma_semaphore, #tpu.memory_space<semaphore_mem>>) src(%dma_wait3A_169 : memref<2048xf32, #tpu.memory_space<hbm>>) dst(%dma_wait3A_168 : memref<2048xf32, #tpu.memory_space<vmem>>)
      %dma_wait3A_170 = arith.constant 1 : i32
      %dma_wait3A_171 = arith.constant 0 : i32
      %dma_wait3A_172 = tpu.memref_slice %arg14[%dma_wait3A_170, %dma_wait3A_171] : memref<2x2048xf32, #tpu.memory_space<vmem>> -> memref<1x2048xf32, #tpu.memory_space<vmem>>
      %dma_wait3A_173 = tpu.memref_squeeze %dma_wait3A_172 : memref<1x2048xf32, #tpu.memory_space<vmem>> -> memref<2048xf32, #tpu.memory_space<vmem>>
      %dma_wait3A_174 = tpu.memref_slice %arg4[%add3A_151] : memref<2097152xf32, #tpu.memory_space<hbm>> -> memref<2048xf32, #tpu.memory_space<hbm>>
      %dma_wait3A_175 = arith.constant 0 : i32
      %dma_wait3A_176 = tpu.memref_slice %arg14[%dma_wait3A_170, %dma_wait3A_175] : memref<2x2048xf32, #tpu.memory_space<vmem>> -> memref<1x2048xf32, #tpu.memory_space<vmem>>
      %dma_wait3A_177 = tpu.memref_squeeze %dma_wait3A_176 : memref<1x2048xf32, #tpu.memory_space<vmem>> -> memref<2048xf32, #tpu.memory_space<vmem>>
      %dma_wait3A_178 = tpu.memref_slice %arg4[%add3A_151] : memref<2097152xf32, #tpu.memory_space<hbm>> -> memref<2048xf32, #tpu.memory_space<hbm>>
      tpu.wait_dma2 semaphore(%arg17 : memref<!tpu.dma_semaphore, #tpu.memory_space<semaphore_mem>>) src(%dma_wait3A_178 : memref<2048xf32, #tpu.memory_space<hbm>>) dst(%dma_wait3A_177 : memref<2048xf32, #tpu.memory_space<vmem>>)
      %dma_wait3A_179 = arith.constant 1 : i32
      %dma_wait3A_180 = arith.constant 0 : i32
      %dma_wait3A_181 = tpu.memref_slice %arg15[%dma_wait3A_179, %dma_wait3A_180] : memref<2x2048xi32, #tpu.memory_space<vmem>> -> memref<1x2048xi32, #tpu.memory_space<vmem>>
      %dma_wait3A_182 = tpu.memref_squeeze %dma_wait3A_181 : memref<1x2048xi32, #tpu.memory_space<vmem>> -> memref<2048xi32, #tpu.memory_space<vmem>>
      %dma_wait3A_183 = tpu.memref_slice %arg5[%add3A_151] : memref<2097152xi32, #tpu.memory_space<hbm>> -> memref<2048xi32, #tpu.memory_space<hbm>>
      %dma_wait3A_184 = arith.constant 0 : i32
      %dma_wait3A_185 = tpu.memref_slice %arg15[%dma_wait3A_179, %dma_wait3A_184] : memref<2x2048xi32, #tpu.memory_space<vmem>> -> memref<1x2048xi32, #tpu.memory_space<vmem>>
      %dma_wait3A_186 = tpu.memref_squeeze %dma_wait3A_185 : memref<1x2048xi32, #tpu.memory_space<vmem>> -> memref<2048xi32, #tpu.memory_space<vmem>>
      %dma_wait3A_187 = tpu.memref_slice %arg5[%add3A_151] : memref<2097152xi32, #tpu.memory_space<hbm>> -> memref<2048xi32, #tpu.memory_space<hbm>>
      tpu.wait_dma2 semaphore(%arg17 : memref<!tpu.dma_semaphore, #tpu.memory_space<semaphore_mem>>) src(%dma_wait3A_187 : memref<2048xi32, #tpu.memory_space<hbm>>) dst(%dma_wait3A_186 : memref<2048xi32, #tpu.memory_space<vmem>>)
      %scan3A_188 = arith.constant 0 : i32
      %scan3A_189 = arith.constant 0 : i32
      %scan3A_190 = arith.constant 64 : i32
      %scan3A_191 = arith.addi %scan3A_189, %scan3A_190 : i32
      %scan3A_192 = arith.constant 1 : i32
      scf.for %scan3A_201 = %scan3A_189 to %scan3A_191 step %scan3A_192  : i32 {
        %mul3A_202 = arith.constant 2 : i32
        %mul3A_203 = arith.muli %mul3A_202, %scan3A_201 : i32
        %mul3A_204 = arith.constant 16 : i32
        %mul3A_205 = arith.muli %mul3A_203, %mul3A_204 : i32
        %get3A = arith.constant 1 : i32
        %get3A_206 = arith.index_cast %get3A : i32 to index
        %get3A_207 = arith.index_cast %mul3A_205 : i32 to index
        %get3A_208 = tpu.vector_load %arg12[%get3A_206, %get3A_207] {strides = array<i32>} : memref<2x2048xi32, #tpu.memory_space<vmem>>, vector<16xi32>,
        %get3A_209 = arith.constant 1 : i32
        %get3A_210 = arith.index_cast %get3A_209 : i32 to index
        %get3A_211 = arith.index_cast %mul3A_205 : i32 to index
        %get3A_212 = tpu.vector_load %arg13[%get3A_210, %get3A_211] {strides = array<i32>} : memref<2x2048xf32, #tpu.memory_space<vmem>>, vector<16xf32>,
        %get3A_213 = arith.constant 1 : i32
        %get3A_214 = arith.index_cast %get3A_213 : i32 to index
        %get3A_215 = arith.index_cast %mul3A_205 : i32 to index
        %get3A_216 = tpu.vector_load %arg14[%get3A_214, %get3A_215] {strides = array<i32>} : memref<2x2048xf32, #tpu.memory_space<vmem>>, vector<16xf32>,
        %get3A_217 = arith.constant 1 : i32
        %get3A_218 = arith.index_cast %get3A_217 : i32 to index
        %get3A_219 = arith.index_cast %mul3A_205 : i32 to index
        %get3A_220 = tpu.vector_load %arg15[%get3A_218, %get3A_219] {strides = array<i32>} : memref<2x2048xi32, #tpu.memory_space<vmem>>, vector<16xi32>,
        %lt3A_221 = arith.constant 1073741824 : i32
        %lt3A_222 = vector.broadcast %lt3A_221 : i32 to vector<16xi32>
        %lt3A_223 = arith.cmpi slt, %get3A_220, %lt3A_222 : vector<16xi32>
        %swap3A = arith.constant 0 : index
        %swap3A_224 = tpu.vector_load %arg18[%swap3A] {strides = array<i32>} : memref<16xi32, #tpu.memory_space<vmem>>, vector<16xi32>,
        tpu.vector_store %arg18[%swap3A], %get3A_208 {strides = array<i32>} : memref<16xi32, #tpu.memory_space<vmem>>, vector<16xi32>,
        %sub3A = arith.constant 1 : i32
        %sub3A_225 = vector.broadcast %sub3A : i32 to vector<16xi32>
        %sub3A_226 = arith.subi %iota3A, %sub3A_225 : vector<16xi32>
        %max3A = arith.constant 0 : i32
        %max3A_227 = vector.broadcast %max3A : i32 to vector<16xi32>
        %max3A_228 = arith.maxsi %sub3A_226, %max3A_227 : vector<16xi32>
        %gather3A = tpu.vector_load_idx %arg18[%max3A_228] : memref<16xi32, #tpu.memory_space<vmem>>[vector<16xi32>], vector<16xi32>,
        %add3A_229 = arith.constant 1 : i32
        %add3A_230 = vector.broadcast %add3A_229 : i32 to vector<16xi32>
        %add3A_231 = arith.addi %iota3A, %add3A_230 : vector<16xi32>
        %min3A = arith.constant 15 : i32
        %min3A_232 = vector.broadcast %min3A : i32 to vector<16xi32>
        %min3A_233 = arith.minsi %add3A_231, %min3A_232 : vector<16xi32>
        %gather3A_234 = tpu.vector_load_idx %arg18[%min3A_233] : memref<16xi32, #tpu.memory_space<vmem>>[vector<16xi32>], vector<16xi32>,
        %eq3A = arith.constant 0 : i32
        %eq3A_235 = vector.broadcast %eq3A : i32 to vector<16xi32>
        %eq3A_236 = arith.cmpi eq, %iota3A, %eq3A_235 : vector<16xi32>
        %ne3A = arith.cmpi ne, %get3A_208, %gather3A : vector<16xi32>
        %or3A = arith.ori %eq3A_236, %ne3A : vector<16xi1>
        %eq3A_237 = arith.constant 15 : i32
        %eq3A_238 = vector.broadcast %eq3A_237 : i32 to vector<16xi32>
        %eq3A_239 = arith.cmpi eq, %iota3A, %eq3A_238 : vector<16xi32>
        %ne3A_240 = arith.cmpi ne, %get3A_208, %gather3A_234 : vector<16xi32>
        %or3A_241 = arith.ori %eq3A_239, %ne3A_240 : vector<16xi1>
        %jit3A = arith.constant 0 : i32
        %broadcast_in_dim3A_242 = vector.broadcast %jit3A : i32 to vector<16xi32>
        %select_n3A = arith.select %or3A, %iota3A, %broadcast_in_dim3A_242 : vector<16xi1>, vector<16xi32>
        %broadcast_in_dim3A_243 = arith.constant true
        %broadcast_in_dim3A_244 = vector.broadcast %broadcast_in_dim3A_243 : i1 to vector<16xi1>
        %masked_cummax3A = arith.constant -2147483648 : i32
        %masked_cummax3A_245 = vector.broadcast %masked_cummax3A : i32 to vector<16xi32>
        %masked_cummax3A_246 = arith.xori %select_n3A, %masked_cummax3A_245 : vector<16xi32>
        %masked_cummax3A_247 = tpu.scan <max>, %masked_cummax3A_246 masked %broadcast_in_dim3A_244 : vector<16xi32>, vector<16xi1> -> vector<16xi32>
        %masked_cummax3A_248 = arith.xori %masked_cummax3A_247, %masked_cummax3A_245 : vector<16xi32>
        %broadcast_in_dim3A_249 = arith.constant true
        %broadcast_in_dim3A_250 = vector.broadcast %broadcast_in_dim3A_249 : i1 to vector<16xi1>
        %masked_cumsum3A = tpu.scan <sum>, %get3A_212 masked %broadcast_in_dim3A_250 : vector<16xf32>, vector<16xi1> -> vector<16xf32>
        %broadcast_in_dim3A_251 = arith.constant true
        %broadcast_in_dim3A_252 = vector.broadcast %broadcast_in_dim3A_251 : i1 to vector<16xi1>
        %masked_cumsum3A_253 = tpu.scan <sum>, %get3A_216 masked %broadcast_in_dim3A_252 : vector<16xf32>, vector<16xi1> -> vector<16xf32>
        %convert_element_type3A_254 = arith.extui %lt3A_223 : vector<16xi1> to vector<16xi32>
        %broadcast_in_dim3A_255 = arith.constant true
        %broadcast_in_dim3A_256 = vector.broadcast %broadcast_in_dim3A_255 : i1 to vector<16xi1>
        %masked_cumsum3A_257 = tpu.scan <sum>, %convert_element_type3A_254 masked %broadcast_in_dim3A_256 : vector<16xi32>, vector<16xi1> -> vector<16xi32>
        %swap3A_258 = arith.constant 0 : index
        %swap3A_259 = tpu.vector_load %arg19[%swap3A_258] {strides = array<i32>} : memref<16xf32, #tpu.memory_space<vmem>>, vector<16xf32>,
        tpu.vector_store %arg19[%swap3A_258], %masked_cumsum3A {strides = array<i32>} : memref<16xf32, #tpu.memory_space<vmem>>, vector<16xf32>,
        %swap3A_260 = arith.constant 0 : index
        %swap3A_261 = tpu.vector_load %arg20[%swap3A_260] {strides = array<i32>} : memref<16xf32, #tpu.memory_space<vmem>>, vector<16xf32>,
        tpu.vector_store %arg20[%swap3A_260], %masked_cumsum3A_253 {strides = array<i32>} : memref<16xf32, #tpu.memory_space<vmem>>, vector<16xf32>,
        %swap3A_262 = arith.constant 0 : index
        %swap3A_263 = tpu.vector_load %arg21[%swap3A_262] {strides = array<i32>} : memref<16xi32, #tpu.memory_space<vmem>>, vector<16xi32>,
        tpu.vector_store %arg21[%swap3A_262], %masked_cumsum3A_257 {strides = array<i32>} : memref<16xi32, #tpu.memory_space<vmem>>, vector<16xi32>,
        %sub3A_264 = arith.constant 1 : i32
        %sub3A_265 = vector.broadcast %sub3A_264 : i32 to vector<16xi32>
        %sub3A_266 = arith.subi %masked_cummax3A_248, %sub3A_265 : vector<16xi32>
        %max3A_267 = arith.constant 0 : i32
        %max3A_268 = vector.broadcast %max3A_267 : i32 to vector<16xi32>
        %max3A_269 = arith.maxsi %sub3A_266, %max3A_268 : vector<16xi32>
        %gt3A = arith.constant 0 : i32
        %gt3A_270 = vector.broadcast %gt3A : i32 to vector<16xi32>
        %gt3A_271 = arith.cmpi sgt, %masked_cummax3A_248, %gt3A_270 : vector<16xi32>
        %gather3A_272 = tpu.vector_load_idx %arg19[%max3A_269] : memref<16xf32, #tpu.memory_space<vmem>>[vector<16xi32>], vector<16xf32>,
        %jit3A_273 = arith.constant 0.000000e+00 : f32
        %broadcast_in_dim3A_274 = vector.broadcast %jit3A_273 : f32 to vector<16xf32>
        %select_n3A_275 = arith.select %gt3A_271, %gather3A_272, %broadcast_in_dim3A_274 : vector<16xi1>, vector<16xf32>
        %gt3A_276 = arith.constant 0 : i32
        %gt3A_277 = vector.broadcast %gt3A_276 : i32 to vector<16xi32>
        %gt3A_278 = arith.cmpi sgt, %masked_cummax3A_248, %gt3A_277 : vector<16xi32>
        %gather3A_279 = tpu.vector_load_idx %arg20[%max3A_269] : memref<16xf32, #tpu.memory_space<vmem>>[vector<16xi32>], vector<16xf32>,
        %jit3A_280 = arith.constant 0.000000e+00 : f32
        %broadcast_in_dim3A_281 = vector.broadcast %jit3A_280 : f32 to vector<16xf32>
        %select_n3A_282 = arith.select %gt3A_278, %gather3A_279, %broadcast_in_dim3A_281 : vector<16xi1>, vector<16xf32>
        %gt3A_283 = arith.constant 0 : i32
        %gt3A_284 = vector.broadcast %gt3A_283 : i32 to vector<16xi32>
        %gt3A_285 = arith.cmpi sgt, %masked_cummax3A_248, %gt3A_284 : vector<16xi32>
        %gather3A_286 = tpu.vector_load_idx %arg21[%max3A_269] : memref<16xi32, #tpu.memory_space<vmem>>[vector<16xi32>], vector<16xi32>,
        %jit3A_287 = arith.constant 0 : i32
        %broadcast_in_dim3A_288 = vector.broadcast %jit3A_287 : i32 to vector<16xi32>
        %select_n3A_289 = arith.select %gt3A_285, %gather3A_286, %broadcast_in_dim3A_288 : vector<16xi1>, vector<16xi32>
        %sub3A_290 = arith.subf %masked_cumsum3A, %select_n3A_275 : vector<16xf32>
        %sub3A_291 = arith.subf %masked_cumsum3A_253, %select_n3A_282 : vector<16xf32>
        %sub3A_292 = arith.subi %masked_cumsum3A_257, %select_n3A_289 : vector<16xi32>
        %eq3A_293 = arith.constant 1 : i32
        %eq3A_294 = vector.broadcast %eq3A_293 : i32 to vector<16xi32>
        %eq3A_295 = arith.cmpi eq, %sub3A_292, %eq3A_294 : vector<16xi32>
        %and3A = arith.andi %lt3A_223, %eq3A_295 : vector<16xi1>
        %gather3A_296 = tpu.vector_load_idx %arg9[%get3A_208] masked %or3A_241 : memref<16384xf32, #tpu.memory_space<vmem>>[vector<16xi32>], vector<16xf32>, vector<16xi1>
        %add3A_297 = arith.addf %gather3A_296, %sub3A_290 : vector<16xf32>
        tpu.vector_store_idx %arg9[%get3A_208], %add3A_297 masked %or3A_241 : memref<16384xf32, #tpu.memory_space<vmem>>[vector<16xi32>], vector<16xf32>, vector<16xi1>
        %gather3A_298 = tpu.vector_load_idx %arg10[%get3A_208] masked %or3A_241 : memref<16384xf32, #tpu.memory_space<vmem>>[vector<16xi32>], vector<16xf32>, vector<16xi1>
        %add3A_299 = arith.addf %gather3A_298, %sub3A_291 : vector<16xf32>
        tpu.vector_store_idx %arg10[%get3A_208], %add3A_299 masked %or3A_241 : memref<16384xf32, #tpu.memory_space<vmem>>[vector<16xi32>], vector<16xf32>, vector<16xi1>
        %gather3A_300 = tpu.vector_load_idx %arg11[%get3A_208] masked %and3A : memref<16384xi32, #tpu.memory_space<vmem>>[vector<16xi32>], vector<16xi32>, vector<16xi1>
        %min3A_301 = arith.minsi %gather3A_300, %get3A_220 : vector<16xi32>
        tpu.vector_store_idx %arg11[%get3A_208], %min3A_301 masked %and3A : memref<16384xi32, #tpu.memory_space<vmem>>[vector<16xi32>], vector<16xi32>, vector<16xi1>
        %mul3A_302 = arith.constant 2 : i32
        %mul3A_303 = arith.muli %mul3A_302, %scan3A_201 : i32
        %add3A_304 = arith.constant 1 : i32
        %add3A_305 = arith.addi %mul3A_303, %add3A_304 : i32
        %mul3A_306 = arith.constant 16 : i32
        %mul3A_307 = arith.muli %add3A_305, %mul3A_306 : i32
        %get3A_308 = arith.constant 1 : i32
        %get3A_309 = arith.index_cast %get3A_308 : i32 to index
        %get3A_310 = arith.index_cast %mul3A_307 : i32 to index
        %get3A_311 = tpu.vector_load %arg12[%get3A_309, %get3A_310] {strides = array<i32>} : memref<2x2048xi32, #tpu.memory_space<vmem>>, vector<16xi32>,
        %get3A_312 = arith.constant 1 : i32
        %get3A_313 = arith.index_cast %get3A_312 : i32 to index
        %get3A_314 = arith.index_cast %mul3A_307 : i32 to index
        %get3A_315 = tpu.vector_load %arg13[%get3A_313, %get3A_314] {strides = array<i32>} : memref<2x2048xf32, #tpu.memory_space<vmem>>, vector<16xf32>,
        %get3A_316 = arith.constant 1 : i32
        %get3A_317 = arith.index_cast %get3A_316 : i32 to index
        %get3A_318 = arith.index_cast %mul3A_307 : i32 to index
        %get3A_319 = tpu.vector_load %arg14[%get3A_317, %get3A_318] {strides = array<i32>} : memref<2x2048xf32, #tpu.memory_space<vmem>>, vector<16xf32>,
        %get3A_320 = arith.constant 1 : i32
        %get3A_321 = arith.index_cast %get3A_320 : i32 to index
        %get3A_322 = arith.index_cast %mul3A_307 : i32 to index
        %get3A_323 = tpu.vector_load %arg15[%get3A_321, %get3A_322] {strides = array<i32>} : memref<2x2048xi32, #tpu.memory_space<vmem>>, vector<16xi32>,
        %lt3A_324 = arith.constant 1073741824 : i32
        %lt3A_325 = vector.broadcast %lt3A_324 : i32 to vector<16xi32>
        %lt3A_326 = arith.cmpi slt, %get3A_323, %lt3A_325 : vector<16xi32>
        %swap3A_327 = arith.constant 0 : index
        %swap3A_328 = tpu.vector_load %arg18[%swap3A_327] {strides = array<i32>} : memref<16xi32, #tpu.memory_space<vmem>>, vector<16xi32>,
        tpu.vector_store %arg18[%swap3A_327], %get3A_311 {strides = array<i32>} : memref<16xi32, #tpu.memory_space<vmem>>, vector<16xi32>,
        %sub3A_329 = arith.constant 1 : i32
        %sub3A_330 = vector.broadcast %sub3A_329 : i32 to vector<16xi32>
        %sub3A_331 = arith.subi %iota3A, %sub3A_330 : vector<16xi32>
        %max3A_332 = arith.constant 0 : i32
        %max3A_333 = vector.broadcast %max3A_332 : i32 to vector<16xi32>
        %max3A_334 = arith.maxsi %sub3A_331, %max3A_333 : vector<16xi32>
        %gather3A_335 = tpu.vector_load_idx %arg18[%max3A_334] : memref<16xi32, #tpu.memory_space<vmem>>[vector<16xi32>], vector<16xi32>,
        %add3A_336 = arith.constant 1 : i32
        %add3A_337 = vector.broadcast %add3A_336 : i32 to vector<16xi32>
        %add3A_338 = arith.addi %iota3A, %add3A_337 : vector<16xi32>
        %min3A_339 = arith.constant 15 : i32
        %min3A_340 = vector.broadcast %min3A_339 : i32 to vector<16xi32>
        %min3A_341 = arith.minsi %add3A_338, %min3A_340 : vector<16xi32>
        %gather3A_342 = tpu.vector_load_idx %arg18[%min3A_341] : memref<16xi32, #tpu.memory_space<vmem>>[vector<16xi32>], vector<16xi32>,
        %eq3A_343 = arith.constant 0 : i32
        %eq3A_344 = vector.broadcast %eq3A_343 : i32 to vector<16xi32>
        %eq3A_345 = arith.cmpi eq, %iota3A, %eq3A_344 : vector<16xi32>
        %ne3A_346 = arith.cmpi ne, %get3A_311, %gather3A_335 : vector<16xi32>
        %or3A_347 = arith.ori %eq3A_345, %ne3A_346 : vector<16xi1>
        %eq3A_348 = arith.constant 15 : i32
        %eq3A_349 = vector.broadcast %eq3A_348 : i32 to vector<16xi32>
        %eq3A_350 = arith.cmpi eq, %iota3A, %eq3A_349 : vector<16xi32>
        %ne3A_351 = arith.cmpi ne, %get3A_311, %gather3A_342 : vector<16xi32>
        %or3A_352 = arith.ori %eq3A_350, %ne3A_351 : vector<16xi1>
        %jit3A_353 = arith.constant 0 : i32
        %broadcast_in_dim3A_354 = vector.broadcast %jit3A_353 : i32 to vector<16xi32>
        %select_n3A_355 = arith.select %or3A_347, %iota3A, %broadcast_in_dim3A_354 : vector<16xi1>, vector<16xi32>
        %broadcast_in_dim3A_356 = arith.constant true
        %broadcast_in_dim3A_357 = vector.broadcast %broadcast_in_dim3A_356 : i1 to vector<16xi1>
        %masked_cummax3A_358 = arith.constant -2147483648 : i32
        %masked_cummax3A_359 = vector.broadcast %masked_cummax3A_358 : i32 to vector<16xi32>
        %masked_cummax3A_360 = arith.xori %select_n3A_355, %masked_cummax3A_359 : vector<16xi32>
        %masked_cummax3A_361 = tpu.scan <max>, %masked_cummax3A_360 masked %broadcast_in_dim3A_357 : vector<16xi32>, vector<16xi1> -> vector<16xi32>
        %masked_cummax3A_362 = arith.xori %masked_cummax3A_361, %masked_cummax3A_359 : vector<16xi32>
        %broadcast_in_dim3A_363 = arith.constant true
        %broadcast_in_dim3A_364 = vector.broadcast %broadcast_in_dim3A_363 : i1 to vector<16xi1>
        %masked_cumsum3A_365 = tpu.scan <sum>, %get3A_315 masked %broadcast_in_dim3A_364 : vector<16xf32>, vector<16xi1> -> vector<16xf32>
        %broadcast_in_dim3A_366 = arith.constant true
        %broadcast_in_dim3A_367 = vector.broadcast %broadcast_in_dim3A_366 : i1 to vector<16xi1>
        %masked_cumsum3A_368 = tpu.scan <sum>, %get3A_319 masked %broadcast_in_dim3A_367 : vector<16xf32>, vector<16xi1> -> vector<16xf32>
        %convert_element_type3A_369 = arith.extui %lt3A_326 : vector<16xi1> to vector<16xi32>
        %broadcast_in_dim3A_370 = arith.constant true
        %broadcast_in_dim3A_371 = vector.broadcast %broadcast_in_dim3A_370 : i1 to vector<16xi1>
        %masked_cumsum3A_372 = tpu.scan <sum>, %convert_element_type3A_369 masked %broadcast_in_dim3A_371 : vector<16xi32>, vector<16xi1> -> vector<16xi32>
        %swap3A_373 = arith.constant 0 : index
        %swap3A_374 = tpu.vector_load %arg19[%swap3A_373] {strides = array<i32>} : memref<16xf32, #tpu.memory_space<vmem>>, vector<16xf32>,
        tpu.vector_store %arg19[%swap3A_373], %masked_cumsum3A_365 {strides = array<i32>} : memref<16xf32, #tpu.memory_space<vmem>>, vector<16xf32>,
        %swap3A_375 = arith.constant 0 : index
        %swap3A_376 = tpu.vector_load %arg20[%swap3A_375] {strides = array<i32>} : memref<16xf32, #tpu.memory_space<vmem>>, vector<16xf32>,
        tpu.vector_store %arg20[%swap3A_375], %masked_cumsum3A_368 {strides = array<i32>} : memref<16xf32, #tpu.memory_space<vmem>>, vector<16xf32>,
        %swap3A_377 = arith.constant 0 : index
        %swap3A_378 = tpu.vector_load %arg21[%swap3A_377] {strides = array<i32>} : memref<16xi32, #tpu.memory_space<vmem>>, vector<16xi32>,
        tpu.vector_store %arg21[%swap3A_377], %masked_cumsum3A_372 {strides = array<i32>} : memref<16xi32, #tpu.memory_space<vmem>>, vector<16xi32>,
        %sub3A_379 = arith.constant 1 : i32
        %sub3A_380 = vector.broadcast %sub3A_379 : i32 to vector<16xi32>
        %sub3A_381 = arith.subi %masked_cummax3A_362, %sub3A_380 : vector<16xi32>
        %max3A_382 = arith.constant 0 : i32
        %max3A_383 = vector.broadcast %max3A_382 : i32 to vector<16xi32>
        %max3A_384 = arith.maxsi %sub3A_381, %max3A_383 : vector<16xi32>
        %gt3A_385 = arith.constant 0 : i32
        %gt3A_386 = vector.broadcast %gt3A_385 : i32 to vector<16xi32>
        %gt3A_387 = arith.cmpi sgt, %masked_cummax3A_362, %gt3A_386 : vector<16xi32>
        %gather3A_388 = tpu.vector_load_idx %arg19[%max3A_384] : memref<16xf32, #tpu.memory_space<vmem>>[vector<16xi32>], vector<16xf32>,
        %jit3A_389 = arith.constant 0.000000e+00 : f32
        %broadcast_in_dim3A_390 = vector.broadcast %jit3A_389 : f32 to vector<16xf32>
        %select_n3A_391 = arith.select %gt3A_387, %gather3A_388, %broadcast_in_dim3A_390 : vector<16xi1>, vector<16xf32>
        %gt3A_392 = arith.constant 0 : i32
        %gt3A_393 = vector.broadcast %gt3A_392 : i32 to vector<16xi32>
        %gt3A_394 = arith.cmpi sgt, %masked_cummax3A_362, %gt3A_393 : vector<16xi32>
        %gather3A_395 = tpu.vector_load_idx %arg20[%max3A_384] : memref<16xf32, #tpu.memory_space<vmem>>[vector<16xi32>], vector<16xf32>,
        %jit3A_396 = arith.constant 0.000000e+00 : f32
        %broadcast_in_dim3A_397 = vector.broadcast %jit3A_396 : f32 to vector<16xf32>
        %select_n3A_398 = arith.select %gt3A_394, %gather3A_395, %broadcast_in_dim3A_397 : vector<16xi1>, vector<16xf32>
        %gt3A_399 = arith.constant 0 : i32
        %gt3A_400 = vector.broadcast %gt3A_399 : i32 to vector<16xi32>
        %gt3A_401 = arith.cmpi sgt, %masked_cummax3A_362, %gt3A_400 : vector<16xi32>
        %gather3A_402 = tpu.vector_load_idx %arg21[%max3A_384] : memref<16xi32, #tpu.memory_space<vmem>>[vector<16xi32>], vector<16xi32>,
        %jit3A_403 = arith.constant 0 : i32
        %broadcast_in_dim3A_404 = vector.broadcast %jit3A_403 : i32 to vector<16xi32>
        %select_n3A_405 = arith.select %gt3A_401, %gather3A_402, %broadcast_in_dim3A_404 : vector<16xi1>, vector<16xi32>
        %sub3A_406 = arith.subf %masked_cumsum3A_365, %select_n3A_391 : vector<16xf32>
        %sub3A_407 = arith.subf %masked_cumsum3A_368, %select_n3A_398 : vector<16xf32>
        %sub3A_408 = arith.subi %masked_cumsum3A_372, %select_n3A_405 : vector<16xi32>
        %eq3A_409 = arith.constant 1 : i32
        %eq3A_410 = vector.broadcast %eq3A_409 : i32 to vector<16xi32>
        %eq3A_411 = arith.cmpi eq, %sub3A_408, %eq3A_410 : vector<16xi32>
        %and3A_412 = arith.andi %lt3A_326, %eq3A_411 : vector<16xi1>
        %gather3A_413 = tpu.vector_load_idx %arg9[%get3A_311] masked %or3A_352 : memref<16384xf32, #tpu.memory_space<vmem>>[vector<16xi32>], vector<16xf32>, vector<16xi1>
        %add3A_414 = arith.addf %gather3A_413, %sub3A_406 : vector<16xf32>
        tpu.vector_store_idx %arg9[%get3A_311], %add3A_414 masked %or3A_352 : memref<16384xf32, #tpu.memory_space<vmem>>[vector<16xi32>], vector<16xf32>, vector<16xi1>
        %gather3A_415 = tpu.vector_load_idx %arg10[%get3A_311] masked %or3A_352 : memref<16384xf32, #tpu.memory_space<vmem>>[vector<16xi32>], vector<16xf32>, vector<16xi1>
        %add3A_416 = arith.addf %gather3A_415, %sub3A_407 : vector<16xf32>
        tpu.vector_store_idx %arg10[%get3A_311], %add3A_416 masked %or3A_352 : memref<16384xf32, #tpu.memory_space<vmem>>[vector<16xi32>], vector<16xf32>, vector<16xi1>
        %gather3A_417 = tpu.vector_load_idx %arg11[%get3A_311] masked %and3A_412 : memref<16384xi32, #tpu.memory_space<vmem>>[vector<16xi32>], vector<16xi32>, vector<16xi1>
        %min3A_418 = arith.minsi %gather3A_417, %get3A_323 : vector<16xi32>
        tpu.vector_store_idx %arg11[%get3A_311], %min3A_418 masked %and3A_412 : memref<16384xi32, #tpu.memory_space<vmem>>[vector<16xi32>], vector<16xi32>, vector<16xi1>
      }
      %scan3A_193 = arith.constant 64 : i32
      %add3A_194 = arith.constant 1 : i32
      %add3A_195 = arith.addi %scan3A_92, %add3A_194 : i32
      %lt3A_196 = arith.constant 16 : i32
      %lt3A_197 = arith.cmpi slt, %add3A_195, %lt3A_196 : i32
      %convert_element_type3A_198 = arith.extui %lt3A_197 : i1 to i32
      %cond3A_199 = arith.constant 0 : i32
      %cond3A_200 = arith.cmpi ne, %convert_element_type3A_198, %cond3A_199 : i32
      scf.if %cond3A_200 {
        %add3A_201 = arith.constant 2 : i32
        %add3A_202 = arith.addi %add3A_148, %add3A_201 : i32
        %mul3A_203 = arith.constant 2048 : i32
        %mul3A_204 = arith.muli %add3A_202, %mul3A_203 : i32
        %add3A_205 = arith.addi %mul3A_2, %mul3A_204 : i32
        %dma_start3A_206 = arith.constant 1 : i32
        %dma_start3A_207 = arith.constant 0 : i32
        %dma_start3A_208 = tpu.memref_slice %arg12[%dma_start3A_206, %dma_start3A_207] : memref<2x2048xi32, #tpu.memory_space<vmem>> -> memref<1x2048xi32, #tpu.memory_space<vmem>>
        %dma_start3A_209 = tpu.memref_squeeze %dma_start3A_208 : memref<1x2048xi32, #tpu.memory_space<vmem>> -> memref<2048xi32, #tpu.memory_space<vmem>>
        %dma_start3A_210 = tpu.memref_slice %arg2[%add3A_205] : memref<2097152xi32, #tpu.memory_space<hbm>> -> memref<2048xi32, #tpu.memory_space<hbm>>
        %dma_start3A_211 = arith.constant 0 : i32
        %dma_start3A_212 = tpu.memref_slice %arg12[%dma_start3A_206, %dma_start3A_211] : memref<2x2048xi32, #tpu.memory_space<vmem>> -> memref<1x2048xi32, #tpu.memory_space<vmem>>
        %dma_start3A_213 = tpu.memref_squeeze %dma_start3A_212 : memref<1x2048xi32, #tpu.memory_space<vmem>> -> memref<2048xi32, #tpu.memory_space<vmem>>
        %dma_start3A_214 = tpu.memref_slice %arg2[%add3A_205] : memref<2097152xi32, #tpu.memory_space<hbm>> -> memref<2048xi32, #tpu.memory_space<hbm>>
        tpu.enqueue_dma source(%dma_start3A_214 : memref<2048xi32, #tpu.memory_space<hbm>>) target(%dma_start3A_213 : memref<2048xi32, #tpu.memory_space<vmem>>) target_semaphore(%arg17 : memref<!tpu.dma_semaphore, #tpu.memory_space<semaphore_mem>>)
        %dma_start3A_215 = arith.constant 1 : i32
        %dma_start3A_216 = arith.constant 0 : i32
        %dma_start3A_217 = tpu.memref_slice %arg13[%dma_start3A_215, %dma_start3A_216] : memref<2x2048xf32, #tpu.memory_space<vmem>> -> memref<1x2048xf32, #tpu.memory_space<vmem>>
        %dma_start3A_218 = tpu.memref_squeeze %dma_start3A_217 : memref<1x2048xf32, #tpu.memory_space<vmem>> -> memref<2048xf32, #tpu.memory_space<vmem>>
        %dma_start3A_219 = tpu.memref_slice %arg3[%add3A_205] : memref<2097152xf32, #tpu.memory_space<hbm>> -> memref<2048xf32, #tpu.memory_space<hbm>>
        %dma_start3A_220 = arith.constant 0 : i32
        %dma_start3A_221 = tpu.memref_slice %arg13[%dma_start3A_215, %dma_start3A_220] : memref<2x2048xf32, #tpu.memory_space<vmem>> -> memref<1x2048xf32, #tpu.memory_space<vmem>>
        %dma_start3A_222 = tpu.memref_squeeze %dma_start3A_221 : memref<1x2048xf32, #tpu.memory_space<vmem>> -> memref<2048xf32, #tpu.memory_space<vmem>>
        %dma_start3A_223 = tpu.memref_slice %arg3[%add3A_205] : memref<2097152xf32, #tpu.memory_space<hbm>> -> memref<2048xf32, #tpu.memory_space<hbm>>
        tpu.enqueue_dma source(%dma_start3A_223 : memref<2048xf32, #tpu.memory_space<hbm>>) target(%dma_start3A_222 : memref<2048xf32, #tpu.memory_space<vmem>>) target_semaphore(%arg17 : memref<!tpu.dma_semaphore, #tpu.memory_space<semaphore_mem>>)
        %dma_start3A_224 = arith.constant 1 : i32
        %dma_start3A_225 = arith.constant 0 : i32
        %dma_start3A_226 = tpu.memref_slice %arg14[%dma_start3A_224, %dma_start3A_225] : memref<2x2048xf32, #tpu.memory_space<vmem>> -> memref<1x2048xf32, #tpu.memory_space<vmem>>
        %dma_start3A_227 = tpu.memref_squeeze %dma_start3A_226 : memref<1x2048xf32, #tpu.memory_space<vmem>> -> memref<2048xf32, #tpu.memory_space<vmem>>
        %dma_start3A_228 = tpu.memref_slice %arg4[%add3A_205] : memref<2097152xf32, #tpu.memory_space<hbm>> -> memref<2048xf32, #tpu.memory_space<hbm>>
        %dma_start3A_229 = arith.constant 0 : i32
        %dma_start3A_230 = tpu.memref_slice %arg14[%dma_start3A_224, %dma_start3A_229] : memref<2x2048xf32, #tpu.memory_space<vmem>> -> memref<1x2048xf32, #tpu.memory_space<vmem>>
        %dma_start3A_231 = tpu.memref_squeeze %dma_start3A_230 : memref<1x2048xf32, #tpu.memory_space<vmem>> -> memref<2048xf32, #tpu.memory_space<vmem>>
        %dma_start3A_232 = tpu.memref_slice %arg4[%add3A_205] : memref<2097152xf32, #tpu.memory_space<hbm>> -> memref<2048xf32, #tpu.memory_space<hbm>>
        tpu.enqueue_dma source(%dma_start3A_232 : memref<2048xf32, #tpu.memory_space<hbm>>) target(%dma_start3A_231 : memref<2048xf32, #tpu.memory_space<vmem>>) target_semaphore(%arg17 : memref<!tpu.dma_semaphore, #tpu.memory_space<semaphore_mem>>)
        %dma_start3A_233 = arith.constant 1 : i32
        %dma_start3A_234 = arith.constant 0 : i32
        %dma_start3A_235 = tpu.memref_slice %arg15[%dma_start3A_233, %dma_start3A_234] : memref<2x2048xi32, #tpu.memory_space<vmem>> -> memref<1x2048xi32, #tpu.memory_space<vmem>>
        %dma_start3A_236 = tpu.memref_squeeze %dma_start3A_235 : memref<1x2048xi32, #tpu.memory_space<vmem>> -> memref<2048xi32, #tpu.memory_space<vmem>>
        %dma_start3A_237 = tpu.memref_slice %arg5[%add3A_205] : memref<2097152xi32, #tpu.memory_space<hbm>> -> memref<2048xi32, #tpu.memory_space<hbm>>
        %dma_start3A_238 = arith.constant 0 : i32
        %dma_start3A_239 = tpu.memref_slice %arg15[%dma_start3A_233, %dma_start3A_238] : memref<2x2048xi32, #tpu.memory_space<vmem>> -> memref<1x2048xi32, #tpu.memory_space<vmem>>
        %dma_start3A_240 = tpu.memref_squeeze %dma_start3A_239 : memref<1x2048xi32, #tpu.memory_space<vmem>> -> memref<2048xi32, #tpu.memory_space<vmem>>
        %dma_start3A_241 = tpu.memref_slice %arg5[%add3A_205] : memref<2097152xi32, #tpu.memory_space<hbm>> -> memref<2048xi32, #tpu.memory_space<hbm>>
        tpu.enqueue_dma source(%dma_start3A_241 : memref<2048xi32, #tpu.memory_space<hbm>>) target(%dma_start3A_240 : memref<2048xi32, #tpu.memory_space<vmem>>) target_semaphore(%arg17 : memref<!tpu.dma_semaphore, #tpu.memory_space<semaphore_mem>>)
      } else {
      }
    }
    %scan3A_91 = arith.constant 16 : i32
    "tpu.region"() ({
      %run_scoped3A = tpu.sem_alloc : memref<!tpu.dma_semaphore, #tpu.memory_space<semaphore_mem>>
      %dma_start3A_92 = arith.constant 0 : i32
      %dma_start3A_93 = tpu.memref_slice %arg6[%add3A, %dma_start3A_92] : memref<32x16384xf32, #tpu.memory_space<hbm>> -> memref<1x16384xf32, #tpu.memory_space<hbm>>
      %dma_start3A_94 = tpu.memref_squeeze %dma_start3A_93 : memref<1x16384xf32, #tpu.memory_space<hbm>> -> memref<16384xf32, #tpu.memory_space<hbm>>
      %dma_start3A_95 = arith.constant 0 : i32
      %dma_start3A_96 = tpu.memref_slice %arg6[%add3A, %dma_start3A_95] : memref<32x16384xf32, #tpu.memory_space<hbm>> -> memref<1x16384xf32, #tpu.memory_space<hbm>>
      %dma_start3A_97 = tpu.memref_squeeze %dma_start3A_96 : memref<1x16384xf32, #tpu.memory_space<hbm>> -> memref<16384xf32, #tpu.memory_space<hbm>>
      tpu.enqueue_dma source(%arg9 : memref<16384xf32, #tpu.memory_space<vmem>>) target(%dma_start3A_97 : memref<16384xf32, #tpu.memory_space<hbm>>) target_semaphore(%run_scoped3A : memref<!tpu.dma_semaphore, #tpu.memory_space<semaphore_mem>>)
      %dma_wait3A = arith.constant 0 : i32
      %dma_wait3A_98 = tpu.memref_slice %arg6[%add3A, %dma_wait3A] : memref<32x16384xf32, #tpu.memory_space<hbm>> -> memref<1x16384xf32, #tpu.memory_space<hbm>>
      %dma_wait3A_99 = tpu.memref_squeeze %dma_wait3A_98 : memref<1x16384xf32, #tpu.memory_space<hbm>> -> memref<16384xf32, #tpu.memory_space<hbm>>
      %dma_wait3A_100 = arith.constant 0 : i32
      %dma_wait3A_101 = tpu.memref_slice %arg6[%add3A, %dma_wait3A_100] : memref<32x16384xf32, #tpu.memory_space<hbm>> -> memref<1x16384xf32, #tpu.memory_space<hbm>>
      %dma_wait3A_102 = tpu.memref_squeeze %dma_wait3A_101 : memref<1x16384xf32, #tpu.memory_space<hbm>> -> memref<16384xf32, #tpu.memory_space<hbm>>
      tpu.wait_dma2 semaphore(%run_scoped3A : memref<!tpu.dma_semaphore, #tpu.memory_space<semaphore_mem>>) src(%arg9 : memref<16384xf32, #tpu.memory_space<vmem>>) dst(%dma_wait3A_102 : memref<16384xf32, #tpu.memory_space<hbm>>)
      tpu.yield
    }) : () -> ()
    "tpu.region"() ({
      %run_scoped3A = tpu.sem_alloc : memref<!tpu.dma_semaphore, #tpu.memory_space<semaphore_mem>>
      %dma_start3A_92 = arith.constant 0 : i32
      %dma_start3A_93 = tpu.memref_slice %arg7[%add3A, %dma_start3A_92] : memref<32x16384xf32, #tpu.memory_space<hbm>> -> memref<1x16384xf32, #tpu.memory_space<hbm>>
      %dma_start3A_94 = tpu.memref_squeeze %dma_start3A_93 : memref<1x16384xf32, #tpu.memory_space<hbm>> -> memref<16384xf32, #tpu.memory_space<hbm>>
      %dma_start3A_95 = arith.constant 0 : i32
      %dma_start3A_96 = tpu.memref_slice %arg7[%add3A, %dma_start3A_95] : memref<32x16384xf32, #tpu.memory_space<hbm>> -> memref<1x16384xf32, #tpu.memory_space<hbm>>
      %dma_start3A_97 = tpu.memref_squeeze %dma_start3A_96 : memref<1x16384xf32, #tpu.memory_space<hbm>> -> memref<16384xf32, #tpu.memory_space<hbm>>
      tpu.enqueue_dma source(%arg10 : memref<16384xf32, #tpu.memory_space<vmem>>) target(%dma_start3A_97 : memref<16384xf32, #tpu.memory_space<hbm>>) target_semaphore(%run_scoped3A : memref<!tpu.dma_semaphore, #tpu.memory_space<semaphore_mem>>)
      %dma_wait3A = arith.constant 0 : i32
      %dma_wait3A_98 = tpu.memref_slice %arg7[%add3A, %dma_wait3A] : memref<32x16384xf32, #tpu.memory_space<hbm>> -> memref<1x16384xf32, #tpu.memory_space<hbm>>
      %dma_wait3A_99 = tpu.memref_squeeze %dma_wait3A_98 : memref<1x16384xf32, #tpu.memory_space<hbm>> -> memref<16384xf32, #tpu.memory_space<hbm>>
      %dma_wait3A_100 = arith.constant 0 : i32
      %dma_wait3A_101 = tpu.memref_slice %arg7[%add3A, %dma_wait3A_100] : memref<32x16384xf32, #tpu.memory_space<hbm>> -> memref<1x16384xf32, #tpu.memory_space<hbm>>
      %dma_wait3A_102 = tpu.memref_squeeze %dma_wait3A_101 : memref<1x16384xf32, #tpu.memory_space<hbm>> -> memref<16384xf32, #tpu.memory_space<hbm>>
      tpu.wait_dma2 semaphore(%run_scoped3A : memref<!tpu.dma_semaphore, #tpu.memory_space<semaphore_mem>>) src(%arg10 : memref<16384xf32, #tpu.memory_space<vmem>>) dst(%dma_wait3A_102 : memref<16384xf32, #tpu.memory_space<hbm>>)
      tpu.yield
    }) : () -> ()
    "tpu.region"() ({
      %run_scoped3A = tpu.sem_alloc : memref<!tpu.dma_semaphore, #tpu.memory_space<semaphore_mem>>
      %dma_start3A_92 = arith.constant 0 : i32
      %dma_start3A_93 = tpu.memref_slice %arg8[%add3A, %dma_start3A_92] : memref<32x16384xi32, #tpu.memory_space<hbm>> -> memref<1x16384xi32, #tpu.memory_space<hbm>>
      %dma_start3A_94 = tpu.memref_squeeze %dma_start3A_93 : memref<1x16384xi32, #tpu.memory_space<hbm>> -> memref<16384xi32, #tpu.memory_space<hbm>>
      %dma_start3A_95 = arith.constant 0 : i32
      %dma_start3A_96 = tpu.memref_slice %arg8[%add3A, %dma_start3A_95] : memref<32x16384xi32, #tpu.memory_space<hbm>> -> memref<1x16384xi32, #tpu.memory_space<hbm>>
      %dma_start3A_97 = tpu.memref_squeeze %dma_start3A_96 : memref<1x16384xi32, #tpu.memory_space<hbm>> -> memref<16384xi32, #tpu.memory_space<hbm>>
      tpu.enqueue_dma source(%arg11 : memref<16384xi32, #tpu.memory_space<vmem>>) target(%dma_start3A_97 : memref<16384xi32, #tpu.memory_space<hbm>>) target_semaphore(%run_scoped3A : memref<!tpu.dma_semaphore, #tpu.memory_space<semaphore_mem>>)
      %dma_wait3A = arith.constant 0 : i32
      %dma_wait3A_98 = tpu.memref_slice %arg8[%add3A, %dma_wait3A] : memref<32x16384xi32, #tpu.memory_space<hbm>> -> memref<1x16384xi32, #tpu.memory_space<hbm>>
      %dma_wait3A_99 = tpu.memref_squeeze %dma_wait3A_98 : memref<1x16384xi32, #tpu.memory_space<hbm>> -> memref<16384xi32, #tpu.memory_space<hbm>>
      %dma_wait3A_100 = arith.constant 0 : i32
      %dma_wait3A_101 = tpu.memref_slice %arg8[%add3A, %dma_wait3A_100] : memref<32x16384xi32, #tpu.memory_space<hbm>> -> memref<1x16384xi32, #tpu.memory_space<hbm>>
      %dma_wait3A_102 = tpu.memref_squeeze %dma_wait3A_101 : memref<1x16384xi32, #tpu.memory_space<hbm>> -> memref<16384xi32, #tpu.memory_space<hbm>>
      tpu.wait_dma2 semaphore(%run_scoped3A : memref<!tpu.dma_semaphore, #tpu.memory_space<semaphore_mem>>) src(%arg11 : memref<16384xi32, #tpu.memory_space<vmem>>) dst(%dma_wait3A_102 : memref<16384xi32, #tpu.memory_space<hbm>>)
      tpu.yield
    }) : () -> ()
    return
  }
}

module attributes {stable_mosaic.version = 14 : i64} {
  func.func @_stage0_body(%arg0: i32, %arg1: memref<1024x128xf32, #tpu.memory_space<vmem>>, %arg2: memref<1024x128xf32, #tpu.memory_space<vmem>>, %arg3: memref<1024x128xi32, #tpu.memory_space<vmem>>, %arg4: memref<1024x128xi32, #tpu.memory_space<vmem>>, %arg5: memref<8x128xi32, #tpu.memory_space<vmem>>, %arg6: memref<8x128xf32, #tpu.memory_space<vmem>>, %arg7: memref<8x128xf32, #tpu.memory_space<vmem>>, %arg8: memref<1024x128xf32, #tpu.memory_space<vmem>>, %arg9: memref<1024x128xf32, #tpu.memory_space<vmem>>, %arg10: memref<1024x128xi32, #tpu.memory_space<vmem>>) attributes {dimension_semantics = [#tpu.dimension_semantics<arbitrary>], iteration_bounds = array<i64: 16>, scalar_prefetch = 0 : i64, scratch_operands = 0 : i64, tpu.core_type = #tpu.core_type<tc>, window_params = [{transform_indices = @transform_0, window_bounds = array<i64: 1024, 128>}, {transform_indices = @transform_1, window_bounds = array<i64: 1024, 128>}, {transform_indices = @transform_2, window_bounds = array<i64: 1024, 128>}, {transform_indices = @transform_3, window_bounds = array<i64: 1024, 128>}, {pipeline_mode = #tpu.pipeline_mode<synchronous>, transform_indices = @transform_4, window_bounds = array<i64: 8, 128>}, {pipeline_mode = #tpu.pipeline_mode<synchronous>, transform_indices = @transform_5, window_bounds = array<i64: 8, 128>}, {pipeline_mode = #tpu.pipeline_mode<synchronous>, transform_indices = @transform_6, window_bounds = array<i64: 8, 128>}, {transform_indices = @transform_7, window_bounds = array<i64: 1024, 128>}, {transform_indices = @transform_8, window_bounds = array<i64: 1024, 128>}, {transform_indices = @transform_9, window_bounds = array<i64: 1024, 128>}]} {
    %get3A = arith.constant 0 : index
    %get3A_0 = arith.constant 0 : index
    %get3A_1 = vector.load %arg1[%get3A, %get3A_0] : memref<1024x128xf32, #tpu.memory_space<vmem>>, vector<1024x128xf32>
    %neg3A = arith.constant 0.000000e+00 : f32
    %neg3A_2 = vector.broadcast %neg3A : f32 to vector<1024x128xf32>
    %neg3A_3 = arith.subf %neg3A_2, %get3A_1 : vector<1024x128xf32>
    %get3A_4 = arith.constant 0 : index
    %get3A_5 = arith.constant 0 : index
    %get3A_6 = vector.load %arg2[%get3A_4, %get3A_5] : memref<1024x128xf32, #tpu.memory_space<vmem>>, vector<1024x128xf32>
    %get3A_7 = arith.constant 0 : index
    %get3A_8 = arith.constant 0 : index
    %get3A_9 = vector.load %arg3[%get3A_7, %get3A_8] : memref<1024x128xi32, #tpu.memory_space<vmem>>, vector<1024x128xi32>
    %mul3A = arith.constant 4 : i32
    %mul3A_10 = vector.broadcast %mul3A : i32 to vector<1024x128xi32>
    %mul3A_11 = arith.muli %get3A_9, %mul3A_10 : vector<1024x128xi32>
    %get3A_12 = arith.constant 0 : index
    %get3A_13 = arith.constant 0 : index
    %get3A_14 = vector.load %arg4[%get3A_12, %get3A_13] : memref<1024x128xi32, #tpu.memory_space<vmem>>, vector<1024x128xi32>
    %add3A = arith.addi %mul3A_11, %get3A_14 : vector<1024x128xi32>
    %get3A_15 = arith.constant 0 : index
    %get3A_16 = arith.constant 0 : index
    %get3A_17 = vector.load %arg5[%get3A_15, %get3A_16] : memref<8x128xi32, #tpu.memory_space<vmem>>, vector<1x1xi32>
    %get3A_18 = vector.extract %get3A_17[0, 0] : i32 from vector<1x1xi32>
    %get3A_19 = arith.constant 0 : index
    %get3A_20 = arith.constant 1 : index
    %get3A_21 = vector.load %arg5[%get3A_19, %get3A_20] : memref<8x128xi32, #tpu.memory_space<vmem>>, vector<1x1xi32>
    %get3A_22 = vector.extract %get3A_21[0, 0] : i32 from vector<1x1xi32>
    %ge3A = arith.constant 8 : i32
    %ge3A_23 = vector.broadcast %ge3A : i32 to vector<1024x128xi32>
    %ge3A_24 = arith.cmpi sge, %add3A, %ge3A_23 : vector<1024x128xi32>
    %broadcast_in_dim3A = vector.broadcast %get3A_22 : i32 to vector<1024x128xi32>
    %broadcast_in_dim3A_25 = vector.broadcast %get3A_18 : i32 to vector<1024x128xi32>
    %select_n3A = arith.select %ge3A_24, %broadcast_in_dim3A, %broadcast_in_dim3A_25 : vector<1024x128xi1>, vector<1024x128xi32>
    %and3A = arith.constant 7 : i32
    %and3A_26 = vector.broadcast %and3A : i32 to vector<1024x128xi32>
    %and3A_27 = arith.andi %add3A, %and3A_26 : vector<1024x128xi32>
    %mul3A_28 = arith.constant 4 : i32
    %mul3A_29 = vector.broadcast %mul3A_28 : i32 to vector<1024x128xi32>
    %mul3A_30 = arith.muli %and3A_27, %mul3A_29 : vector<1024x128xi32>
    %shift_right_logical3A = arith.shrui %select_n3A, %mul3A_30 : vector<1024x128xi32>
    %and3A_31 = arith.constant 15 : i32
    %and3A_32 = vector.broadcast %and3A_31 : i32 to vector<1024x128xi32>
    %and3A_33 = arith.andi %shift_right_logical3A, %and3A_32 : vector<1024x128xi32>
    %sub3A = arith.constant 1 : i32
    %sub3A_34 = vector.broadcast %sub3A : i32 to vector<1024x128xi32>
    %sub3A_35 = arith.subi %and3A_33, %sub3A_34 : vector<1024x128xi32>
    %ge3A_36 = arith.constant 0 : i32
    %ge3A_37 = vector.broadcast %ge3A_36 : i32 to vector<1024x128xi32>
    %ge3A_38 = arith.cmpi sge, %sub3A_35, %ge3A_37 : vector<1024x128xi32>
    %jit3A = arith.constant 0 : i32
    %broadcast_in_dim3A_39 = vector.broadcast %jit3A : i32 to vector<1024x128xi32>
    %select_n3A_40 = arith.select %ge3A_38, %sub3A_35, %broadcast_in_dim3A_39 : vector<1024x128xi1>, vector<1024x128xi32>
    %broadcast_in_dim3A_41 = arith.constant 0.000000e+00 : f32
    %broadcast_in_dim3A_42 = vector.broadcast %broadcast_in_dim3A_41 : f32 to vector<1024x128xf32>
    %broadcast_in_dim3A_43 = arith.constant 0.000000e+00 : f32
    %broadcast_in_dim3A_44 = vector.broadcast %broadcast_in_dim3A_43 : f32 to vector<1024x128xf32>
    %eq3A = arith.constant 0 : i32
    %eq3A_45 = vector.broadcast %eq3A : i32 to vector<1024x128xi32>
    %eq3A_46 = arith.cmpi eq, %select_n3A_40, %eq3A_45 : vector<1024x128xi32>
    %get3A_47 = arith.constant 0 : index
    %get3A_48 = arith.constant 0 : index
    %get3A_49 = vector.load %arg6[%get3A_47, %get3A_48] : memref<8x128xf32, #tpu.memory_space<vmem>>, vector<1x1xf32>
    %get3A_50 = vector.extract %get3A_49[0, 0] : f32 from vector<1x1xf32>
    %broadcast_in_dim3A_51 = vector.broadcast %get3A_50 : f32 to vector<1024x128xf32>
    %select_n3A_52 = arith.select %eq3A_46, %broadcast_in_dim3A_51, %broadcast_in_dim3A_42 : vector<1024x128xi1>, vector<1024x128xf32>
    %get3A_53 = arith.constant 0 : index
    %get3A_54 = arith.constant 0 : index
    %get3A_55 = vector.load %arg7[%get3A_53, %get3A_54] : memref<8x128xf32, #tpu.memory_space<vmem>>, vector<1x1xf32>
    %get3A_56 = vector.extract %get3A_55[0, 0] : f32 from vector<1x1xf32>
    %broadcast_in_dim3A_57 = vector.broadcast %get3A_56 : f32 to vector<1024x128xf32>
    %select_n3A_58 = arith.select %eq3A_46, %broadcast_in_dim3A_57, %broadcast_in_dim3A_44 : vector<1024x128xi1>, vector<1024x128xf32>
    %eq3A_59 = arith.constant 1 : i32
    %eq3A_60 = vector.broadcast %eq3A_59 : i32 to vector<1024x128xi32>
    %eq3A_61 = arith.cmpi eq, %select_n3A_40, %eq3A_60 : vector<1024x128xi32>
    %get3A_62 = arith.constant 0 : index
    %get3A_63 = arith.constant 1 : index
    %get3A_64 = vector.load %arg6[%get3A_62, %get3A_63] : memref<8x128xf32, #tpu.memory_space<vmem>>, vector<1x1xf32>
    %get3A_65 = vector.extract %get3A_64[0, 0] : f32 from vector<1x1xf32>
    %broadcast_in_dim3A_66 = vector.broadcast %get3A_65 : f32 to vector<1024x128xf32>
    %select_n3A_67 = arith.select %eq3A_61, %broadcast_in_dim3A_66, %select_n3A_52 : vector<1024x128xi1>, vector<1024x128xf32>
    %get3A_68 = arith.constant 0 : index
    %get3A_69 = arith.constant 1 : index
    %get3A_70 = vector.load %arg7[%get3A_68, %get3A_69] : memref<8x128xf32, #tpu.memory_space<vmem>>, vector<1x1xf32>
    %get3A_71 = vector.extract %get3A_70[0, 0] : f32 from vector<1x1xf32>
    %broadcast_in_dim3A_72 = vector.broadcast %get3A_71 : f32 to vector<1024x128xf32>
    %select_n3A_73 = arith.select %eq3A_61, %broadcast_in_dim3A_72, %select_n3A_58 : vector<1024x128xi1>, vector<1024x128xf32>
    %eq3A_74 = arith.constant 2 : i32
    %eq3A_75 = vector.broadcast %eq3A_74 : i32 to vector<1024x128xi32>
    %eq3A_76 = arith.cmpi eq, %select_n3A_40, %eq3A_75 : vector<1024x128xi32>
    %get3A_77 = arith.constant 0 : index
    %get3A_78 = arith.constant 2 : index
    %get3A_79 = vector.load %arg6[%get3A_77, %get3A_78] : memref<8x128xf32, #tpu.memory_space<vmem>>, vector<1x1xf32>
    %get3A_80 = vector.extract %get3A_79[0, 0] : f32 from vector<1x1xf32>
    %broadcast_in_dim3A_81 = vector.broadcast %get3A_80 : f32 to vector<1024x128xf32>
    %select_n3A_82 = arith.select %eq3A_76, %broadcast_in_dim3A_81, %select_n3A_67 : vector<1024x128xi1>, vector<1024x128xf32>
    %get3A_83 = arith.constant 0 : index
    %get3A_84 = arith.constant 2 : index
    %get3A_85 = vector.load %arg7[%get3A_83, %get3A_84] : memref<8x128xf32, #tpu.memory_space<vmem>>, vector<1x1xf32>
    %get3A_86 = vector.extract %get3A_85[0, 0] : f32 from vector<1x1xf32>
    %broadcast_in_dim3A_87 = vector.broadcast %get3A_86 : f32 to vector<1024x128xf32>
    %select_n3A_88 = arith.select %eq3A_76, %broadcast_in_dim3A_87, %select_n3A_73 : vector<1024x128xi1>, vector<1024x128xf32>
    %eq3A_89 = arith.constant 3 : i32
    %eq3A_90 = vector.broadcast %eq3A_89 : i32 to vector<1024x128xi32>
    %eq3A_91 = arith.cmpi eq, %select_n3A_40, %eq3A_90 : vector<1024x128xi32>
    %get3A_92 = arith.constant 0 : index
    %get3A_93 = arith.constant 3 : index
    %get3A_94 = vector.load %arg6[%get3A_92, %get3A_93] : memref<8x128xf32, #tpu.memory_space<vmem>>, vector<1x1xf32>
    %get3A_95 = vector.extract %get3A_94[0, 0] : f32 from vector<1x1xf32>
    %broadcast_in_dim3A_96 = vector.broadcast %get3A_95 : f32 to vector<1024x128xf32>
    %select_n3A_97 = arith.select %eq3A_91, %broadcast_in_dim3A_96, %select_n3A_82 : vector<1024x128xi1>, vector<1024x128xf32>
    %get3A_98 = arith.constant 0 : index
    %get3A_99 = arith.constant 3 : index
    %get3A_100 = vector.load %arg7[%get3A_98, %get3A_99] : memref<8x128xf32, #tpu.memory_space<vmem>>, vector<1x1xf32>
    %get3A_101 = vector.extract %get3A_100[0, 0] : f32 from vector<1x1xf32>
    %broadcast_in_dim3A_102 = vector.broadcast %get3A_101 : f32 to vector<1024x128xf32>
    %select_n3A_103 = arith.select %eq3A_91, %broadcast_in_dim3A_102, %select_n3A_88 : vector<1024x128xi1>, vector<1024x128xf32>
    %eq3A_104 = arith.constant 4 : i32
    %eq3A_105 = vector.broadcast %eq3A_104 : i32 to vector<1024x128xi32>
    %eq3A_106 = arith.cmpi eq, %select_n3A_40, %eq3A_105 : vector<1024x128xi32>
    %get3A_107 = arith.constant 0 : index
    %get3A_108 = arith.constant 4 : index
    %get3A_109 = vector.load %arg6[%get3A_107, %get3A_108] : memref<8x128xf32, #tpu.memory_space<vmem>>, vector<1x1xf32>
    %get3A_110 = vector.extract %get3A_109[0, 0] : f32 from vector<1x1xf32>
    %broadcast_in_dim3A_111 = vector.broadcast %get3A_110 : f32 to vector<1024x128xf32>
    %select_n3A_112 = arith.select %eq3A_106, %broadcast_in_dim3A_111, %select_n3A_97 : vector<1024x128xi1>, vector<1024x128xf32>
    %get3A_113 = arith.constant 0 : index
    %get3A_114 = arith.constant 4 : index
    %get3A_115 = vector.load %arg7[%get3A_113, %get3A_114] : memref<8x128xf32, #tpu.memory_space<vmem>>, vector<1x1xf32>
    %get3A_116 = vector.extract %get3A_115[0, 0] : f32 from vector<1x1xf32>
    %broadcast_in_dim3A_117 = vector.broadcast %get3A_116 : f32 to vector<1024x128xf32>
    %select_n3A_118 = arith.select %eq3A_106, %broadcast_in_dim3A_117, %select_n3A_103 : vector<1024x128xi1>, vector<1024x128xf32>
    %eq3A_119 = arith.constant 5 : i32
    %eq3A_120 = vector.broadcast %eq3A_119 : i32 to vector<1024x128xi32>
    %eq3A_121 = arith.cmpi eq, %select_n3A_40, %eq3A_120 : vector<1024x128xi32>
    %get3A_122 = arith.constant 0 : index
    %get3A_123 = arith.constant 5 : index
    %get3A_124 = vector.load %arg6[%get3A_122, %get3A_123] : memref<8x128xf32, #tpu.memory_space<vmem>>, vector<1x1xf32>
    %get3A_125 = vector.extract %get3A_124[0, 0] : f32 from vector<1x1xf32>
    %broadcast_in_dim3A_126 = vector.broadcast %get3A_125 : f32 to vector<1024x128xf32>
    %select_n3A_127 = arith.select %eq3A_121, %broadcast_in_dim3A_126, %select_n3A_112 : vector<1024x128xi1>, vector<1024x128xf32>
    %get3A_128 = arith.constant 0 : index
    %get3A_129 = arith.constant 5 : index
    %get3A_130 = vector.load %arg7[%get3A_128, %get3A_129] : memref<8x128xf32, #tpu.memory_space<vmem>>, vector<1x1xf32>
    %get3A_131 = vector.extract %get3A_130[0, 0] : f32 from vector<1x1xf32>
    %broadcast_in_dim3A_132 = vector.broadcast %get3A_131 : f32 to vector<1024x128xf32>
    %select_n3A_133 = arith.select %eq3A_121, %broadcast_in_dim3A_132, %select_n3A_118 : vector<1024x128xi1>, vector<1024x128xf32>
    %eq3A_134 = arith.constant 6 : i32
    %eq3A_135 = vector.broadcast %eq3A_134 : i32 to vector<1024x128xi32>
    %eq3A_136 = arith.cmpi eq, %select_n3A_40, %eq3A_135 : vector<1024x128xi32>
    %get3A_137 = arith.constant 0 : index
    %get3A_138 = arith.constant 6 : index
    %get3A_139 = vector.load %arg6[%get3A_137, %get3A_138] : memref<8x128xf32, #tpu.memory_space<vmem>>, vector<1x1xf32>
    %get3A_140 = vector.extract %get3A_139[0, 0] : f32 from vector<1x1xf32>
    %broadcast_in_dim3A_141 = vector.broadcast %get3A_140 : f32 to vector<1024x128xf32>
    %select_n3A_142 = arith.select %eq3A_136, %broadcast_in_dim3A_141, %select_n3A_127 : vector<1024x128xi1>, vector<1024x128xf32>
    %get3A_143 = arith.constant 0 : index
    %get3A_144 = arith.constant 6 : index
    %get3A_145 = vector.load %arg7[%get3A_143, %get3A_144] : memref<8x128xf32, #tpu.memory_space<vmem>>, vector<1x1xf32>
    %get3A_146 = vector.extract %get3A_145[0, 0] : f32 from vector<1x1xf32>
    %broadcast_in_dim3A_147 = vector.broadcast %get3A_146 : f32 to vector<1024x128xf32>
    %select_n3A_148 = arith.select %eq3A_136, %broadcast_in_dim3A_147, %select_n3A_133 : vector<1024x128xi1>, vector<1024x128xf32>
    %eq3A_149 = arith.constant 7 : i32
    %eq3A_150 = vector.broadcast %eq3A_149 : i32 to vector<1024x128xi32>
    %eq3A_151 = arith.cmpi eq, %select_n3A_40, %eq3A_150 : vector<1024x128xi32>
    %get3A_152 = arith.constant 0 : index
    %get3A_153 = arith.constant 7 : index
    %get3A_154 = vector.load %arg6[%get3A_152, %get3A_153] : memref<8x128xf32, #tpu.memory_space<vmem>>, vector<1x1xf32>
    %get3A_155 = vector.extract %get3A_154[0, 0] : f32 from vector<1x1xf32>
    %broadcast_in_dim3A_156 = vector.broadcast %get3A_155 : f32 to vector<1024x128xf32>
    %select_n3A_157 = arith.select %eq3A_151, %broadcast_in_dim3A_156, %select_n3A_142 : vector<1024x128xi1>, vector<1024x128xf32>
    %get3A_158 = arith.constant 0 : index
    %get3A_159 = arith.constant 7 : index
    %get3A_160 = vector.load %arg7[%get3A_158, %get3A_159] : memref<8x128xf32, #tpu.memory_space<vmem>>, vector<1x1xf32>
    %get3A_161 = vector.extract %get3A_160[0, 0] : f32 from vector<1x1xf32>
    %broadcast_in_dim3A_162 = vector.broadcast %get3A_161 : f32 to vector<1024x128xf32>
    %select_n3A_163 = arith.select %eq3A_151, %broadcast_in_dim3A_162, %select_n3A_148 : vector<1024x128xi1>, vector<1024x128xf32>
    %mul3A_164 = arith.mulf %select_n3A_157, %neg3A_3 : vector<1024x128xf32>
    %neg3A_165 = arith.constant 0.000000e+00 : f32
    %neg3A_166 = vector.broadcast %neg3A_165 : f32 to vector<1024x128xf32>
    %neg3A_167 = arith.subf %neg3A_166, %mul3A_164 : vector<1024x128xf32>
    %mul3A_168 = arith.mulf %select_n3A_163, %get3A_6 : vector<1024x128xf32>
    %sub3A_169 = arith.subf %neg3A_167, %mul3A_168 : vector<1024x128xf32>
    %exp3A = math.exp %sub3A_169 : vector<1024x128xf32>
    %jit3A_170 = arith.constant 0.000000e+00 : f32
    %broadcast_in_dim3A_171 = vector.broadcast %jit3A_170 : f32 to vector<1024x128xf32>
    %select_n3A_172 = arith.select %ge3A_38, %exp3A, %broadcast_in_dim3A_171 : vector<1024x128xi1>, vector<1024x128xf32>
    %mul3A_173 = arith.constant 1024 : i32
    %mul3A_174 = arith.muli %arg0, %mul3A_173 : i32
    %mul3A_175 = arith.constant 128 : i32
    %mul3A_176 = arith.muli %mul3A_174, %mul3A_175 : i32
    %iota3A = tpu.iota {dimensions = array<i32: 0>} : vector<1024x128xi32>
    %mul3A_177 = arith.constant 128 : i32
    %mul3A_178 = vector.broadcast %mul3A_177 : i32 to vector<1024x128xi32>
    %mul3A_179 = arith.muli %iota3A, %mul3A_178 : vector<1024x128xi32>
    %add3A_180 = vector.broadcast %mul3A_176 : i32 to vector<1024x128xi32>
    %add3A_181 = arith.addi %add3A_180, %mul3A_179 : vector<1024x128xi32>
    %iota3A_182 = tpu.iota {dimensions = array<i32: 1>} : vector<1024x128xi32>
    %add3A_183 = arith.addi %add3A_181, %iota3A_182 : vector<1024x128xi32>
    %swap3A = arith.constant 0 : index
    %swap3A_184 = arith.constant 0 : index
    %swap3A_185 = vector.load %arg8[%swap3A, %swap3A_184] : memref<1024x128xf32, #tpu.memory_space<vmem>>, vector<1024x128xf32>
    tpu.vector_store %arg8[%swap3A, %swap3A_184], %select_n3A_172 {strides = array<i32>} : memref<1024x128xf32, #tpu.memory_space<vmem>>, vector<1024x128xf32>,
    %mul3A_186 = arith.mulf %select_n3A_172, %neg3A_3 : vector<1024x128xf32>
    %swap3A_187 = arith.constant 0 : index
    %swap3A_188 = arith.constant 0 : index
    %swap3A_189 = vector.load %arg9[%swap3A_187, %swap3A_188] : memref<1024x128xf32, #tpu.memory_space<vmem>>, vector<1024x128xf32>
    tpu.vector_store %arg9[%swap3A_187, %swap3A_188], %mul3A_186 {strides = array<i32>} : memref<1024x128xf32, #tpu.memory_space<vmem>>, vector<1024x128xf32>,
    %mul3A_190 = arith.constant 8 : i32
    %mul3A_191 = vector.broadcast %mul3A_190 : i32 to vector<1024x128xi32>
    %mul3A_192 = arith.muli %add3A_183, %mul3A_191 : vector<1024x128xi32>
    %add3A_193 = arith.addi %mul3A_192, %sub3A_35 : vector<1024x128xi32>
    %jit3A_194 = arith.constant 1073741824 : i32
    %broadcast_in_dim3A_195 = vector.broadcast %jit3A_194 : i32 to vector<1024x128xi32>
    %select_n3A_196 = arith.select %ge3A_38, %add3A_193, %broadcast_in_dim3A_195 : vector<1024x128xi1>, vector<1024x128xi32>
    %swap3A_197 = arith.constant 0 : index
    %swap3A_198 = arith.constant 0 : index
    %swap3A_199 = vector.load %arg10[%swap3A_197, %swap3A_198] : memref<1024x128xi32, #tpu.memory_space<vmem>>, vector<1024x128xi32>
    tpu.vector_store %arg10[%swap3A_197, %swap3A_198], %select_n3A_196 {strides = array<i32>} : memref<1024x128xi32, #tpu.memory_space<vmem>>, vector<1024x128xi32>,
    return
  }
  func.func @transform_0(%arg0: i32) -> (i32, i32) {
    %c0_i32 = arith.constant 0 : i32
    %c0_i32_0 = arith.constant 0 : i32
    return %arg0, %c0_i32 : i32, i32
  }
  func.func @transform_1(%arg0: i32) -> (i32, i32) {
    %c0_i32 = arith.constant 0 : i32
    %c0_i32_0 = arith.constant 0 : i32
    return %arg0, %c0_i32 : i32, i32
  }
  func.func @transform_2(%arg0: i32) -> (i32, i32) {
    %c0_i32 = arith.constant 0 : i32
    %c0_i32_0 = arith.constant 0 : i32
    return %arg0, %c0_i32 : i32, i32
  }
  func.func @transform_3(%arg0: i32) -> (i32, i32) {
    %c0_i32 = arith.constant 0 : i32
    %c0_i32_0 = arith.constant 0 : i32
    return %arg0, %c0_i32 : i32, i32
  }
  func.func @transform_4(%arg0: i32) -> (i32, i32) {
    %c0_i32 = arith.constant 0 : i32
    %c0_i32_0 = arith.constant 0 : i32
    %c0_i32_1 = arith.constant 0 : i32
    return %c0_i32, %c0_i32_0 : i32, i32
  }
  func.func @transform_5(%arg0: i32) -> (i32, i32) {
    %c0_i32 = arith.constant 0 : i32
    %c0_i32_0 = arith.constant 0 : i32
    %c0_i32_1 = arith.constant 0 : i32
    return %c0_i32, %c0_i32_0 : i32, i32
  }
  func.func @transform_6(%arg0: i32) -> (i32, i32) {
    %c0_i32 = arith.constant 0 : i32
    %c0_i32_0 = arith.constant 0 : i32
    %c0_i32_1 = arith.constant 0 : i32
    return %c0_i32, %c0_i32_0 : i32, i32
  }
  func.func @transform_7(%arg0: i32) -> (i32, i32) {
    %c0_i32 = arith.constant 0 : i32
    %c0_i32_0 = arith.constant 0 : i32
    return %arg0, %c0_i32 : i32, i32
  }
  func.func @transform_8(%arg0: i32) -> (i32, i32) {
    %c0_i32 = arith.constant 0 : i32
    %c0_i32_0 = arith.constant 0 : i32
    return %arg0, %c0_i32 : i32, i32
  }
  func.func @transform_9(%arg0: i32) -> (i32, i32) {
    %c0_i32 = arith.constant 0 : i32
    %c0_i32_0 = arith.constant 0 : i32
    return %arg0, %c0_i32 : i32, i32
  }
}

module attributes {stable_mosaic.version = 14 : i64} {
  func.func @_stage2_body(%arg0: memref<32x128x128xf32, #tpu.memory_space<vmem>>, %arg1: memref<32x128x128xf32, #tpu.memory_space<vmem>>, %arg2: memref<32x128x128xi32, #tpu.memory_space<vmem>>, %arg3: memref<8x128xf32, #tpu.memory_space<vmem>>, %arg4: memref<8x128xf32, #tpu.memory_space<vmem>>, %arg5: memref<1x128xf32, #tpu.memory_space<vmem>>) attributes {dimension_semantics = [], scalar_prefetch = 0 : i64, scratch_operands = 0 : i64, tpu.core_type = #tpu.core_type<tc>} {
    %get3A = arith.constant 0 : index
    %get3A_0 = arith.constant 0 : index
    %get3A_1 = arith.constant 0 : index
    %get3A_2 = vector.load %arg0[%get3A, %get3A_0, %get3A_1] : memref<32x128x128xf32, #tpu.memory_space<vmem>>, vector<32x128x128xf32>
    %reduce_sum3A = arith.constant dense<0.000000e+00> : vector<128x128xf32>
    %reduce_sum3A_3 = vector.multi_reduction <add>, %get3A_2, %reduce_sum3A [0] : vector<32x128x128xf32> to vector<128x128xf32>
    %get3A_4 = arith.constant 0 : index
    %get3A_5 = arith.constant 0 : index
    %get3A_6 = arith.constant 0 : index
    %get3A_7 = vector.load %arg1[%get3A_4, %get3A_5, %get3A_6] : memref<32x128x128xf32, #tpu.memory_space<vmem>>, vector<32x128x128xf32>
    %reduce_sum3A_8 = arith.constant dense<0.000000e+00> : vector<128x128xf32>
    %reduce_sum3A_9 = vector.multi_reduction <add>, %get3A_7, %reduce_sum3A_8 [0] : vector<32x128x128xf32> to vector<128x128xf32>
    %get3A_10 = arith.constant 0 : index
    %get3A_11 = arith.constant 0 : index
    %get3A_12 = arith.constant 0 : index
    %get3A_13 = vector.load %arg2[%get3A_10, %get3A_11, %get3A_12] : memref<32x128x128xi32, #tpu.memory_space<vmem>>, vector<32x128x128xi32>
    %reduce_min3A = arith.constant dense<2147483647> : vector<128x128xi32>
    %reduce_min3A_14 = vector.multi_reduction <minsi>, %get3A_13, %reduce_min3A [0] : vector<32x128x128xi32> to vector<128x128xi32>
    %lt3A = arith.constant 1073741824 : i32
    %lt3A_15 = vector.broadcast %lt3A : i32 to vector<128x128xi32>
    %lt3A_16 = arith.cmpi slt, %reduce_min3A_14, %lt3A_15 : vector<128x128xi32>
    %and3A = arith.constant 7 : i32
    %and3A_17 = vector.broadcast %and3A : i32 to vector<128x128xi32>
    %and3A_18 = arith.andi %reduce_min3A_14, %and3A_17 : vector<128x128xi32>
    %jit3A = arith.constant 0 : i32
    %broadcast_in_dim3A = vector.broadcast %jit3A : i32 to vector<128x128xi32>
    %select_n3A = arith.select %lt3A_16, %and3A_18, %broadcast_in_dim3A : vector<128x128xi1>, vector<128x128xi32>
    %jit3A_19 = arith.constant 1.000000e+00 : f32
    %broadcast_in_dim3A_20 = vector.broadcast %jit3A_19 : f32 to vector<128x128xf32>
    %select_n3A_21 = arith.select %lt3A_16, %reduce_sum3A_3, %broadcast_in_dim3A_20 : vector<128x128xi1>, vector<128x128xf32>
    %div3A = arith.divf %reduce_sum3A_9, %select_n3A_21 : vector<128x128xf32>
    %broadcast_in_dim3A_22 = arith.constant 0.000000e+00 : f32
    %broadcast_in_dim3A_23 = vector.broadcast %broadcast_in_dim3A_22 : f32 to vector<128x128xf32>
    %broadcast_in_dim3A_24 = arith.constant 1.000000e+00 : f32
    %broadcast_in_dim3A_25 = vector.broadcast %broadcast_in_dim3A_24 : f32 to vector<128x128xf32>
    %eq3A = arith.constant 0 : i32
    %eq3A_26 = vector.broadcast %eq3A : i32 to vector<128x128xi32>
    %eq3A_27 = arith.cmpi eq, %select_n3A, %eq3A_26 : vector<128x128xi32>
    %get3A_28 = arith.constant 0 : index
    %get3A_29 = arith.constant 0 : index
    %get3A_30 = vector.load %arg3[%get3A_28, %get3A_29] : memref<8x128xf32, #tpu.memory_space<vmem>>, vector<1x1xf32>
    %get3A_31 = vector.extract %get3A_30[0, 0] : f32 from vector<1x1xf32>
    %broadcast_in_dim3A_32 = vector.broadcast %get3A_31 : f32 to vector<128x128xf32>
    %select_n3A_33 = arith.select %eq3A_27, %broadcast_in_dim3A_32, %broadcast_in_dim3A_23 : vector<128x128xi1>, vector<128x128xf32>
    %get3A_34 = arith.constant 0 : index
    %get3A_35 = arith.constant 0 : index
    %get3A_36 = vector.load %arg4[%get3A_34, %get3A_35] : memref<8x128xf32, #tpu.memory_space<vmem>>, vector<1x1xf32>
    %get3A_37 = vector.extract %get3A_36[0, 0] : f32 from vector<1x1xf32>
    %broadcast_in_dim3A_38 = vector.broadcast %get3A_37 : f32 to vector<128x128xf32>
    %select_n3A_39 = arith.select %eq3A_27, %broadcast_in_dim3A_38, %broadcast_in_dim3A_25 : vector<128x128xi1>, vector<128x128xf32>
    %eq3A_40 = arith.constant 1 : i32
    %eq3A_41 = vector.broadcast %eq3A_40 : i32 to vector<128x128xi32>
    %eq3A_42 = arith.cmpi eq, %select_n3A, %eq3A_41 : vector<128x128xi32>
    %get3A_43 = arith.constant 0 : index
    %get3A_44 = arith.constant 1 : index
    %get3A_45 = vector.load %arg3[%get3A_43, %get3A_44] : memref<8x128xf32, #tpu.memory_space<vmem>>, vector<1x1xf32>
    %get3A_46 = vector.extract %get3A_45[0, 0] : f32 from vector<1x1xf32>
    %broadcast_in_dim3A_47 = vector.broadcast %get3A_46 : f32 to vector<128x128xf32>
    %select_n3A_48 = arith.select %eq3A_42, %broadcast_in_dim3A_47, %select_n3A_33 : vector<128x128xi1>, vector<128x128xf32>
    %get3A_49 = arith.constant 0 : index
    %get3A_50 = arith.constant 1 : index
    %get3A_51 = vector.load %arg4[%get3A_49, %get3A_50] : memref<8x128xf32, #tpu.memory_space<vmem>>, vector<1x1xf32>
    %get3A_52 = vector.extract %get3A_51[0, 0] : f32 from vector<1x1xf32>
    %broadcast_in_dim3A_53 = vector.broadcast %get3A_52 : f32 to vector<128x128xf32>
    %select_n3A_54 = arith.select %eq3A_42, %broadcast_in_dim3A_53, %select_n3A_39 : vector<128x128xi1>, vector<128x128xf32>
    %eq3A_55 = arith.constant 2 : i32
    %eq3A_56 = vector.broadcast %eq3A_55 : i32 to vector<128x128xi32>
    %eq3A_57 = arith.cmpi eq, %select_n3A, %eq3A_56 : vector<128x128xi32>
    %get3A_58 = arith.constant 0 : index
    %get3A_59 = arith.constant 2 : index
    %get3A_60 = vector.load %arg3[%get3A_58, %get3A_59] : memref<8x128xf32, #tpu.memory_space<vmem>>, vector<1x1xf32>
    %get3A_61 = vector.extract %get3A_60[0, 0] : f32 from vector<1x1xf32>
    %broadcast_in_dim3A_62 = vector.broadcast %get3A_61 : f32 to vector<128x128xf32>
    %select_n3A_63 = arith.select %eq3A_57, %broadcast_in_dim3A_62, %select_n3A_48 : vector<128x128xi1>, vector<128x128xf32>
    %get3A_64 = arith.constant 0 : index
    %get3A_65 = arith.constant 2 : index
    %get3A_66 = vector.load %arg4[%get3A_64, %get3A_65] : memref<8x128xf32, #tpu.memory_space<vmem>>, vector<1x1xf32>
    %get3A_67 = vector.extract %get3A_66[0, 0] : f32 from vector<1x1xf32>
    %broadcast_in_dim3A_68 = vector.broadcast %get3A_67 : f32 to vector<128x128xf32>
    %select_n3A_69 = arith.select %eq3A_57, %broadcast_in_dim3A_68, %select_n3A_54 : vector<128x128xi1>, vector<128x128xf32>
    %eq3A_70 = arith.constant 3 : i32
    %eq3A_71 = vector.broadcast %eq3A_70 : i32 to vector<128x128xi32>
    %eq3A_72 = arith.cmpi eq, %select_n3A, %eq3A_71 : vector<128x128xi32>
    %get3A_73 = arith.constant 0 : index
    %get3A_74 = arith.constant 3 : index
    %get3A_75 = vector.load %arg3[%get3A_73, %get3A_74] : memref<8x128xf32, #tpu.memory_space<vmem>>, vector<1x1xf32>
    %get3A_76 = vector.extract %get3A_75[0, 0] : f32 from vector<1x1xf32>
    %broadcast_in_dim3A_77 = vector.broadcast %get3A_76 : f32 to vector<128x128xf32>
    %select_n3A_78 = arith.select %eq3A_72, %broadcast_in_dim3A_77, %select_n3A_63 : vector<128x128xi1>, vector<128x128xf32>
    %get3A_79 = arith.constant 0 : index
    %get3A_80 = arith.constant 3 : index
    %get3A_81 = vector.load %arg4[%get3A_79, %get3A_80] : memref<8x128xf32, #tpu.memory_space<vmem>>, vector<1x1xf32>
    %get3A_82 = vector.extract %get3A_81[0, 0] : f32 from vector<1x1xf32>
    %broadcast_in_dim3A_83 = vector.broadcast %get3A_82 : f32 to vector<128x128xf32>
    %select_n3A_84 = arith.select %eq3A_72, %broadcast_in_dim3A_83, %select_n3A_69 : vector<128x128xi1>, vector<128x128xf32>
    %eq3A_85 = arith.constant 4 : i32
    %eq3A_86 = vector.broadcast %eq3A_85 : i32 to vector<128x128xi32>
    %eq3A_87 = arith.cmpi eq, %select_n3A, %eq3A_86 : vector<128x128xi32>
    %get3A_88 = arith.constant 0 : index
    %get3A_89 = arith.constant 4 : index
    %get3A_90 = vector.load %arg3[%get3A_88, %get3A_89] : memref<8x128xf32, #tpu.memory_space<vmem>>, vector<1x1xf32>
    %get3A_91 = vector.extract %get3A_90[0, 0] : f32 from vector<1x1xf32>
    %broadcast_in_dim3A_92 = vector.broadcast %get3A_91 : f32 to vector<128x128xf32>
    %select_n3A_93 = arith.select %eq3A_87, %broadcast_in_dim3A_92, %select_n3A_78 : vector<128x128xi1>, vector<128x128xf32>
    %get3A_94 = arith.constant 0 : index
    %get3A_95 = arith.constant 4 : index
    %get3A_96 = vector.load %arg4[%get3A_94, %get3A_95] : memref<8x128xf32, #tpu.memory_space<vmem>>, vector<1x1xf32>
    %get3A_97 = vector.extract %get3A_96[0, 0] : f32 from vector<1x1xf32>
    %broadcast_in_dim3A_98 = vector.broadcast %get3A_97 : f32 to vector<128x128xf32>
    %select_n3A_99 = arith.select %eq3A_87, %broadcast_in_dim3A_98, %select_n3A_84 : vector<128x128xi1>, vector<128x128xf32>
    %eq3A_100 = arith.constant 5 : i32
    %eq3A_101 = vector.broadcast %eq3A_100 : i32 to vector<128x128xi32>
    %eq3A_102 = arith.cmpi eq, %select_n3A, %eq3A_101 : vector<128x128xi32>
    %get3A_103 = arith.constant 0 : index
    %get3A_104 = arith.constant 5 : index
    %get3A_105 = vector.load %arg3[%get3A_103, %get3A_104] : memref<8x128xf32, #tpu.memory_space<vmem>>, vector<1x1xf32>
    %get3A_106 = vector.extract %get3A_105[0, 0] : f32 from vector<1x1xf32>
    %broadcast_in_dim3A_107 = vector.broadcast %get3A_106 : f32 to vector<128x128xf32>
    %select_n3A_108 = arith.select %eq3A_102, %broadcast_in_dim3A_107, %select_n3A_93 : vector<128x128xi1>, vector<128x128xf32>
    %get3A_109 = arith.constant 0 : index
    %get3A_110 = arith.constant 5 : index
    %get3A_111 = vector.load %arg4[%get3A_109, %get3A_110] : memref<8x128xf32, #tpu.memory_space<vmem>>, vector<1x1xf32>
    %get3A_112 = vector.extract %get3A_111[0, 0] : f32 from vector<1x1xf32>
    %broadcast_in_dim3A_113 = vector.broadcast %get3A_112 : f32 to vector<128x128xf32>
    %select_n3A_114 = arith.select %eq3A_102, %broadcast_in_dim3A_113, %select_n3A_99 : vector<128x128xi1>, vector<128x128xf32>
    %eq3A_115 = arith.constant 6 : i32
    %eq3A_116 = vector.broadcast %eq3A_115 : i32 to vector<128x128xi32>
    %eq3A_117 = arith.cmpi eq, %select_n3A, %eq3A_116 : vector<128x128xi32>
    %get3A_118 = arith.constant 0 : index
    %get3A_119 = arith.constant 6 : index
    %get3A_120 = vector.load %arg3[%get3A_118, %get3A_119] : memref<8x128xf32, #tpu.memory_space<vmem>>, vector<1x1xf32>
    %get3A_121 = vector.extract %get3A_120[0, 0] : f32 from vector<1x1xf32>
    %broadcast_in_dim3A_122 = vector.broadcast %get3A_121 : f32 to vector<128x128xf32>
    %select_n3A_123 = arith.select %eq3A_117, %broadcast_in_dim3A_122, %select_n3A_108 : vector<128x128xi1>, vector<128x128xf32>
    %get3A_124 = arith.constant 0 : index
    %get3A_125 = arith.constant 6 : index
    %get3A_126 = vector.load %arg4[%get3A_124, %get3A_125] : memref<8x128xf32, #tpu.memory_space<vmem>>, vector<1x1xf32>
    %get3A_127 = vector.extract %get3A_126[0, 0] : f32 from vector<1x1xf32>
    %broadcast_in_dim3A_128 = vector.broadcast %get3A_127 : f32 to vector<128x128xf32>
    %select_n3A_129 = arith.select %eq3A_117, %broadcast_in_dim3A_128, %select_n3A_114 : vector<128x128xi1>, vector<128x128xf32>
    %eq3A_130 = arith.constant 7 : i32
    %eq3A_131 = vector.broadcast %eq3A_130 : i32 to vector<128x128xi32>
    %eq3A_132 = arith.cmpi eq, %select_n3A, %eq3A_131 : vector<128x128xi32>
    %get3A_133 = arith.constant 0 : index
    %get3A_134 = arith.constant 7 : index
    %get3A_135 = vector.load %arg3[%get3A_133, %get3A_134] : memref<8x128xf32, #tpu.memory_space<vmem>>, vector<1x1xf32>
    %get3A_136 = vector.extract %get3A_135[0, 0] : f32 from vector<1x1xf32>
    %broadcast_in_dim3A_137 = vector.broadcast %get3A_136 : f32 to vector<128x128xf32>
    %select_n3A_138 = arith.select %eq3A_132, %broadcast_in_dim3A_137, %select_n3A_123 : vector<128x128xi1>, vector<128x128xf32>
    %get3A_139 = arith.constant 0 : index
    %get3A_140 = arith.constant 7 : index
    %get3A_141 = vector.load %arg4[%get3A_139, %get3A_140] : memref<8x128xf32, #tpu.memory_space<vmem>>, vector<1x1xf32>
    %get3A_142 = vector.extract %get3A_141[0, 0] : f32 from vector<1x1xf32>
    %broadcast_in_dim3A_143 = vector.broadcast %get3A_142 : f32 to vector<128x128xf32>
    %select_n3A_144 = arith.select %eq3A_132, %broadcast_in_dim3A_143, %select_n3A_129 : vector<128x128xi1>, vector<128x128xf32>
    %sub3A = arith.subf %div3A, %select_n3A_138 : vector<128x128xf32>
    %div3A_145 = arith.divf %sub3A, %select_n3A_144 : vector<128x128xf32>
    %mul3A = arith.mulf %div3A_145, %div3A_145 : vector<128x128xf32>
    %neg3A = arith.constant 0.000000e+00 : f32
    %neg3A_146 = vector.broadcast %neg3A : f32 to vector<128x128xf32>
    %neg3A_147 = arith.subf %neg3A_146, %mul3A : vector<128x128xf32>
    %exp3A = math.exp %neg3A_147 : vector<128x128xf32>
    %jit3A_148 = arith.constant 0.000000e+00 : f32
    %broadcast_in_dim3A_149 = vector.broadcast %jit3A_148 : f32 to vector<128x128xf32>
    %select_n3A_150 = arith.select %lt3A_16, %exp3A, %broadcast_in_dim3A_149 : vector<128x128xi1>, vector<128x128xf32>
    %iota3A = tpu.iota {dimensions = array<i32: 0>} : vector<128x128xi32>
    %mul3A_151 = arith.constant 128 : i32
    %mul3A_152 = vector.broadcast %mul3A_151 : i32 to vector<128x128xi32>
    %mul3A_153 = arith.muli %iota3A, %mul3A_152 : vector<128x128xi32>
    %iota3A_154 = tpu.iota {dimensions = array<i32: 1>} : vector<128x128xi32>
    %add3A = arith.addi %mul3A_153, %iota3A_154 : vector<128x128xi32>
    %jit3A_155 = arith.constant 1000 : i32
    %div3A_156 = vector.broadcast %jit3A_155 : i32 to vector<128x128xi32>
    %div3A_157 = arith.divsi %add3A, %div3A_156 : vector<128x128xi32>
    %sign3A = arith.constant 0 : i32
    %sign3A_158 = vector.broadcast %sign3A : i32 to vector<128x128xi32>
    %sign3A_159 = arith.cmpi sgt, %add3A, %sign3A_158 : vector<128x128xi32>
    %sign3A_160 = arith.extui %sign3A_159 : vector<128x128xi1> to vector<128x128xi32>
    %sign3A_161 = arith.constant 0 : i32
    %sign3A_162 = vector.broadcast %sign3A_161 : i32 to vector<128x128xi32>
    %sign3A_163 = arith.cmpi slt, %add3A, %sign3A_162 : vector<128x128xi32>
    %sign3A_164 = arith.extui %sign3A_163 : vector<128x128xi1> to vector<128x128xi32>
    %sign3A_165 = arith.subi %sign3A_160, %sign3A_164 : vector<128x128xi32>
    %sign3A_166 = arith.constant 0 : i32
    %sign3A_167 = arith.cmpi sgt, %jit3A_155, %sign3A_166 : i32
    %sign3A_168 = arith.extui %sign3A_167 : i1 to i32
    %sign3A_169 = arith.constant 0 : i32
    %sign3A_170 = arith.cmpi slt, %jit3A_155, %sign3A_169 : i32
    %sign3A_171 = arith.extui %sign3A_170 : i1 to i32
    %sign3A_172 = arith.subi %sign3A_168, %sign3A_171 : i32
    %ne3A = vector.broadcast %sign3A_172 : i32 to vector<128x128xi32>
    %ne3A_173 = arith.cmpi ne, %sign3A_165, %ne3A : vector<128x128xi32>
    %rem3A = vector.broadcast %jit3A_155 : i32 to vector<128x128xi32>
    %rem3A_174 = arith.remsi %add3A, %rem3A : vector<128x128xi32>
    %ne3A_175 = arith.constant 0 : i32
    %ne3A_176 = vector.broadcast %ne3A_175 : i32 to vector<128x128xi32>
    %ne3A_177 = arith.cmpi ne, %rem3A_174, %ne3A_176 : vector<128x128xi32>
    %and3A_178 = arith.andi %ne3A_173, %ne3A_177 : vector<128x128xi1>
    %sub3A_179 = arith.constant 1 : i32
    %sub3A_180 = vector.broadcast %sub3A_179 : i32 to vector<128x128xi32>
    %sub3A_181 = arith.subi %div3A_157, %sub3A_180 : vector<128x128xi32>
    %select_n3A_182 = arith.select %and3A_178, %sub3A_181, %div3A_157 : vector<128x128xi1>, vector<128x128xi32>
    %mul3A_183 = arith.constant 8 : i32
    %mul3A_184 = vector.broadcast %mul3A_183 : i32 to vector<128x128xi32>
    %mul3A_185 = arith.muli %select_n3A_182, %mul3A_184 : vector<128x128xi32>
    %add3A_186 = arith.addi %mul3A_185, %select_n3A : vector<128x128xi32>
    %min3A = arith.constant 127 : i32
    %min3A_187 = vector.broadcast %min3A : i32 to vector<128x128xi32>
    %min3A_188 = arith.minsi %add3A_186, %min3A_187 : vector<128x128xi32>
    %broadcast_in_dim3A_189 = arith.constant 0.000000e+00 : f32
    %broadcast_in_dim3A_190 = vector.broadcast %broadcast_in_dim3A_189 : f32 to vector<8x128xf32>
    %iota3A_191 = tpu.iota {dimensions = array<i32: 2>} : vector<8x128x128xi32>
    %slice3A = vector.extract_strided_slice %min3A_188 {offsets = [0, 0], sizes = [8, 128], strides = [1, 1]} : vector<128x128xi32> to vector<8x128xi32>
    %slice3A_192 = vector.extract_strided_slice %select_n3A_150 {offsets = [0, 0], sizes = [8, 128], strides = [1, 1]} : vector<128x128xf32> to vector<8x128xf32>
    %broadcast_in_dim3A_193 = vector.shape_cast %slice3A : vector<8x128xi32> to vector<8x128x1xi32>
    %eq3A_194 = vector.broadcast %broadcast_in_dim3A_193 : vector<8x128x1xi32> to vector<8x128x128xi32>
    %eq3A_195 = arith.cmpi eq, %eq3A_194, %iota3A_191 : vector<8x128x128xi32>
    %broadcast_in_dim3A_196 = vector.shape_cast %slice3A_192 : vector<8x128xf32> to vector<8x128x1xf32>
    %jit3A_197 = arith.constant 0.000000e+00 : f32
    %broadcast_in_dim3A_198 = vector.shape_cast %broadcast_in_dim3A_196 : vector<8x128x1xf32> to vector<8x128x1xf32>
    %broadcast_in_dim3A_199 = vector.broadcast %broadcast_in_dim3A_198 : vector<8x128x1xf32> to vector<8x128x128xf32>
    %broadcast_in_dim3A_200 = vector.broadcast %jit3A_197 : f32 to vector<8x128x128xf32>
    %select_n3A_201 = arith.select %eq3A_195, %broadcast_in_dim3A_199, %broadcast_in_dim3A_200 : vector<8x128x128xi1>, vector<8x128x128xf32>
    %reduce_sum3A_202 = arith.constant dense<0.000000e+00> : vector<8x128xf32>
    %reduce_sum3A_203 = vector.multi_reduction <add>, %select_n3A_201, %reduce_sum3A_202 [1] : vector<8x128x128xf32> to vector<8x128xf32>
    %add3A_204 = arith.addf %broadcast_in_dim3A_190, %reduce_sum3A_203 : vector<8x128xf32>
    %slice3A_205 = vector.extract_strided_slice %min3A_188 {offsets = [8, 0], sizes = [8, 128], strides = [1, 1]} : vector<128x128xi32> to vector<8x128xi32>
    %slice3A_206 = vector.extract_strided_slice %select_n3A_150 {offsets = [8, 0], sizes = [8, 128], strides = [1, 1]} : vector<128x128xf32> to vector<8x128xf32>
    %broadcast_in_dim3A_207 = vector.shape_cast %slice3A_205 : vector<8x128xi32> to vector<8x128x1xi32>
    %eq3A_208 = vector.broadcast %broadcast_in_dim3A_207 : vector<8x128x1xi32> to vector<8x128x128xi32>
    %eq3A_209 = arith.cmpi eq, %eq3A_208, %iota3A_191 : vector<8x128x128xi32>
    %broadcast_in_dim3A_210 = vector.shape_cast %slice3A_206 : vector<8x128xf32> to vector<8x128x1xf32>
    %jit3A_211 = arith.constant 0.000000e+00 : f32
    %broadcast_in_dim3A_212 = vector.shape_cast %broadcast_in_dim3A_210 : vector<8x128x1xf32> to vector<8x128x1xf32>
    %broadcast_in_dim3A_213 = vector.broadcast %broadcast_in_dim3A_212 : vector<8x128x1xf32> to vector<8x128x128xf32>
    %broadcast_in_dim3A_214 = vector.broadcast %jit3A_211 : f32 to vector<8x128x128xf32>
    %select_n3A_215 = arith.select %eq3A_209, %broadcast_in_dim3A_213, %broadcast_in_dim3A_214 : vector<8x128x128xi1>, vector<8x128x128xf32>
    %reduce_sum3A_216 = arith.constant dense<0.000000e+00> : vector<8x128xf32>
    %reduce_sum3A_217 = vector.multi_reduction <add>, %select_n3A_215, %reduce_sum3A_216 [1] : vector<8x128x128xf32> to vector<8x128xf32>
    %add3A_218 = arith.addf %add3A_204, %reduce_sum3A_217 : vector<8x128xf32>
    %slice3A_219 = vector.extract_strided_slice %min3A_188 {offsets = [16, 0], sizes = [8, 128], strides = [1, 1]} : vector<128x128xi32> to vector<8x128xi32>
    %slice3A_220 = vector.extract_strided_slice %select_n3A_150 {offsets = [16, 0], sizes = [8, 128], strides = [1, 1]} : vector<128x128xf32> to vector<8x128xf32>
    %broadcast_in_dim3A_221 = vector.shape_cast %slice3A_219 : vector<8x128xi32> to vector<8x128x1xi32>
    %eq3A_222 = vector.broadcast %broadcast_in_dim3A_221 : vector<8x128x1xi32> to vector<8x128x128xi32>
    %eq3A_223 = arith.cmpi eq, %eq3A_222, %iota3A_191 : vector<8x128x128xi32>
    %broadcast_in_dim3A_224 = vector.shape_cast %slice3A_220 : vector<8x128xf32> to vector<8x128x1xf32>
    %jit3A_225 = arith.constant 0.000000e+00 : f32
    %broadcast_in_dim3A_226 = vector.shape_cast %broadcast_in_dim3A_224 : vector<8x128x1xf32> to vector<8x128x1xf32>
    %broadcast_in_dim3A_227 = vector.broadcast %broadcast_in_dim3A_226 : vector<8x128x1xf32> to vector<8x128x128xf32>
    %broadcast_in_dim3A_228 = vector.broadcast %jit3A_225 : f32 to vector<8x128x128xf32>
    %select_n3A_229 = arith.select %eq3A_223, %broadcast_in_dim3A_227, %broadcast_in_dim3A_228 : vector<8x128x128xi1>, vector<8x128x128xf32>
    %reduce_sum3A_230 = arith.constant dense<0.000000e+00> : vector<8x128xf32>
    %reduce_sum3A_231 = vector.multi_reduction <add>, %select_n3A_229, %reduce_sum3A_230 [1] : vector<8x128x128xf32> to vector<8x128xf32>
    %add3A_232 = arith.addf %add3A_218, %reduce_sum3A_231 : vector<8x128xf32>
    %slice3A_233 = vector.extract_strided_slice %min3A_188 {offsets = [24, 0], sizes = [8, 128], strides = [1, 1]} : vector<128x128xi32> to vector<8x128xi32>
    %slice3A_234 = vector.extract_strided_slice %select_n3A_150 {offsets = [24, 0], sizes = [8, 128], strides = [1, 1]} : vector<128x128xf32> to vector<8x128xf32>
    %broadcast_in_dim3A_235 = vector.shape_cast %slice3A_233 : vector<8x128xi32> to vector<8x128x1xi32>
    %eq3A_236 = vector.broadcast %broadcast_in_dim3A_235 : vector<8x128x1xi32> to vector<8x128x128xi32>
    %eq3A_237 = arith.cmpi eq, %eq3A_236, %iota3A_191 : vector<8x128x128xi32>
    %broadcast_in_dim3A_238 = vector.shape_cast %slice3A_234 : vector<8x128xf32> to vector<8x128x1xf32>
    %jit3A_239 = arith.constant 0.000000e+00 : f32
    %broadcast_in_dim3A_240 = vector.shape_cast %broadcast_in_dim3A_238 : vector<8x128x1xf32> to vector<8x128x1xf32>
    %broadcast_in_dim3A_241 = vector.broadcast %broadcast_in_dim3A_240 : vector<8x128x1xf32> to vector<8x128x128xf32>
    %broadcast_in_dim3A_242 = vector.broadcast %jit3A_239 : f32 to vector<8x128x128xf32>
    %select_n3A_243 = arith.select %eq3A_237, %broadcast_in_dim3A_241, %broadcast_in_dim3A_242 : vector<8x128x128xi1>, vector<8x128x128xf32>
    %reduce_sum3A_244 = arith.constant dense<0.000000e+00> : vector<8x128xf32>
    %reduce_sum3A_245 = vector.multi_reduction <add>, %select_n3A_243, %reduce_sum3A_244 [1] : vector<8x128x128xf32> to vector<8x128xf32>
    %add3A_246 = arith.addf %add3A_232, %reduce_sum3A_245 : vector<8x128xf32>
    %slice3A_247 = vector.extract_strided_slice %min3A_188 {offsets = [32, 0], sizes = [8, 128], strides = [1, 1]} : vector<128x128xi32> to vector<8x128xi32>
    %slice3A_248 = vector.extract_strided_slice %select_n3A_150 {offsets = [32, 0], sizes = [8, 128], strides = [1, 1]} : vector<128x128xf32> to vector<8x128xf32>
    %broadcast_in_dim3A_249 = vector.shape_cast %slice3A_247 : vector<8x128xi32> to vector<8x128x1xi32>
    %eq3A_250 = vector.broadcast %broadcast_in_dim3A_249 : vector<8x128x1xi32> to vector<8x128x128xi32>
    %eq3A_251 = arith.cmpi eq, %eq3A_250, %iota3A_191 : vector<8x128x128xi32>
    %broadcast_in_dim3A_252 = vector.shape_cast %slice3A_248 : vector<8x128xf32> to vector<8x128x1xf32>
    %jit3A_253 = arith.constant 0.000000e+00 : f32
    %broadcast_in_dim3A_254 = vector.shape_cast %broadcast_in_dim3A_252 : vector<8x128x1xf32> to vector<8x128x1xf32>
    %broadcast_in_dim3A_255 = vector.broadcast %broadcast_in_dim3A_254 : vector<8x128x1xf32> to vector<8x128x128xf32>
    %broadcast_in_dim3A_256 = vector.broadcast %jit3A_253 : f32 to vector<8x128x128xf32>
    %select_n3A_257 = arith.select %eq3A_251, %broadcast_in_dim3A_255, %broadcast_in_dim3A_256 : vector<8x128x128xi1>, vector<8x128x128xf32>
    %reduce_sum3A_258 = arith.constant dense<0.000000e+00> : vector<8x128xf32>
    %reduce_sum3A_259 = vector.multi_reduction <add>, %select_n3A_257, %reduce_sum3A_258 [1] : vector<8x128x128xf32> to vector<8x128xf32>
    %add3A_260 = arith.addf %add3A_246, %reduce_sum3A_259 : vector<8x128xf32>
    %slice3A_261 = vector.extract_strided_slice %min3A_188 {offsets = [40, 0], sizes = [8, 128], strides = [1, 1]} : vector<128x128xi32> to vector<8x128xi32>
    %slice3A_262 = vector.extract_strided_slice %select_n3A_150 {offsets = [40, 0], sizes = [8, 128], strides = [1, 1]} : vector<128x128xf32> to vector<8x128xf32>
    %broadcast_in_dim3A_263 = vector.shape_cast %slice3A_261 : vector<8x128xi32> to vector<8x128x1xi32>
    %eq3A_264 = vector.broadcast %broadcast_in_dim3A_263 : vector<8x128x1xi32> to vector<8x128x128xi32>
    %eq3A_265 = arith.cmpi eq, %eq3A_264, %iota3A_191 : vector<8x128x128xi32>
    %broadcast_in_dim3A_266 = vector.shape_cast %slice3A_262 : vector<8x128xf32> to vector<8x128x1xf32>
    %jit3A_267 = arith.constant 0.000000e+00 : f32
    %broadcast_in_dim3A_268 = vector.shape_cast %broadcast_in_dim3A_266 : vector<8x128x1xf32> to vector<8x128x1xf32>
    %broadcast_in_dim3A_269 = vector.broadcast %broadcast_in_dim3A_268 : vector<8x128x1xf32> to vector<8x128x128xf32>
    %broadcast_in_dim3A_270 = vector.broadcast %jit3A_267 : f32 to vector<8x128x128xf32>
    %select_n3A_271 = arith.select %eq3A_265, %broadcast_in_dim3A_269, %broadcast_in_dim3A_270 : vector<8x128x128xi1>, vector<8x128x128xf32>
    %reduce_sum3A_272 = arith.constant dense<0.000000e+00> : vector<8x128xf32>
    %reduce_sum3A_273 = vector.multi_reduction <add>, %select_n3A_271, %reduce_sum3A_272 [1] : vector<8x128x128xf32> to vector<8x128xf32>
    %add3A_274 = arith.addf %add3A_260, %reduce_sum3A_273 : vector<8x128xf32>
    %slice3A_275 = vector.extract_strided_slice %min3A_188 {offsets = [48, 0], sizes = [8, 128], strides = [1, 1]} : vector<128x128xi32> to vector<8x128xi32>
    %slice3A_276 = vector.extract_strided_slice %select_n3A_150 {offsets = [48, 0], sizes = [8, 128], strides = [1, 1]} : vector<128x128xf32> to vector<8x128xf32>
    %broadcast_in_dim3A_277 = vector.shape_cast %slice3A_275 : vector<8x128xi32> to vector<8x128x1xi32>
    %eq3A_278 = vector.broadcast %broadcast_in_dim3A_277 : vector<8x128x1xi32> to vector<8x128x128xi32>
    %eq3A_279 = arith.cmpi eq, %eq3A_278, %iota3A_191 : vector<8x128x128xi32>
    %broadcast_in_dim3A_280 = vector.shape_cast %slice3A_276 : vector<8x128xf32> to vector<8x128x1xf32>
    %jit3A_281 = arith.constant 0.000000e+00 : f32
    %broadcast_in_dim3A_282 = vector.shape_cast %broadcast_in_dim3A_280 : vector<8x128x1xf32> to vector<8x128x1xf32>
    %broadcast_in_dim3A_283 = vector.broadcast %broadcast_in_dim3A_282 : vector<8x128x1xf32> to vector<8x128x128xf32>
    %broadcast_in_dim3A_284 = vector.broadcast %jit3A_281 : f32 to vector<8x128x128xf32>
    %select_n3A_285 = arith.select %eq3A_279, %broadcast_in_dim3A_283, %broadcast_in_dim3A_284 : vector<8x128x128xi1>, vector<8x128x128xf32>
    %reduce_sum3A_286 = arith.constant dense<0.000000e+00> : vector<8x128xf32>
    %reduce_sum3A_287 = vector.multi_reduction <add>, %select_n3A_285, %reduce_sum3A_286 [1] : vector<8x128x128xf32> to vector<8x128xf32>
    %add3A_288 = arith.addf %add3A_274, %reduce_sum3A_287 : vector<8x128xf32>
    %slice3A_289 = vector.extract_strided_slice %min3A_188 {offsets = [56, 0], sizes = [8, 128], strides = [1, 1]} : vector<128x128xi32> to vector<8x128xi32>
    %slice3A_290 = vector.extract_strided_slice %select_n3A_150 {offsets = [56, 0], sizes = [8, 128], strides = [1, 1]} : vector<128x128xf32> to vector<8x128xf32>
    %broadcast_in_dim3A_291 = vector.shape_cast %slice3A_289 : vector<8x128xi32> to vector<8x128x1xi32>
    %eq3A_292 = vector.broadcast %broadcast_in_dim3A_291 : vector<8x128x1xi32> to vector<8x128x128xi32>
    %eq3A_293 = arith.cmpi eq, %eq3A_292, %iota3A_191 : vector<8x128x128xi32>
    %broadcast_in_dim3A_294 = vector.shape_cast %slice3A_290 : vector<8x128xf32> to vector<8x128x1xf32>
    %jit3A_295 = arith.constant 0.000000e+00 : f32
    %broadcast_in_dim3A_296 = vector.shape_cast %broadcast_in_dim3A_294 : vector<8x128x1xf32> to vector<8x128x1xf32>
    %broadcast_in_dim3A_297 = vector.broadcast %broadcast_in_dim3A_296 : vector<8x128x1xf32> to vector<8x128x128xf32>
    %broadcast_in_dim3A_298 = vector.broadcast %jit3A_295 : f32 to vector<8x128x128xf32>
    %select_n3A_299 = arith.select %eq3A_293, %broadcast_in_dim3A_297, %broadcast_in_dim3A_298 : vector<8x128x128xi1>, vector<8x128x128xf32>
    %reduce_sum3A_300 = arith.constant dense<0.000000e+00> : vector<8x128xf32>
    %reduce_sum3A_301 = vector.multi_reduction <add>, %select_n3A_299, %reduce_sum3A_300 [1] : vector<8x128x128xf32> to vector<8x128xf32>
    %add3A_302 = arith.addf %add3A_288, %reduce_sum3A_301 : vector<8x128xf32>
    %slice3A_303 = vector.extract_strided_slice %min3A_188 {offsets = [64, 0], sizes = [8, 128], strides = [1, 1]} : vector<128x128xi32> to vector<8x128xi32>
    %slice3A_304 = vector.extract_strided_slice %select_n3A_150 {offsets = [64, 0], sizes = [8, 128], strides = [1, 1]} : vector<128x128xf32> to vector<8x128xf32>
    %broadcast_in_dim3A_305 = vector.shape_cast %slice3A_303 : vector<8x128xi32> to vector<8x128x1xi32>
    %eq3A_306 = vector.broadcast %broadcast_in_dim3A_305 : vector<8x128x1xi32> to vector<8x128x128xi32>
    %eq3A_307 = arith.cmpi eq, %eq3A_306, %iota3A_191 : vector<8x128x128xi32>
    %broadcast_in_dim3A_308 = vector.shape_cast %slice3A_304 : vector<8x128xf32> to vector<8x128x1xf32>
    %jit3A_309 = arith.constant 0.000000e+00 : f32
    %broadcast_in_dim3A_310 = vector.shape_cast %broadcast_in_dim3A_308 : vector<8x128x1xf32> to vector<8x128x1xf32>
    %broadcast_in_dim3A_311 = vector.broadcast %broadcast_in_dim3A_310 : vector<8x128x1xf32> to vector<8x128x128xf32>
    %broadcast_in_dim3A_312 = vector.broadcast %jit3A_309 : f32 to vector<8x128x128xf32>
    %select_n3A_313 = arith.select %eq3A_307, %broadcast_in_dim3A_311, %broadcast_in_dim3A_312 : vector<8x128x128xi1>, vector<8x128x128xf32>
    %reduce_sum3A_314 = arith.constant dense<0.000000e+00> : vector<8x128xf32>
    %reduce_sum3A_315 = vector.multi_reduction <add>, %select_n3A_313, %reduce_sum3A_314 [1] : vector<8x128x128xf32> to vector<8x128xf32>
    %add3A_316 = arith.addf %add3A_302, %reduce_sum3A_315 : vector<8x128xf32>
    %slice3A_317 = vector.extract_strided_slice %min3A_188 {offsets = [72, 0], sizes = [8, 128], strides = [1, 1]} : vector<128x128xi32> to vector<8x128xi32>
    %slice3A_318 = vector.extract_strided_slice %select_n3A_150 {offsets = [72, 0], sizes = [8, 128], strides = [1, 1]} : vector<128x128xf32> to vector<8x128xf32>
    %broadcast_in_dim3A_319 = vector.shape_cast %slice3A_317 : vector<8x128xi32> to vector<8x128x1xi32>
    %eq3A_320 = vector.broadcast %broadcast_in_dim3A_319 : vector<8x128x1xi32> to vector<8x128x128xi32>
    %eq3A_321 = arith.cmpi eq, %eq3A_320, %iota3A_191 : vector<8x128x128xi32>
    %broadcast_in_dim3A_322 = vector.shape_cast %slice3A_318 : vector<8x128xf32> to vector<8x128x1xf32>
    %jit3A_323 = arith.constant 0.000000e+00 : f32
    %broadcast_in_dim3A_324 = vector.shape_cast %broadcast_in_dim3A_322 : vector<8x128x1xf32> to vector<8x128x1xf32>
    %broadcast_in_dim3A_325 = vector.broadcast %broadcast_in_dim3A_324 : vector<8x128x1xf32> to vector<8x128x128xf32>
    %broadcast_in_dim3A_326 = vector.broadcast %jit3A_323 : f32 to vector<8x128x128xf32>
    %select_n3A_327 = arith.select %eq3A_321, %broadcast_in_dim3A_325, %broadcast_in_dim3A_326 : vector<8x128x128xi1>, vector<8x128x128xf32>
    %reduce_sum3A_328 = arith.constant dense<0.000000e+00> : vector<8x128xf32>
    %reduce_sum3A_329 = vector.multi_reduction <add>, %select_n3A_327, %reduce_sum3A_328 [1] : vector<8x128x128xf32> to vector<8x128xf32>
    %add3A_330 = arith.addf %add3A_316, %reduce_sum3A_329 : vector<8x128xf32>
    %slice3A_331 = vector.extract_strided_slice %min3A_188 {offsets = [80, 0], sizes = [8, 128], strides = [1, 1]} : vector<128x128xi32> to vector<8x128xi32>
    %slice3A_332 = vector.extract_strided_slice %select_n3A_150 {offsets = [80, 0], sizes = [8, 128], strides = [1, 1]} : vector<128x128xf32> to vector<8x128xf32>
    %broadcast_in_dim3A_333 = vector.shape_cast %slice3A_331 : vector<8x128xi32> to vector<8x128x1xi32>
    %eq3A_334 = vector.broadcast %broadcast_in_dim3A_333 : vector<8x128x1xi32> to vector<8x128x128xi32>
    %eq3A_335 = arith.cmpi eq, %eq3A_334, %iota3A_191 : vector<8x128x128xi32>
    %broadcast_in_dim3A_336 = vector.shape_cast %slice3A_332 : vector<8x128xf32> to vector<8x128x1xf32>
    %jit3A_337 = arith.constant 0.000000e+00 : f32
    %broadcast_in_dim3A_338 = vector.shape_cast %broadcast_in_dim3A_336 : vector<8x128x1xf32> to vector<8x128x1xf32>
    %broadcast_in_dim3A_339 = vector.broadcast %broadcast_in_dim3A_338 : vector<8x128x1xf32> to vector<8x128x128xf32>
    %broadcast_in_dim3A_340 = vector.broadcast %jit3A_337 : f32 to vector<8x128x128xf32>
    %select_n3A_341 = arith.select %eq3A_335, %broadcast_in_dim3A_339, %broadcast_in_dim3A_340 : vector<8x128x128xi1>, vector<8x128x128xf32>
    %reduce_sum3A_342 = arith.constant dense<0.000000e+00> : vector<8x128xf32>
    %reduce_sum3A_343 = vector.multi_reduction <add>, %select_n3A_341, %reduce_sum3A_342 [1] : vector<8x128x128xf32> to vector<8x128xf32>
    %add3A_344 = arith.addf %add3A_330, %reduce_sum3A_343 : vector<8x128xf32>
    %slice3A_345 = vector.extract_strided_slice %min3A_188 {offsets = [88, 0], sizes = [8, 128], strides = [1, 1]} : vector<128x128xi32> to vector<8x128xi32>
    %slice3A_346 = vector.extract_strided_slice %select_n3A_150 {offsets = [88, 0], sizes = [8, 128], strides = [1, 1]} : vector<128x128xf32> to vector<8x128xf32>
    %broadcast_in_dim3A_347 = vector.shape_cast %slice3A_345 : vector<8x128xi32> to vector<8x128x1xi32>
    %eq3A_348 = vector.broadcast %broadcast_in_dim3A_347 : vector<8x128x1xi32> to vector<8x128x128xi32>
    %eq3A_349 = arith.cmpi eq, %eq3A_348, %iota3A_191 : vector<8x128x128xi32>
    %broadcast_in_dim3A_350 = vector.shape_cast %slice3A_346 : vector<8x128xf32> to vector<8x128x1xf32>
    %jit3A_351 = arith.constant 0.000000e+00 : f32
    %broadcast_in_dim3A_352 = vector.shape_cast %broadcast_in_dim3A_350 : vector<8x128x1xf32> to vector<8x128x1xf32>
    %broadcast_in_dim3A_353 = vector.broadcast %broadcast_in_dim3A_352 : vector<8x128x1xf32> to vector<8x128x128xf32>
    %broadcast_in_dim3A_354 = vector.broadcast %jit3A_351 : f32 to vector<8x128x128xf32>
    %select_n3A_355 = arith.select %eq3A_349, %broadcast_in_dim3A_353, %broadcast_in_dim3A_354 : vector<8x128x128xi1>, vector<8x128x128xf32>
    %reduce_sum3A_356 = arith.constant dense<0.000000e+00> : vector<8x128xf32>
    %reduce_sum3A_357 = vector.multi_reduction <add>, %select_n3A_355, %reduce_sum3A_356 [1] : vector<8x128x128xf32> to vector<8x128xf32>
    %add3A_358 = arith.addf %add3A_344, %reduce_sum3A_357 : vector<8x128xf32>
    %slice3A_359 = vector.extract_strided_slice %min3A_188 {offsets = [96, 0], sizes = [8, 128], strides = [1, 1]} : vector<128x128xi32> to vector<8x128xi32>
    %slice3A_360 = vector.extract_strided_slice %select_n3A_150 {offsets = [96, 0], sizes = [8, 128], strides = [1, 1]} : vector<128x128xf32> to vector<8x128xf32>
    %broadcast_in_dim3A_361 = vector.shape_cast %slice3A_359 : vector<8x128xi32> to vector<8x128x1xi32>
    %eq3A_362 = vector.broadcast %broadcast_in_dim3A_361 : vector<8x128x1xi32> to vector<8x128x128xi32>
    %eq3A_363 = arith.cmpi eq, %eq3A_362, %iota3A_191 : vector<8x128x128xi32>
    %broadcast_in_dim3A_364 = vector.shape_cast %slice3A_360 : vector<8x128xf32> to vector<8x128x1xf32>
    %jit3A_365 = arith.constant 0.000000e+00 : f32
    %broadcast_in_dim3A_366 = vector.shape_cast %broadcast_in_dim3A_364 : vector<8x128x1xf32> to vector<8x128x1xf32>
    %broadcast_in_dim3A_367 = vector.broadcast %broadcast_in_dim3A_366 : vector<8x128x1xf32> to vector<8x128x128xf32>
    %broadcast_in_dim3A_368 = vector.broadcast %jit3A_365 : f32 to vector<8x128x128xf32>
    %select_n3A_369 = arith.select %eq3A_363, %broadcast_in_dim3A_367, %broadcast_in_dim3A_368 : vector<8x128x128xi1>, vector<8x128x128xf32>
    %reduce_sum3A_370 = arith.constant dense<0.000000e+00> : vector<8x128xf32>
    %reduce_sum3A_371 = vector.multi_reduction <add>, %select_n3A_369, %reduce_sum3A_370 [1] : vector<8x128x128xf32> to vector<8x128xf32>
    %add3A_372 = arith.addf %add3A_358, %reduce_sum3A_371 : vector<8x128xf32>
    %slice3A_373 = vector.extract_strided_slice %min3A_188 {offsets = [104, 0], sizes = [8, 128], strides = [1, 1]} : vector<128x128xi32> to vector<8x128xi32>
    %slice3A_374 = vector.extract_strided_slice %select_n3A_150 {offsets = [104, 0], sizes = [8, 128], strides = [1, 1]} : vector<128x128xf32> to vector<8x128xf32>
    %broadcast_in_dim3A_375 = vector.shape_cast %slice3A_373 : vector<8x128xi32> to vector<8x128x1xi32>
    %eq3A_376 = vector.broadcast %broadcast_in_dim3A_375 : vector<8x128x1xi32> to vector<8x128x128xi32>
    %eq3A_377 = arith.cmpi eq, %eq3A_376, %iota3A_191 : vector<8x128x128xi32>
    %broadcast_in_dim3A_378 = vector.shape_cast %slice3A_374 : vector<8x128xf32> to vector<8x128x1xf32>
    %jit3A_379 = arith.constant 0.000000e+00 : f32
    %broadcast_in_dim3A_380 = vector.shape_cast %broadcast_in_dim3A_378 : vector<8x128x1xf32> to vector<8x128x1xf32>
    %broadcast_in_dim3A_381 = vector.broadcast %broadcast_in_dim3A_380 : vector<8x128x1xf32> to vector<8x128x128xf32>
    %broadcast_in_dim3A_382 = vector.broadcast %jit3A_379 : f32 to vector<8x128x128xf32>
    %select_n3A_383 = arith.select %eq3A_377, %broadcast_in_dim3A_381, %broadcast_in_dim3A_382 : vector<8x128x128xi1>, vector<8x128x128xf32>
    %reduce_sum3A_384 = arith.constant dense<0.000000e+00> : vector<8x128xf32>
    %reduce_sum3A_385 = vector.multi_reduction <add>, %select_n3A_383, %reduce_sum3A_384 [1] : vector<8x128x128xf32> to vector<8x128xf32>
    %add3A_386 = arith.addf %add3A_372, %reduce_sum3A_385 : vector<8x128xf32>
    %slice3A_387 = vector.extract_strided_slice %min3A_188 {offsets = [112, 0], sizes = [8, 128], strides = [1, 1]} : vector<128x128xi32> to vector<8x128xi32>
    %slice3A_388 = vector.extract_strided_slice %select_n3A_150 {offsets = [112, 0], sizes = [8, 128], strides = [1, 1]} : vector<128x128xf32> to vector<8x128xf32>
    %broadcast_in_dim3A_389 = vector.shape_cast %slice3A_387 : vector<8x128xi32> to vector<8x128x1xi32>
    %eq3A_390 = vector.broadcast %broadcast_in_dim3A_389 : vector<8x128x1xi32> to vector<8x128x128xi32>
    %eq3A_391 = arith.cmpi eq, %eq3A_390, %iota3A_191 : vector<8x128x128xi32>
    %broadcast_in_dim3A_392 = vector.shape_cast %slice3A_388 : vector<8x128xf32> to vector<8x128x1xf32>
    %jit3A_393 = arith.constant 0.000000e+00 : f32
    %broadcast_in_dim3A_394 = vector.shape_cast %broadcast_in_dim3A_392 : vector<8x128x1xf32> to vector<8x128x1xf32>
    %broadcast_in_dim3A_395 = vector.broadcast %broadcast_in_dim3A_394 : vector<8x128x1xf32> to vector<8x128x128xf32>
    %broadcast_in_dim3A_396 = vector.broadcast %jit3A_393 : f32 to vector<8x128x128xf32>
    %select_n3A_397 = arith.select %eq3A_391, %broadcast_in_dim3A_395, %broadcast_in_dim3A_396 : vector<8x128x128xi1>, vector<8x128x128xf32>
    %reduce_sum3A_398 = arith.constant dense<0.000000e+00> : vector<8x128xf32>
    %reduce_sum3A_399 = vector.multi_reduction <add>, %select_n3A_397, %reduce_sum3A_398 [1] : vector<8x128x128xf32> to vector<8x128xf32>
    %add3A_400 = arith.addf %add3A_386, %reduce_sum3A_399 : vector<8x128xf32>
    %slice3A_401 = vector.extract_strided_slice %min3A_188 {offsets = [120, 0], sizes = [8, 128], strides = [1, 1]} : vector<128x128xi32> to vector<8x128xi32>
    %slice3A_402 = vector.extract_strided_slice %select_n3A_150 {offsets = [120, 0], sizes = [8, 128], strides = [1, 1]} : vector<128x128xf32> to vector<8x128xf32>
    %broadcast_in_dim3A_403 = vector.shape_cast %slice3A_401 : vector<8x128xi32> to vector<8x128x1xi32>
    %eq3A_404 = vector.broadcast %broadcast_in_dim3A_403 : vector<8x128x1xi32> to vector<8x128x128xi32>
    %eq3A_405 = arith.cmpi eq, %eq3A_404, %iota3A_191 : vector<8x128x128xi32>
    %broadcast_in_dim3A_406 = vector.shape_cast %slice3A_402 : vector<8x128xf32> to vector<8x128x1xf32>
    %jit3A_407 = arith.constant 0.000000e+00 : f32
    %broadcast_in_dim3A_408 = vector.shape_cast %broadcast_in_dim3A_406 : vector<8x128x1xf32> to vector<8x128x1xf32>
    %broadcast_in_dim3A_409 = vector.broadcast %broadcast_in_dim3A_408 : vector<8x128x1xf32> to vector<8x128x128xf32>
    %broadcast_in_dim3A_410 = vector.broadcast %jit3A_407 : f32 to vector<8x128x128xf32>
    %select_n3A_411 = arith.select %eq3A_405, %broadcast_in_dim3A_409, %broadcast_in_dim3A_410 : vector<8x128x128xi1>, vector<8x128x128xf32>
    %reduce_sum3A_412 = arith.constant dense<0.000000e+00> : vector<8x128xf32>
    %reduce_sum3A_413 = vector.multi_reduction <add>, %select_n3A_411, %reduce_sum3A_412 [1] : vector<8x128x128xf32> to vector<8x128xf32>
    %add3A_414 = arith.addf %add3A_400, %reduce_sum3A_413 : vector<8x128xf32>
    %reduce_sum3A_415 = arith.constant dense<0.000000e+00> : vector<128xf32>
    %reduce_sum3A_416 = vector.multi_reduction <add>, %add3A_414, %reduce_sum3A_415 [0] : vector<8x128xf32> to vector<128xf32>
    %broadcast_in_dim3A_417 = vector.shape_cast %reduce_sum3A_416 : vector<128xf32> to vector<1x128xf32>
    %swap3A = arith.constant 0 : index
    %swap3A_418 = arith.constant 0 : index
    %swap3A_419 = vector.load %arg5[%swap3A, %swap3A_418] : memref<1x128xf32, #tpu.memory_space<vmem>>, vector<1x128xf32>
    tpu.vector_store %arg5[%swap3A, %swap3A_418], %broadcast_in_dim3A_417 {strides = array<i32>} : memref<1x128xf32, #tpu.memory_space<vmem>>, vector<1x128xf32>,
    return
  }
}

</mosaic_0001>

<sc_bundles>
// kernel: kernel.5.cloned.1.call-start
scs
__scs_entry_jumppad:
0x0: {  	(pc) =	sbr.rel $0x88, $3  }
0x1: {  	(tag) =	ssettag $0x0;
	lr =	simm.s32 $0x1  }
0x2: {  	[smem:$0x3F97] =	sst lr;
	_ =	strace $0xD0000000  }
0x3: {  	_ = 	snop  }
0x4: {  	_ = 	snop  }
0x5: {  	_ = 	snop  }
0x6: {  	_ = 	snop  }
0x7: {  	_ = 	snop  }
__scs_overlays_trampoline_lowered:
0x8: {  	[smem:$0x3FA6] =	sst s0  }
0x9: {  	[smem:$0x3FA7] =	sst s1  }
0xa: {  	[smem:$0x3FA8] =	sst s2  }
0xb: {  	[smem:$0x3FA9] =	sst s3  }
0xc: {  	[smem:$0x3FAA] =	sst s4  }
0xd: {  	[smem:$0x3FAB] =	sst s5  }
0xe: {  	[smem:$0x3FAC] =	sst s6  }
0xf: {  	[smem:$0x3FAD] =	sst s7  }
0x10: {  	[smem:$0x3FAE] =	sst s8  }
0x11: {  	[smem:$0x3FAF] =	sst s9;
	s0 =	simm.s32 @!p0 $0x0  }
0x12: {  	s1 =	sld [smem:$0x3F95];
	s0 =	simm.s32 @p0 $0x1  }
0x13: {  	[smem:$0x3FB0] =	sst s0;
	s0 =	simm.s32 @!p1 $0x0  }
0x14: {  	s2 =	sld [smem:$0x3F94];
	s0 =	simm.s32 @p1 $0x1  }
0x15: {  	[smem:$0x3FB1] =	sst s0;
	s0 =	simm.s32 @!p2 $0x0  }
0x16: {  	s3 =	sld [smem:$0x3FDB];
	s0 =	simm.s32 @p2 $0x1  }
0x17: {  	s4 =	simm.s32 $0x1BF5;
	[smem:$0x3FB3] =	sst s0  }
0x18: {  	s0 =	sld [smem:$0x3F96];
	_ =	swait.ge [sflag:s4], $0x0  }
0x19: {  	s7 =	sld [smem:$0x3F97]  }
0x1a: {  	s8 =	sadd.s32 $0xFFFFE003, lr  }
0x1b: {  	s9 =	sadd.s32 $0xFFFFFEF7, lr;
	s5 =	simm.s32 $0xFFFFFFFF;
	p2 =	slt.u32 s8, $0xFFFFF086  }
0x1c: {  	p1 =	slt.u32 s9, $0xF7A;
	s5 =	simm.s32 @!p2 $0x0  }
0x1d: {  	s5 =	simm.s32 @p1 $0x1;
	p0 =	seq.s32 s7, s2  }
0x1e: {  	s7 =	smul.u32 @!p0 $0xF7A, s2;
	p2 =	seq.s32 @!p0 s5, $0x0  }
0x1f: {  	s9 =	smul.u32 $0xF7A, s1;
	s8 =	simm.s32 @!p0 $0x1BF5;
	p2 =	por !p2, p0  }
0x20: {  	[sflag:s8] =	ssyncset.s32 @!p0 $0xFFFFF086;
	s6 =	sadd.s32 @!p0 s3, s7;
	s7 =	simm.s32 @!p0 $0x108  }
0x21: {  	s3 =	sadd.s32 s3, s9;
	s6 =	sadd.s32 @!p0 $0x88, s6;
	s7 =	simm.s32 @p2 $0x1082  }
0x22: {  	[simem:s7], [sflag:s8] =	dma.local @!p0 [hbm:s6], $0xF7A  }
0x23: {  	s9 =	sor.u32 $0xD0000000, s2;
	s6 =	simm.s32 $0x108;
	_ =	swait.ge @!p0 [sflag:s8], $0x0  }
0x24: {  	s3 =	sadd.s32 $0x88, s3;
	s6 =	simm.s32 @!p1 $0x1082;
	[sflag:s4] =	ssyncset.s32 $0xFFFFF086  }
0x25: {  	[simem:s6], [sflag:s4] =	dma.local [hbm:s3], $0xF7A  }
0x26: {  	[smem:$0x3F97] =	sst s1;
	(tag) =	ssettag s2;
	_ =	strace s9  }
0x27: {  	s1 =	sld [smem:$0x3FA7]  }
0x28: {  	s2 =	sld [smem:$0x3FA8]  }
0x29: {  	s4 =	sld [smem:$0x3FAA]  }
0x2a: {  	p0 =	seq.s32 s5, $0x0;
	s5 =	sld [smem:$0x3FAB]  }
0x2b: {  	s6 =	sld [smem:$0x3FAC]  }
0x2c: {  	s7 =	sld [smem:$0x3FAD]  }
0x2d: {  	s3 =	simm.s32 $0x108;
	s8 =	sld [smem:$0x3FAE]  }
0x2e: {  	s3 =	simm.s32 @!p0 $0x1082;
	s9 =	sld [smem:$0x3FAF]  }
0x2f: {  	lr =	sadd.s32 s0, s3;
	s0 =	sld [smem:$0x3FA6]  }
0x30: {  	s3 =	sld [smem:$0x3FA9]  }
0x31: {  	[smem:$0x3FB2] =	sst s10  }
0x32: {  	s10 =	sld [smem:$0x3FB0];
	_ =	sdelay $0x3  }
0x33: {  	p0 =	seq.s32 s10, $0x1;
	s10 =	sld [smem:$0x3FB2];
	_ =	sdelay $0x3  }
0x34: {  	[smem:$0x3FB2] =	sst s10  }
0x35: {  	s10 =	sld [smem:$0x3FB1];
	_ =	sdelay $0x3  }
0x36: {  	p1 =	seq.s32 s10, $0x1;
	s10 =	sld [smem:$0x3FB2];
	_ =	sdelay $0x3  }
0x37: {  	[smem:$0x3FB2] =	sst s10  }
0x38: {  	s10 =	sld [smem:$0x3FB3]  }
0x39: {  	_ = 	snop;
	(pc) =	sbr.ind lr, $3  }
0x3a: {  	_ = 	snop  }
0x3b: {  	_ = 	snop  }
0x3c: {  	p2 =	seq.s32 s10, $0x1;
	s10 =	sld [smem:$0x3FB2]  }
0x3d: {  	_ =	shalt  }
0x3e: {  	_ =	shalt  }
0x3f: {  	_ =	shalt  }
0x40: {  	_ =	shalt  }
0x41: {  	_ =	shalt  }
0x42: {  	_ =	shalt  }
0x43: {  	_ =	shalt  }
0x44: {  	_ =	shalt  }
0x45: {  	_ =	shalt  }
0x46: {  	_ =	shalt  }
0x47: {  	_ =	shalt  }
0x48: {  	_ =	shalt  }
0x49: {  	_ =	shalt  }
0x4a: {  	_ =	shalt  }
0x4b: {  	_ =	shalt  }
0x4c: {  	_ =	shalt  }
0x4d: {  	_ =	shalt  }
0x4e: {  	_ =	shalt  }
0x4f: {  	_ =	shalt  }
0x50: {  	_ =	shalt  }
0x51: {  	_ =	shalt  }
0x52: {  	_ =	shalt  }
0x53: {  	_ =	shalt  }
0x54: {  	_ =	shalt  }
0x55: {  	_ =	shalt  }
0x56: {  	_ =	shalt  }
0x57: {  	_ =	shalt  }
0x58: {  	_ =	shalt  }
0x59: {  	_ =	shalt  }
0x5a: {  	_ =	shalt  }
0x5b: {  	_ =	shalt  }
0x5c: {  	_ =	shalt  }
0x5d: {  	_ =	shalt  }
0x5e: {  	_ =	shalt  }
0x5f: {  	_ =	shalt  }
0x60: {  	_ =	shalt  }
0x61: {  	_ =	shalt  }
0x62: {  	_ =	shalt  }
0x63: {  	_ =	shalt  }
0x64: {  	_ =	shalt  }
0x65: {  	_ =	shalt  }
0x66: {  	_ =	shalt  }
0x67: {  	_ =	shalt  }
0x68: {  	_ =	shalt  }
0x69: {  	_ =	shalt  }
0x6a: {  	_ =	shalt  }
0x6b: {  	_ =	shalt  }
0x6c: {  	_ =	shalt  }
0x6d: {  	_ =	shalt  }
0x6e: {  	_ =	shalt  }
0x6f: {  	_ =	shalt  }
0x70: {  	_ =	shalt  }
0x71: {  	_ =	shalt  }
0x72: {  	_ =	shalt  }
0x73: {  	_ =	shalt  }
0x74: {  	_ =	shalt  }
0x75: {  	_ =	shalt  }
0x76: {  	_ =	shalt  }
0x77: {  	_ =	shalt  }
0x78: {  	_ =	shalt  }
0x79: {  	_ =	shalt  }
0x7a: {  	_ =	shalt  }
0x7b: {  	_ =	shalt  }
0x7c: {  	_ =	shalt  }
0x7d: {  	_ =	shalt  }
0x7e: {  	_ =	shalt  }
0x7f: {  	_ =	shalt  }
0x80: {  	_ =	shalt  }
0x81: {  	_ =	shalt  }
0x82: {  	_ =	shalt  }
0x83: {  	_ =	shalt  }
0x84: {  	_ =	shalt  }
0x85: {  	_ =	shalt  }
0x86: {  	_ =	shalt  }
0x87: {  	_ =	shalt  }
.Lfunc_end0:
.L_simem_size_0:
called_computation_lowered:
.L_overlay_start_0:
0x88: {  	s2 =	sld [smem:$0x3FD9]  }
0x89: {  	s3 =	sld [smem:$0x3FFE];
	_ =	sdelay $0x1  }
0x8a: {  	s1 =	srdreg.scid  }
0x8b: {  	s0 =	sand.u32 $0x1, s1  }
0x8c: {  	s17 =	sshll.u32 s0, $0xA;
	s2 =	sadd.s32 s3, s2  }
0x8d: {  	s2 =	sadd.s32 s2, s17  }
0x8e: {  	[smem:$0x3FBE] =	sst s2  }
0x8f: {  	_ = 	snop  }
0x90: {  	s2 =	sld [smem:$0x3FC2];
	(tm) =	ssettm $0x1  }
0x91: {  	s18 =	sld [smem:$0x3FFB];
	_ =	sdelay $0x3  }
0x92: {  	_ =	strace s18  }
0x93: {  	s3 =	sld [smem:$0x3FFC];
	_ =	sdelay $0x3  }
0x94: {  	_ =	strace s3  }
0x95: {  	s3 =	sld [smem:$0x3FFD];
	_ =	sdelay $0x3  }
0x96: {  	_ =	strace s3  }
0x97: {  	_ =	strace $0x8FFFFFFF  }
0x98: {  	s19 =	sld [smem:$0x3FDB];
	_ =	sdelay $0x1  }
0x99: {  	s4 =	simm.s32 $_scs_section_size  }
0x9a: {  	s5 =	simm.s32 $_size__tile_overlayer_lowered;
	s6 =	simm.s32 $_tile_overlayer_lowered  }
0x9b: {  	s22 =	simm.s32 $0x1BFF;
	s21 =	sshll.u32 s6, $0x1;
	s3 =	sadd.s32 s4, s19  }
0x9c: {  	s7 =	simm.s32 $0x0;
	s20 =	sshll.u32 s5, $0x1;
	s5 =	sadd.s32 s21, s3  }
0x9d: {  	[timem:s7], [sflag:s22] =	dma.local [hbm:s5], s20  }
0x9e: {  	_ =	swait.ge [sflag:s22], s20  }
0x9f: {  	s4 =	ssub.s32 $0x0, s20;
	[sflag:s22] =	ssyncset.done $0x0  }
0xa0: {  	[sflag:s22] =	ssyncadd.s32 s4;
	_ =	sdelay $0x1  }
0xa1: {  	s23 =	simm.s32 $0x1B8B  }
0xa2: {  	_ =	swait.ge [sflag:s23], $0x1  }
0xa3: {  	[sflag:s23] =	ssyncset.done $0x0  }
0xa4: {  	s25 =	simm.s32 $0x1B8E;
	s24 =	sld [smem:$0x3FFE];
	[sflag:s23] =	ssyncadd.s32 $0xFFFFFFFF  }
0xa5: {  	s26 =	simm.s32 $execute0_lowered;
	[smem:$0x3FD2] =	sst s25  }
0xa6: {  	s5 =	sshll.u32 s26, $0x1;
	_ =	strace $0x80000046;
	[dreg:$0x1] =	wrdreg $0xFFFFFFFF  }
0xa7: {  	s28 =	simm.s32 $_size_execute0_lowered;
	s3 =	sadd.s32 s3, s5;
	[dreg:$0x0] =	wrdreg $0x0  }
0xa8: {  	s5 =	sshll.u32 s28, $0x1;
	[dreg:$0x2] =	wrdreg s3  }
0xa9: {  	[dreg:$0x3] =	wrdreg s5  }
0xaa: {  	[dreg:$0x4] =	wrdreg $0xC0  }
0xab: {  	_ =	task [dreg:s7], $0x5FFFF  }
0xac: {  	[dreg:$0x1] =	wrdreg $0xFFFFFFFF  }
0xad: {  	[dreg:$0x0] =	wrdreg $0x60  }
0xae: {  	[dreg:$0x2] =	wrdreg s2  }
0xaf: {  	[dreg:$0x3] =	wrdreg s24  }
0xb0: {  	[dreg:$0x4] =	wrdreg $0x9  }
0xb1: {  	_ =	task.clear_ibuf [dreg:s7], $0x5FFFF;
	_ =	strace $0x90000046  }
0xb2: {  	s29 =	simm.s32 $0x9;
	_ =	strace $0x80000048  }
0xb3: {  	_ =	swait.ge [sflag:s29], $0x1  }
0xb4: {  	[sflag:s29] =	ssyncadd.s32 $0xFFFFFFFF  }
0xb5: {  	_ =	strace $0x90000048  }
0xb6: {  	_ =	sfence  }
0xb7: {  	s30 =	sld [smem:$0x0];
	_ =	sdelay $0x2  }
0xb8: {  	s31 =	sshll.u32 s1, $0xD;
	s1 =	sshrl.u32 s1, $0x2  }
0xb9: {  	s3 =	sand.u32 $0x4000, s31;
	s1 =	sadd.s32 s1, s30  }
0xba: {  	s0 =	sor.u32 s3, s0;
	s1 =	sshll.u32 s1, $0x11  }
0xbb: {  	s0 =	sor.u32 s1, s0  }
0xbc: {  	s0 =	sadd.s32 $0x8F2B, s0  }
0xbd: {  	[sflag:s0] =	ssyncadd.remote.s32 $0x1  }
0xbe: {  	_ =	sfence.sel $0xFFFF  }
0xbf: {  	[dreg:$0x0] =	wrdreg $0xFFFFFFFF;
	(pc) =	sbr.abs _section_cstart, $3  }
0xc0: {  	[dreg:$0x1] =	wrdreg $0xFFFFFFFF  }
0xc1: {  	_ =	task.clear_ibuf [dreg:s7], $0x2FFFF;
	_ =	strace $0x9FFFFFFF  }
0xc2: {  	(tm) =	ssettm $0x7FFFFFFF  }
0xc3: {  	_ =	shalt  }
tec
execute0_lowered:
.L_overlay_start_1:
0x0: {  	(tag) =	ssettag $0x1  }
0x1: {  	s1 =	rddreg [dreg:$0x0]  }
0x2: {  	s0 =	rddreg [dreg:$0x1];
	s3 =	simm.s32 $0x0;
	s2 =	srdreg.scid  }
0x3: {  	s5 =	stileid.u32;
	[smem:$0x7FF] =	sst s3  }
0x4: {  	s2 =	sand.u32 $0x1, s2;
	s4 =	sshll.u32 s5, $0x1;
	s6 =	sshll.u32 s5, $0xC  }
0x5: {  	_ =	strace $0x80000047;
	s7 =	sor.u32 s2, s4;
	s2 =	ssub.s32 $0x2, s2  }
0x6: {  	s8 =	sshll.u32 s7, $0x4;
	s25 =	sshll.u32 s7, $0xD;
	s7 =	sshll.u32 s7, $0x10  }
0x7: {  	s4 =	sadd.s32 $0xA00, s0;
	s9 =	sshrl.u32 s2, $0x1;
	s16 =	sor.u32 $0x1000, s7  }
0x8: {  	s2 =	ssub.s32 s2, s9;
	s9 =	sadd.s32 s1, s25;
	[dreg:$0xb] =	wrdreg s16  }
0x9: {  	s5 =	sadd.s32 $0x81000, s0;
	s10 =	sadd.s32 s4, s25;
	[dreg:$0x3] =	wrdreg s9  }
0xa: {  	s11 =	sadd.s32 s5, s25;
	[dreg:$0x4] =	wrdreg s10  }
0xb: {  	s29 =	smax.u32 s2, $0x1;
	[dreg:$0x5] =	wrdreg s11  }
0xc: {  	s2 =	sadd.s32 $0x10, s9;
	[dreg:$0xf] =	wrdreg s29  }
0xd: {  	s16 =	sor.u32 $0x1800, s7;
	s7 =	sadd.s32 $0x20, s9;
	[dreg:$0x10] =	wrdreg s2  }
0xe: {  	s17 =	sadd.s32 $0x30, s9;
	[dreg:$0x11] =	wrdreg s7  }
0xf: {  	s18 =	sadd.s32 $0x40, s9;
	[dreg:$0x12] =	wrdreg s17  }
0x10: {  	s19 =	sadd.s32 $0x50, s9;
	[dreg:$0x13] =	wrdreg s18  }
0x11: {  	s20 =	sadd.s32 $0x60, s9;
	[dreg:$0x14] =	wrdreg s19  }
0x12: {  	s21 =	sadd.s32 $0x70, s9;
	[dreg:$0x15] =	wrdreg s20  }
0x13: {  	s8 =	sor.u32 s6, s8;
	s22 =	sadd.s32 $0x80, s9;
	[dreg:$0x16] =	wrdreg s21  }
0x14: {  	s6 =	sadd.s32 $0x41000, s0;
	s23 =	sadd.s32 $0x90, s9;
	[dreg:$0x17] =	wrdreg s22  }
0x15: {  	s8 =	sand.u32 $0xC070, s8;
	s24 =	sadd.s32 $0xA0, s9;
	[dreg:$0x18] =	wrdreg s23  }
0x16: {  	s12 =	sadd.s32 s6, s25;
	s0 =	sadd.s32 s8, s0;
	[dreg:$0x19] =	wrdreg s24  }
0x17: {  	s8 =	sor.u32 $0x100, s25;
	s25 =	sadd.s32 $0xB0, s9;
	[dreg:$0x6] =	wrdreg s12  }
0x18: {  	s29 =	sadd.s32 $0xE0, s9;
	[dreg:$0x1a] =	wrdreg s25  }
0x19: {  	s2 =	sadd.s32 $0xF0, s9;
	[dreg:$0x1d] =	wrdreg s29  }
0x1a: {  	s7 =	sadd.s32 $0x10, s10;
	[dreg:$0x1e] =	wrdreg s2  }
0x1b: {  	s17 =	sadd.s32 $0x30, s10;
	[dreg:$0x1f] =	wrdreg s7  }
0x1c: {  	s18 =	sadd.s32 $0x40, s10;
	[smem:$0x797] =	sst s17  }
0x1d: {  	s19 =	sadd.s32 $0x50, s10;
	[smem:$0x798] =	sst s18  }
0x1e: {  	s20 =	sadd.s32 $0x60, s10;
	[smem:$0x799] =	sst s19  }
0x1f: {  	s21 =	sadd.s32 $0x70, s10;
	[smem:$0x79A] =	sst s20  }
0x20: {  	s22 =	sadd.s32 $0x80, s10;
	[smem:$0x79B] =	sst s21  }
0x21: {  	s23 =	sadd.s32 $0x90, s10;
	[smem:$0x79C] =	sst s22  }
0x22: {  	s24 =	sadd.s32 $0xA0, s10;
	[smem:$0x79D] =	sst s23  }
0x23: {  	s26 =	sadd.s32 $0xC1000, s0;
	[smem:$0x79E] =	sst s24  }
0x24: {  	s28 =	sadd.s32 $0xD1000, s0;
	[dreg:$0xc] =	wrdreg s26  }
0x25: {  	s0 =	sadd.s32 $0xE1000, s0;
	[dreg:$0xd] =	wrdreg s28  }
0x26: {  	s25 =	sadd.s32 $0xB0, s10;
	[dreg:$0xe] =	wrdreg s0  }
0x27: {  	s29 =	sadd.s32 $0xE0, s10;
	[smem:$0x79F] =	sst s25  }
0x28: {  	s2 =	sadd.s32 $0xF0, s10;
	[smem:$0x7A2] =	sst s29  }
0x29: {  	s7 =	sadd.s32 $0x10, s11;
	[smem:$0x7A3] =	sst s2  }
0x2a: {  	s17 =	sadd.s32 $0x40, s11;
	[smem:$0x7A4] =	sst s7  }
0x2b: {  	s18 =	sadd.s32 $0x50, s11;
	[smem:$0x7A7] =	sst s17  }
0x2c: {  	s19 =	sadd.s32 $0x60, s11;
	[smem:$0x7A8] =	sst s18  }
0x2d: {  	s20 =	sadd.s32 $0x70, s11;
	[smem:$0x7A9] =	sst s19  }
0x2e: {  	s21 =	sadd.s32 $0x80, s11;
	[smem:$0x7AA] =	sst s20  }
0x2f: {  	s22 =	sadd.s32 $0x90, s11;
	[smem:$0x7AB] =	sst s21  }
0x30: {  	s23 =	sadd.s32 $0xA0, s11;
	[smem:$0x7AC] =	sst s22  }
0x31: {  	s24 =	sadd.s32 $0xB0, s11;
	[smem:$0x7AD] =	sst s23  }
0x32: {  	s13 =	sadd.s32 s1, s8;
	[smem:$0x7AE] =	sst s24  }
0x33: {  	s14 =	sadd.s32 s4, s8;
	[dreg:$0x7] =	wrdreg s13  }
0x34: {  	s15 =	sadd.s32 s5, s8;
	[dreg:$0x8] =	wrdreg s14  }
0x35: {  	s8 =	sadd.s32 s6, s8;
	[dreg:$0x9] =	wrdreg s15  }
0x36: {  	s26 =	sadd.s32 $0xC0, s9;
	[dreg:$0xa] =	wrdreg s8  }
0x37: {  	s28 =	sadd.s32 $0xD0, s9;
	[dreg:$0x1b] =	wrdreg s26  }
0x38: {  	s9 =	sadd.s32 $0x20, s10;
	[dreg:$0x1c] =	wrdreg s28  }
0x39: {  	s25 =	sadd.s32 $0xC0, s11;
	[smem:$0x796] =	sst s9  }
0x3a: {  	s29 =	sadd.s32 $0xF0, s11;
	[smem:$0x7AF] =	sst s25  }
0x3b: {  	s2 =	sadd.s32 $0x10, s12;
	[smem:$0x7B2] =	sst s29  }
0x3c: {  	s7 =	sadd.s32 $0x20, s12;
	[smem:$0x7B3] =	sst s2  }
0x3d: {  	s17 =	sadd.s32 $0x60, s12;
	[smem:$0x7B4] =	sst s7  }
0x3e: {  	s18 =	sadd.s32 $0x70, s12;
	[smem:$0x7B8] =	sst s17  }
0x3f: {  	s19 =	sadd.s32 $0x80, s12;
	[smem:$0x7B9] =	sst s18  }
0x40: {  	s20 =	sadd.s32 $0x90, s12;
	[smem:$0x7BA] =	sst s19  }
0x41: {  	s21 =	sadd.s32 $0xA0, s12;
	[smem:$0x7BB] =	sst s20  }
0x42: {  	s22 =	sadd.s32 $0xB0, s12;
	[smem:$0x7BC] =	sst s21  }
0x43: {  	s23 =	sadd.s32 $0xC0, s12;
	[smem:$0x7BD] =	sst s22  }
0x44: {  	s24 =	sadd.s32 $0xD0, s12;
	[smem:$0x7BE] =	sst s23  }
0x45: {  	s26 =	sadd.s32 $0xC0, s10;
	[smem:$0x7BF] =	sst s24  }
0x46: {  	s28 =	sadd.s32 $0xD0, s10;
	[smem:$0x7A0] =	sst s26  }
0x47: {  	s9 =	sadd.s32 $0x20, s11;
	[smem:$0x7A1] =	sst s28  }
0x48: {  	s10 =	sadd.s32 $0x30, s11;
	[smem:$0x7A5] =	sst s9  }
0x49: {  	s25 =	sadd.s32 $0xE0, s12;
	[smem:$0x7A6] =	sst s10  }
0x4a: {  	s29 =	sadd.s32 $0x20, s13;
	[smem:$0x7C0] =	sst s25  }
0x4b: {  	s2 =	sadd.s32 $0x30, s13;
	[smem:$0x7C3] =	sst s29  }
0x4c: {  	s7 =	sadd.s32 $0x40, s13;
	[smem:$0x7C4] =	sst s2  }
0x4d: {  	s17 =	sadd.s32 $0x90, s13;
	[smem:$0x7C5] =	sst s7  }
0x4e: {  	s18 =	sadd.s32 $0xA0, s13;
	[smem:$0x7CA] =	sst s17  }
0x4f: {  	s19 =	sadd.s32 $0xB0, s13;
	[smem:$0x7CB] =	sst s18  }
0x50: {  	s20 =	sadd.s32 $0xC0, s13;
	[smem:$0x7CC] =	sst s19  }
0x51: {  	s21 =	sadd.s32 $0xD0, s13;
	[smem:$0x7CD] =	sst s20  }
0x52: {  	s22 =	sadd.s32 $0xE0, s13;
	[smem:$0x7CE] =	sst s21  }
0x53: {  	s23 =	sadd.s32 $0xF0, s13;
	[smem:$0x7CF] =	sst s22  }
0x54: {  	s24 =	sadd.s32 $0x10, s14;
	[smem:$0x7D0] =	sst s23  }
0x55: {  	s26 =	sadd.s32 $0xD0, s11;
	[smem:$0x7D1] =	sst s24  }
0x56: {  	s28 =	sadd.s32 $0xE0, s11;
	[smem:$0x7B0] =	sst s26  }
0x57: {  	s9 =	sadd.s32 $0x30, s12;
	[smem:$0x7B1] =	sst s28  }
0x58: {  	s10 =	sadd.s32 $0x40, s12;
	[smem:$0x7B5] =	sst s9  }
0x59: {  	s11 =	sadd.s32 $0x50, s12;
	[smem:$0x7B6] =	sst s10  }
0x5a: {  	s25 =	sadd.s32 $0x20, s14;
	[smem:$0x7B7] =	sst s11  }
0x5b: {  	s29 =	sadd.s32 $0x50, s14;
	[smem:$0x7D2] =	sst s25  }
0x5c: {  	s2 =	sadd.s32 $0x60, s14;
	[smem:$0x7D5] =	sst s29  }
0x5d: {  	s7 =	sadd.s32 $0x70, s14;
	[smem:$0x7D6] =	sst s2  }
0x5e: {  	s17 =	sadd.s32 $0xD0, s14;
	[smem:$0x7D7] =	sst s7  }
0x5f: {  	s18 =	sadd.s32 $0xE0, s14;
	[smem:$0x7DD] =	sst s17  }
0x60: {  	s19 =	sadd.s32 $0xF0, s14;
	[smem:$0x7DE] =	sst s18  }
0x61: {  	s20 =	sadd.s32 $0x10, s15;
	[smem:$0x7DF] =	sst s19  }
0x62: {  	s21 =	sadd.s32 $0x20, s15;
	[smem:$0x7E0] =	sst s20  }
0x63: {  	s22 =	sadd.s32 $0x30, s15;
	[smem:$0x7E1] =	sst s21  }
0x64: {  	s23 =	sadd.s32 $0x40, s15;
	[smem:$0x7E2] =	sst s22  }
0x65: {  	s24 =	sadd.s32 $0x50, s15;
	[smem:$0x7E3] =	sst s23  }
0x66: {  	s26 =	sadd.s32 $0xF0, s12;
	[smem:$0x7E4] =	sst s24  }
0x67: {  	s28 =	sadd.s32 $0x10, s13;
	[smem:$0x7C1] =	sst s26  }
0x68: {  	s9 =	sadd.s32 $0x50, s13;
	[smem:$0x7C2] =	sst s28  }
0x69: {  	s10 =	sadd.s32 $0x60, s13;
	[smem:$0x7C6] =	sst s9  }
0x6a: {  	s11 =	sadd.s32 $0x70, s13;
	[smem:$0x7C7] =	sst s10  }
0x6b: {  	s12 =	sadd.s32 $0x80, s13;
	[smem:$0x7C8] =	sst s11  }
0x6c: {  	s13 =	sadd.s32 $0xC0, s14;
	[smem:$0x7C9] =	sst s12  }
0x6d: {  	s25 =	sadd.s32 $0x60, s15;
	[smem:$0x7DC] =	sst s13  }
0x6e: {  	s29 =	sadd.s32 $0x90, s15;
	[smem:$0x7E5] =	sst s25  }
0x6f: {  	s2 =	sadd.s32 $0xA0, s15;
	[smem:$0x7E8] =	sst s29  }
0x70: {  	s7 =	sadd.s32 $0xB0, s15;
	[smem:$0x7E9] =	sst s2  }
0x71: {  	s17 =	sadd.s32 $0x40, s8;
	[smem:$0x7EA] =	sst s7  }
0x72: {  	s18 =	sadd.s32 $0x50, s8;
	[smem:$0x7F2] =	sst s17  }
0x73: {  	s19 =	sadd.s32 $0x60, s8;
	[smem:$0x7F3] =	sst s18  }
0x74: {  	s20 =	sadd.s32 $0x70, s8;
	[smem:$0x7F4] =	sst s19  }
0x75: {  	s21 =	sadd.s32 $0x80, s8;
	[smem:$0x7F5] =	sst s20  }
0x76: {  	s22 =	sadd.s32 $0x90, s8;
	[smem:$0x7F6] =	sst s21  }
0x77: {  	s23 =	sadd.s32 $0xA0, s8;
	[smem:$0x7F7] =	sst s22  }
0x78: {  	s24 =	sadd.s32 $0xB0, s8;
	[smem:$0x7F8] =	sst s23  }
0x79: {  	s26 =	sadd.s32 $0x30, s14;
	[smem:$0x7F9] =	sst s24  }
0x7a: {  	s28 =	sadd.s32 $0x40, s14;
	[smem:$0x7D3] =	sst s26  }
0x7b: {  	s9 =	sadd.s32 $0x80, s14;
	[smem:$0x7D4] =	sst s28  }
0x7c: {  	s30 =	simm.s32 $0xFA80;
	s10 =	sadd.s32 $0x90, s14;
	[smem:$0x7D8] =	sst s9  }
0x7d: {  	s31 =	simm.s32 $0xFB80;
	s11 =	sadd.s32 $0xA0, s14;
	[smem:$0x7D9] =	sst s10  }
0x7e: {  	s0 =	simm.s32 $0xFC80;
	s12 =	sadd.s32 $0xB0, s14;
	[smem:$0x7DA] =	sst s11  }
0x7f: {  	s13 =	sadd.s32 $0x10, s8;
	s14 =	sadd.s32 $0x20, s8;
	[smem:$0x7DB] =	sst s12  }
0x80: {  	s25 =	sadd.s32 $0xC0, s8;
	s29 =	sadd.s32 $0xF0, s8;
	[smem:$0x7EF] =	sst s13  }
0x81: {  	s2 =	simm.s32 $0xFD80;
	s17 =	simm.s32 $0xFE80;
	[smem:$0x7F0] =	sst s14  }
0x82: {  	s18 =	simm.s32 $0xFF80;
	s19 =	simm.s32 $0x1;
	[smem:$0x7FA] =	sst s25  }
0x83: {  	s20 =	simm.s32 $0x10000;
	s26 =	sadd.s32 $0x70, s15;
	[smem:$0x7FD] =	sst s29  }
0x84: {  	v0 =	vimm.s32 $0xFFEDCBA9;
	s21 =	simm.s32 $0x10080;
	s28 =	sadd.s32 $0x80, s15;
	[smem:$0x7E6] =	sst s26  }
0x85: {  	v1 =	vimm.s32 $0x87654321;
	s22 =	simm.s32 $0x10100;
	s9 =	sadd.s32 $0xC0, s15;
	[smem:$0x7E7] =	sst s28  }
0x86: {  	v2 =	vimm.s32 $0xEDCBA987;
	v0 =	vunpack.c.l.s4.s8 v0;
	v1 =	vunpack.c.l.s4.s8 v1;
	s23 =	simm.s32 $0x10180;
	s10 =	sadd.s32 $0xD0, s15;
	[smem:$0x7EB] =	sst s9  }
0x87: {  	v3 =	vimm.s32 $0x65432100;
	v2 =	vunpack.c.l.s4.s8 v2;
	s24 =	simm.s32 $0x4000;
	s11 =	sadd.s32 $0xE0, s15;
	[smem:$0x7EC] =	sst s10  }
0x88: {  	v3 =	vunpack.c.l.s4.s8 v3;
	v0 =	vunpack.c.0.s8.s32 v0;
	v1 =	vunpack.c.0.s8.s32 v1;
	s12 =	sadd.s32 $0xF0, s15;
	s15 =	sadd.s32 $0x30, s8;
	[smem:$0x7ED] =	sst s11  }
.Ltmp0:
0x89: {  	v2 =	vunpack.c.0.s8.s32 v2;
	s13 =	simm.s32 $0xF880;
	[smem:$0x7EE] =	sst s12;
	(pc) =	sbr.rel .LBB2_1-.Ltmp0, $4  }
0x8a: {  	v3 =	vunpack.c.0.s8.s32 v3;
	v4 =	vcombine.low v1, v0;
	s14 =	simm.s32 $0xF980;
	s25 =	simm.s32 $0x8000;
	[smem:$0x7F1] =	sst s15  }
0x8b: {  	vm0 =	vcmask $0x3F3C;
	v5 =	vimm.s32 $0x0;
	v2 =	vand.u32 $0xF, v2;
	s26 =	sadd.s32 $0xD0, s8;
	s28 =	sadd.s32 $0xE0, s8;
	s10 =	simm.s32 $0xF580  }
0x8c: {  	v2 =	vcombine.low v3, v2;
	v3 =	vand.u32 $0xF, v4;
	v4 =	vlaneseq.u32;
	s11 =	simm.s32 $0xF680;
	s12 =	simm.s32 $0xF780;
	[smem:$0x7FB] =	sst s26  }
0x8d: {  	v0 =	vimm.f32 $0.0e+00;
	v1 =	vimm.s32 $0x40000000;
	v4 =	vor.u32 $0x80000000, v4;
	s8 =	simm.s32 $0x0;
	[smem:$0x7FC] =	sst s28;
	s26 =	simm.s32 $0x2  }
.LBB2_12:
0x8e: {  	s7 =	rddreg [dreg:$0xc]  }
0x8f: {  	s8 =	simm.s32 $0x80;
	s9 =	simm.s32 $0x400;
	s15 =	simm.s32 $0x3  }
0x90: {  	[hbm4b:s7+s8] =	stream.strided.scatter [tilespmem:s3], [sflag:$0x3], $0x4000, s9, s8, $0x38;
	[tilespmem:$0x10200] =	vst v63  }
0x91: {  	_ =	swait.ge [sflag:s15], $0x4000  }
0x92: {  	[sflag:s15] =	ssyncset.done $0x0  }
0x93: {  	s28 =	rddreg [dreg:$0xd];
	[sflag:s15] =	ssyncadd.s32 $0xFFFFC000  }
0x94: {  	[hbm4b:s28+s8] =	stream.strided.scatter [tilespmem:s24], [sflag:$0x3], $0x4000, s9, s8, $0x38;
	[tilespmem:$0x10200] =	vst v63  }
0x95: {  	_ =	swait.ge [sflag:s15], $0x4000  }
0x96: {  	[sflag:s15] =	ssyncset.done $0x0  }
0x97: {  	s29 =	rddreg [dreg:$0xe];
	[sflag:s15] =	ssyncadd.s32 $0xFFFFC000  }
0x98: {  	[hbm4b:s29+s8] =	stream.strided.scatter [tilespmem:s25], [sflag:$0x3], $0x4000, s9, s8, $0x38;
	[tilespmem:$0x10200] =	vst v63  }
0x99: {  	_ =	swait.ge [sflag:s15], $0x4000  }
0x9a: {  	s28 =	sld [smem:$0x795];
	_ =	sdelay $0x2  }
0x9b: {  	s29 =	rddreg [dreg:$0xf];
	s8 =	sadd.s32 $0x1, s28  }
0x9c: {  	p0 =	sne.s32 s8, s29  }
.Ltmp1:
0x9d: {  	_ = 	snop;
	(pc) =	sbr.rel @!p0 .LBB2_13-.Ltmp1, $3  }
0x9e: {  	_ =	sdelay $0x1  }
0x9f: {  	[sflag:s15] =	ssyncset.done $0x0  }
0xa0: {  	[sflag:s15] =	ssyncadd.s32 $0xFFFFC000  }
.LBB2_1:
0xa1: {  	[smem:$0x795] =	sst s8;
	s7 =	simm.s32 $0x40;
	s15 =	simm.s32 $0x0  }
.LBB2_2:
0xa2: {  	p0 =	sne.s32 s7, $0xFFC0;
	[tilespmem:s15+$0x8000] =	vst v1;
	s28 =	smov.u32 s7;
	s7 =	sadd.s32 $0x40, s7  }
.Ltmp2:
0xa3: {  	[tilespmem:s15+$0x0] =	vst v0;
	(pc) =	sbr.rel @p0 .LBB2_2-.Ltmp2, $2  }
0xa4: {  	[tilespmem:s15+$0x4000] =	vst v0;
	_ =	sdelay $0x2  }
0xa5: {  	s15 =	sshra.s32 s28, $0x2  }
0xa6: {  	[tilespmem:s15+$0x8000] =	vst v1  }
0xa7: {  	[tilespmem:s15+$0x0] =	vst v0;
	s7 =	rddreg [dreg:$0x3]  }
0xa8: {  	[tilespmem:s15+$0x4000] =	vst v0;
	s28 =	simm.s32 $0x0;
	s8 =	simm.s32 $0xC000;
	s15 =	rddreg [dreg:$0x11]  }
0xa9: {  	[tilespmem:s8], [sflag:$0x1] =	stream.linear.gather [hbm4b:s7+s28], $0x80, $0x38;
	[tilespmem:$0x10200] =	vst v63  }
0xaa: {  	s9 =	simm.s32 $0xC100;
	s8 =	rddreg [dreg:$0x10]  }
0xab: {  	[tilespmem:s9], [sflag:$0x1] =	stream.linear.gather [hbm4b:s8+s28], $0x80, $0x38;
	[tilespmem:$0x10200] =	vst v63  }
0xac: {  	s29 =	simm.s32 $0xC200;
	s8 =	rddreg [dreg:$0x12]  }
0xad: {  	[tilespmem:s29], [sflag:$0x1] =	stream.linear.gather [hbm4b:s15+s28], $0x80, $0x38;
	[tilespmem:$0x10200] =	vst v63  }
0xae: {  	s9 =	simm.s32 $0xC300;
	s15 =	rddreg [dreg:$0x13]  }
0xaf: {  	[tilespmem:s9], [sflag:$0x1] =	stream.linear.gather [hbm4b:s8+s28], $0x80, $0x38;
	[tilespmem:$0x10200] =	vst v63  }
0xb0: {  	s29 =	simm.s32 $0xC400;
	s8 =	rddreg [dreg:$0x14]  }
0xb1: {  	[tilespmem:s29], [sflag:$0x1] =	stream.linear.gather [hbm4b:s15+s28], $0x80, $0x38;
	[tilespmem:$0x10200] =	vst v63  }
0xb2: {  	s9 =	simm.s32 $0xC500;
	s15 =	rddreg [dreg:$0x15]  }
0xb3: {  	[tilespmem:s9], [sflag:$0x1] =	stream.linear.gather [hbm4b:s8+s28], $0x80, $0x38;
	[tilespmem:$0x10200] =	vst v63  }
0xb4: {  	s29 =	simm.s32 $0xC600;
	s8 =	rddreg [dreg:$0x16]  }
0xb5: {  	[tilespmem:s29], [sflag:$0x1] =	stream.linear.gather [hbm4b:s15+s28], $0x80, $0x38;
	[tilespmem:$0x10200] =	vst v63  }
0xb6: {  	s9 =	simm.s32 $0xC700;
	s15 =	rddreg [dreg:$0x17]  }
0xb7: {  	[tilespmem:s9], [sflag:$0x1] =	stream.linear.gather [hbm4b:s8+s28], $0x80, $0x38;
	[tilespmem:$0x10200] =	vst v63  }
0xb8: {  	s29 =	simm.s32 $0xC800;
	s8 =	rddreg [dreg:$0x18]  }
0xb9: {  	[tilespmem:s29], [sflag:$0x1] =	stream.linear.gather [hbm4b:s15+s28], $0x80, $0x38;
	[tilespmem:$0x10200] =	vst v63  }
0xba: {  	s9 =	simm.s32 $0xC900;
	s15 =	rddreg [dreg:$0x19]  }
0xbb: {  	[tilespmem:s9], [sflag:$0x1] =	stream.linear.gather [hbm4b:s8+s28], $0x80, $0x38;
	[tilespmem:$0x10200] =	vst v63  }
0xbc: {  	s29 =	simm.s32 $0xCA00;
	s8 =	rddreg [dreg:$0x1a]  }
0xbd: {  	[tilespmem:s29], [sflag:$0x1] =	stream.linear.gather [hbm4b:s15+s28], $0x80, $0x38;
	[tilespmem:$0x10200] =	vst v63  }
0xbe: {  	s9 =	simm.s32 $0xCB00;
	s15 =	rddreg [dreg:$0x1b]  }
0xbf: {  	[tilespmem:s9], [sflag:$0x1] =	stream.linear.gather [hbm4b:s8+s28], $0x80, $0x38;
	[tilespmem:$0x10200] =	vst v63  }
0xc0: {  	s29 =	simm.s32 $0xCC00;
	s8 =	rddreg [dreg:$0x1c]  }
0xc1: {  	[tilespmem:s29], [sflag:$0x1] =	stream.linear.gather [hbm4b:s15+s28], $0x80, $0x38;
	[tilespmem:$0x10200] =	vst v63  }
0xc2: {  	s9 =	simm.s32 $0xCD00;
	s15 =	rddreg [dreg:$0x1d]  }
0xc3: {  	[tilespmem:s9], [sflag:$0x1] =	stream.linear.gather [hbm4b:s8+s28], $0x80, $0x38;
	[tilespmem:$0x10200] =	vst v63  }
0xc4: {  	s29 =	simm.s32 $0xCE00;
	s8 =	rddreg [dreg:$0x1e]  }
0xc5: {  	[tilespmem:s29], [sflag:$0x1] =	stream.linear.gather [hbm4b:s15+s28], $0x80, $0x38;
	[tilespmem:$0x10200] =	vst v63  }
0xc6: {  	s9 =	simm.s32 $0xCF00;
	s15 =	rddreg [dreg:$0x4]  }
0xc7: {  	[tilespmem:s9], [sflag:$0x1] =	stream.linear.gather [hbm4b:s8+s28], $0x80, $0x38;
	[tilespmem:$0x10200] =	vst v63  }
0xc8: {  	s29 =	simm.s32 $0xD000;
	s8 =	rddreg [dreg:$0x1f]  }
0xc9: {  	[tilespmem:s29], [sflag:$0x1] =	stream.linear.gather [hbm4b:s15+s28], $0x80, $0x38;
	[tilespmem:$0x10200] =	vst v63  }
0xca: {  	s9 =	simm.s32 $0xD100;
	s15 =	sld [smem:$0x796]  }
0xcb: {  	[tilespmem:s9], [sflag:$0x1] =	stream.linear.gather [hbm4b:s8+s28], $0x80, $0x38;
	[tilespmem:$0x10200] =	vst v63  }
0xcc: {  	s29 =	simm.s32 $0xD200;
	s8 =	sld [smem:$0x797]  }
0xcd: {  	[tilespmem:s29], [sflag:$0x1] =	stream.linear.gather [hbm4b:s15+s28], $0x80, $0x38;
	[tilespmem:$0x10200] =	vst v63  }
0xce: {  	s9 =	simm.s32 $0xD300;
	s15 =	sld [smem:$0x798]  }
0xcf: {  	[tilespmem:s9], [sflag:$0x1] =	stream.linear.gather [hbm4b:s8+s28], $0x80, $0x38;
	[tilespmem:$0x10200] =	vst v63  }
0xd0: {  	s29 =	simm.s32 $0xD400;
	s8 =	sld [smem:$0x799]  }
0xd1: {  	[tilespmem:s29], [sflag:$0x1] =	stream.linear.gather [hbm4b:s15+s28], $0x80, $0x38;
	[tilespmem:$0x10200] =	vst v63  }
0xd2: {  	s9 =	simm.s32 $0xD500;
	s15 =	sld [smem:$0x79A]  }
0xd3: {  	[tilespmem:s9], [sflag:$0x1] =	stream.linear.gather [hbm4b:s8+s28], $0x80, $0x38;
	[tilespmem:$0x10200] =	vst v63  }
0xd4: {  	s29 =	simm.s32 $0xD600;
	s8 =	sld [smem:$0x79B]  }
0xd5: {  	[tilespmem:s29], [sflag:$0x1] =	stream.linear.gather [hbm4b:s15+s28], $0x80, $0x38;
	[tilespmem:$0x10200] =	vst v63  }
0xd6: {  	s9 =	simm.s32 $0xD700;
	s15 =	sld [smem:$0x79C]  }
0xd7: {  	[tilespmem:s9], [sflag:$0x1] =	stream.linear.gather [hbm4b:s8+s28], $0x80, $0x38;
	[tilespmem:$0x10200] =	vst v63  }
0xd8: {  	s29 =	simm.s32 $0xD800;
	s8 =	sld [smem:$0x79D]  }
0xd9: {  	[tilespmem:s29], [sflag:$0x1] =	stream.linear.gather [hbm4b:s15+s28], $0x80, $0x38;
	[tilespmem:$0x10200] =	vst v63  }
0xda: {  	s9 =	simm.s32 $0xD900;
	s15 =	sld [smem:$0x79E]  }
0xdb: {  	[tilespmem:s9], [sflag:$0x1] =	stream.linear.gather [hbm4b:s8+s28], $0x80, $0x38;
	[tilespmem:$0x10200] =	vst v63  }
0xdc: {  	s29 =	simm.s32 $0xDA00;
	s8 =	sld [smem:$0x79F]  }
0xdd: {  	[tilespmem:s29], [sflag:$0x1] =	stream.linear.gather [hbm4b:s15+s28], $0x80, $0x38;
	[tilespmem:$0x10200] =	vst v63  }
0xde: {  	s9 =	simm.s32 $0xDB00;
	s15 =	sld [smem:$0x7A0]  }
0xdf: {  	[tilespmem:s9], [sflag:$0x1] =	stream.linear.gather [hbm4b:s8+s28], $0x80, $0x38;
	[tilespmem:$0x10200] =	vst v63  }
0xe0: {  	s29 =	simm.s32 $0xDC00;
	s8 =	sld [smem:$0x7A1]  }
0xe1: {  	[tilespmem:s29], [sflag:$0x1] =	stream.linear.gather [hbm4b:s15+s28], $0x80, $0x38;
	[tilespmem:$0x10200] =	vst v63  }
0xe2: {  	s9 =	simm.s32 $0xDD00;
	s15 =	sld [smem:$0x7A2]  }
0xe3: {  	[tilespmem:s9], [sflag:$0x1] =	stream.linear.gather [hbm4b:s8+s28], $0x80, $0x38;
	[tilespmem:$0x10200] =	vst v63  }
0xe4: {  	s29 =	simm.s32 $0xDE00;
	s8 =	sld [smem:$0x7A3]  }
0xe5: {  	[tilespmem:s29], [sflag:$0x1] =	stream.linear.gather [hbm4b:s15+s28], $0x80, $0x38;
	[tilespmem:$0x10200] =	vst v63  }
0xe6: {  	s9 =	simm.s32 $0xDF00;
	s15 =	rddreg [dreg:$0x5]  }
0xe7: {  	[tilespmem:s9], [sflag:$0x1] =	stream.linear.gather [hbm4b:s8+s28], $0x80, $0x38;
	[tilespmem:$0x10200] =	vst v63  }
0xe8: {  	s29 =	simm.s32 $0xE000;
	s8 =	sld [smem:$0x7A4]  }
0xe9: {  	[tilespmem:s29], [sflag:$0x1] =	stream.linear.gather [hbm4b:s15+s28], $0x80, $0x38;
	[tilespmem:$0x10200] =	vst v63  }
0xea: {  	s9 =	simm.s32 $0xE100;
	s15 =	sld [smem:$0x7A5]  }
0xeb: {  	[tilespmem:s9], [sflag:$0x1] =	stream.linear.gather [hbm4b:s8+s28], $0x80, $0x38;
	[tilespmem:$0x10200] =	vst v63  }
0xec: {  	s29 =	simm.s32 $0xE200;
	s8 =	sld [smem:$0x7A6]  }
0xed: {  	[tilespmem:s29], [sflag:$0x1] =	stream.linear.gather [hbm4b:s15+s28], $0x80, $0x38;
	[tilespmem:$0x10200] =	vst v63  }
0xee: {  	s9 =	simm.s32 $0xE300;
	s15 =	sld [smem:$0x7A7]  }
0xef: {  	[tilespmem:s9], [sflag:$0x1] =	stream.linear.gather [hbm4b:s8+s28], $0x80, $0x38;
	[tilespmem:$0x10200] =	vst v63  }
0xf0: {  	s29 =	simm.s32 $0xE400;
	s8 =	sld [smem:$0x7A8]  }
0xf1: {  	[tilespmem:s29], [sflag:$0x1] =	stream.linear.gather [hbm4b:s15+s28], $0x80, $0x38;
	[tilespmem:$0x10200] =	vst v63  }
0xf2: {  	s9 =	simm.s32 $0xE500;
	s15 =	sld [smem:$0x7A9]  }
0xf3: {  	[tilespmem:s9], [sflag:$0x1] =	stream.linear.gather [hbm4b:s8+s28], $0x80, $0x38;
	[tilespmem:$0x10200] =	vst v63  }
0xf4: {  	s29 =	simm.s32 $0xE600;
	s8 =	sld [smem:$0x7AA]  }
0xf5: {  	[tilespmem:s29], [sflag:$0x1] =	stream.linear.gather [hbm4b:s15+s28], $0x80, $0x38;
	[tilespmem:$0x10200] =	vst v63  }
0xf6: {  	s9 =	simm.s32 $0xE700;
	s15 =	sld [smem:$0x7AB]  }
0xf7: {  	[tilespmem:s9], [sflag:$0x1] =	stream.linear.gather [hbm4b:s8+s28], $0x80, $0x38;
	[tilespmem:$0x10200] =	vst v63  }
0xf8: {  	s29 =	simm.s32 $0xE800;
	s8 =	sld [smem:$0x7AC]  }
0xf9: {  	[tilespmem:s29], [sflag:$0x1] =	stream.linear.gather [hbm4b:s15+s28], $0x80, $0x38;
	[tilespmem:$0x10200] =	vst v63  }
0xfa: {  	s9 =	simm.s32 $0xE900;
	s15 =	sld [smem:$0x7AD]  }
0xfb: {  	[tilespmem:s9], [sflag:$0x1] =	stream.linear.gather [hbm4b:s8+s28], $0x80, $0x38;
	[tilespmem:$0x10200] =	vst v63  }
0xfc: {  	s29 =	simm.s32 $0xEA00;
	s8 =	sld [smem:$0x7AE]  }
0xfd: {  	[tilespmem:s29], [sflag:$0x1] =	stream.linear.gather [hbm4b:s15+s28], $0x80, $0x38;
	[tilespmem:$0x10200] =	vst v63  }
0xfe: {  	s9 =	simm.s32 $0xEB00;
	s15 =	sld [smem:$0x7AF]  }
0xff: {  	[tilespmem:s9], [sflag:$0x1] =	stream.linear.gather [hbm4b:s8+s28], $0x80, $0x38;
	[tilespmem:$0x10200] =	vst v63  }
0x100: {  	s29 =	simm.s32 $0xEC00;
	s8 =	sld [smem:$0x7B0]  }
0x101: {  	[tilespmem:s29], [sflag:$0x1] =	stream.linear.gather [hbm4b:s15+s28], $0x80, $0x38;
	[tilespmem:$0x10200] =	vst v63  }
0x102: {  	s9 =	simm.s32 $0xED00;
	s15 =	sld [smem:$0x7B1]  }
0x103: {  	[tilespmem:s9], [sflag:$0x1] =	stream.linear.gather [hbm4b:s8+s28], $0x80, $0x38;
	[tilespmem:$0x10200] =	vst v63  }
0x104: {  	s29 =	simm.s32 $0xEE00;
	s8 =	sld [smem:$0x7B2]  }
0x105: {  	[tilespmem:s29], [sflag:$0x1] =	stream.linear.gather [hbm4b:s15+s28], $0x80, $0x38;
	[tilespmem:$0x10200] =	vst v63  }
0x106: {  	s9 =	simm.s32 $0xEF00;
	s15 =	rddreg [dreg:$0x6]  }
0x107: {  	[tilespmem:s9], [sflag:$0x1] =	stream.linear.gather [hbm4b:s8+s28], $0x80, $0x38;
	[tilespmem:$0x10200] =	vst v63  }
0x108: {  	s29 =	simm.s32 $0xF000;
	s8 =	sld [smem:$0x7B3]  }
0x109: {  	[tilespmem:s29], [sflag:$0x1] =	stream.linear.gather [hbm4b:s15+s28], $0x80, $0x38;
	[tilespmem:$0x10200] =	vst v63  }
0x10a: {  	s9 =	simm.s32 $0xF100;
	s15 =	sld [smem:$0x7B4]  }
0x10b: {  	[tilespmem:s9], [sflag:$0x1] =	stream.linear.gather [hbm4b:s8+s28], $0x80, $0x38;
	[tilespmem:$0x10200] =	vst v63  }
0x10c: {  	s29 =	simm.s32 $0xF200;
	s8 =	sld [smem:$0x7B5]  }
0x10d: {  	[tilespmem:s29], [sflag:$0x1] =	stream.linear.gather [hbm4b:s15+s28], $0x80, $0x38;
	[tilespmem:$0x10200] =	vst v63  }
0x10e: {  	s9 =	simm.s32 $0xF300;
	s15 =	sld [smem:$0x7B6]  }
0x10f: {  	[tilespmem:s9], [sflag:$0x1] =	stream.linear.gather [hbm4b:s8+s28], $0x80, $0x38;
	[tilespmem:$0x10200] =	vst v63  }
0x110: {  	s29 =	simm.s32 $0xF400;
	s8 =	sld [smem:$0x7B7]  }
0x111: {  	[tilespmem:s29], [sflag:$0x1] =	stream.linear.gather [hbm4b:s15+s28], $0x80, $0x38;
	[tilespmem:$0x10200] =	vst v63  }
0x112: {  	s9 =	simm.s32 $0xF500;
	s15 =	sld [smem:$0x7B8]  }
0x113: {  	[tilespmem:s9], [sflag:$0x1] =	stream.linear.gather [hbm4b:s8+s28], $0x80, $0x38;
	[tilespmem:$0x10200] =	vst v63  }
0x114: {  	s29 =	simm.s32 $0xF600;
	s8 =	sld [smem:$0x7B9]  }
0x115: {  	[tilespmem:s29], [sflag:$0x1] =	stream.linear.gather [hbm4b:s15+s28], $0x80, $0x38;
	[tilespmem:$0x10200] =	vst v63  }
0x116: {  	s9 =	simm.s32 $0xF700;
	s15 =	sld [smem:$0x7BA]  }
0x117: {  	[tilespmem:s9], [sflag:$0x1] =	stream.linear.gather [hbm4b:s8+s28], $0x80, $0x38;
	[tilespmem:$0x10200] =	vst v63  }
0x118: {  	s29 =	simm.s32 $0xF800;
	s8 =	sld [smem:$0x7BB]  }
0x119: {  	[tilespmem:s29], [sflag:$0x1] =	stream.linear.gather [hbm4b:s15+s28], $0x80, $0x38;
	[tilespmem:$0x10200] =	vst v63  }
0x11a: {  	s9 =	simm.s32 $0xF900;
	s15 =	sld [smem:$0x7BC]  }
0x11b: {  	[tilespmem:s9], [sflag:$0x1] =	stream.linear.gather [hbm4b:s8+s28], $0x80, $0x38;
	[tilespmem:$0x10200] =	vst v63  }
0x11c: {  	s29 =	simm.s32 $0xFA00;
	s8 =	sld [smem:$0x7BD]  }
0x11d: {  	[tilespmem:s29], [sflag:$0x1] =	stream.linear.gather [hbm4b:s15+s28], $0x80, $0x38;
	[tilespmem:$0x10200] =	vst v63  }
0x11e: {  	s9 =	simm.s32 $0xFB00;
	s15 =	sld [smem:$0x7BE]  }
0x11f: {  	[tilespmem:s9], [sflag:$0x1] =	stream.linear.gather [hbm4b:s8+s28], $0x80, $0x38;
	[tilespmem:$0x10200] =	vst v63  }
0x120: {  	s29 =	simm.s32 $0xFC00;
	s8 =	sld [smem:$0x7BF]  }
0x121: {  	[tilespmem:s29], [sflag:$0x1] =	stream.linear.gather [hbm4b:s15+s28], $0x80, $0x38;
	[tilespmem:$0x10200] =	vst v63  }
0x122: {  	s9 =	simm.s32 $0xFD00;
	s15 =	sld [smem:$0x7C0]  }
0x123: {  	[tilespmem:s9], [sflag:$0x1] =	stream.linear.gather [hbm4b:s8+s28], $0x80, $0x38;
	[tilespmem:$0x10200] =	vst v63  }
0x124: {  	s29 =	simm.s32 $0xFE00;
	s8 =	sld [smem:$0x7C1]  }
0x125: {  	[tilespmem:s29], [sflag:$0x1] =	stream.linear.gather [hbm4b:s15+s28], $0x80, $0x38;
	[tilespmem:$0x10200] =	vst v63  }
0x126: {  	s9 =	simm.s32 $0xFF00;
	s15 =	rddreg [dreg:$0x7]  }
0x127: {  	[tilespmem:s9], [sflag:$0x1] =	stream.linear.gather [hbm4b:s8+s28], $0x80, $0x38;
	[tilespmem:$0x10200] =	vst v63  }
0x128: {  	s29 =	simm.s32 $0xC080;
	s8 =	sld [smem:$0x7C2]  }
0x129: {  	[tilespmem:s29], [sflag:$0x2] =	stream.linear.gather [hbm4b:s15+s28], $0x80, $0x38;
	[tilespmem:$0x10200] =	vst v63  }
0x12a: {  	s9 =	simm.s32 $0xC180;
	s15 =	sld [smem:$0x7C3]  }
0x12b: {  	[tilespmem:s9], [sflag:$0x2] =	stream.linear.gather [hbm4b:s8+s28], $0x80, $0x38;
	[tilespmem:$0x10200] =	vst v63  }
0x12c: {  	s29 =	simm.s32 $0xC280;
	s8 =	sld [smem:$0x7C4]  }
0x12d: {  	[tilespmem:s29], [sflag:$0x2] =	stream.linear.gather [hbm4b:s15+s28], $0x80, $0x38;
	[tilespmem:$0x10200] =	vst v63  }
0x12e: {  	s9 =	simm.s32 $0xC380;
	s15 =	sld [smem:$0x7C5]  }
0x12f: {  	[tilespmem:s9], [sflag:$0x2] =	stream.linear.gather [hbm4b:s8+s28], $0x80, $0x38;
	[tilespmem:$0x10200] =	vst v63  }
0x130: {  	s29 =	simm.s32 $0xC480;
	s8 =	sld [smem:$0x7C6]  }
0x131: {  	[tilespmem:s29], [sflag:$0x2] =	stream.linear.gather [hbm4b:s15+s28], $0x80, $0x38;
	[tilespmem:$0x10200] =	vst v63  }
0x132: {  	s9 =	simm.s32 $0xC580;
	s15 =	sld [smem:$0x7C7]  }
0x133: {  	[tilespmem:s9], [sflag:$0x2] =	stream.linear.gather [hbm4b:s8+s28], $0x80, $0x38;
	[tilespmem:$0x10200] =	vst v63  }
0x134: {  	s29 =	simm.s32 $0xC680;
	s8 =	sld [smem:$0x7C8]  }
0x135: {  	[tilespmem:s29], [sflag:$0x2] =	stream.linear.gather [hbm4b:s15+s28], $0x80, $0x38;
	[tilespmem:$0x10200] =	vst v63  }
0x136: {  	s9 =	simm.s32 $0xC780;
	s15 =	sld [smem:$0x7C9]  }
0x137: {  	[tilespmem:s9], [sflag:$0x2] =	stream.linear.gather [hbm4b:s8+s28], $0x80, $0x38;
	[tilespmem:$0x10200] =	vst v63  }
0x138: {  	s29 =	simm.s32 $0xC880;
	s8 =	sld [smem:$0x7CA]  }
0x139: {  	[tilespmem:s29], [sflag:$0x2] =	stream.linear.gather [hbm4b:s15+s28], $0x80, $0x38;
	[tilespmem:$0x10200] =	vst v63  }
0x13a: {  	s9 =	simm.s32 $0xC980;
	s15 =	sld [smem:$0x7CB]  }
0x13b: {  	[tilespmem:s9], [sflag:$0x2] =	stream.linear.gather [hbm4b:s8+s28], $0x80, $0x38;
	[tilespmem:$0x10200] =	vst v63  }
0x13c: {  	s29 =	simm.s32 $0xCA80;
	s8 =	sld [smem:$0x7CC]  }
0x13d: {  	[tilespmem:s29], [sflag:$0x2] =	stream.linear.gather [hbm4b:s15+s28], $0x80, $0x38;
	[tilespmem:$0x10200] =	vst v63  }
0x13e: {  	s9 =	simm.s32 $0xCB80;
	s15 =	sld [smem:$0x7CD]  }
0x13f: {  	[tilespmem:s9], [sflag:$0x2] =	stream.linear.gather [hbm4b:s8+s28], $0x80, $0x38;
	[tilespmem:$0x10200] =	vst v63  }
0x140: {  	s29 =	simm.s32 $0xCC80;
	s8 =	sld [smem:$0x7CE]  }
0x141: {  	[tilespmem:s29], [sflag:$0x2] =	stream.linear.gather [hbm4b:s15+s28], $0x80, $0x38;
	[tilespmem:$0x10200] =	vst v63  }
0x142: {  	s9 =	simm.s32 $0xCD80;
	s15 =	sld [smem:$0x7CF]  }
0x143: {  	[tilespmem:s9], [sflag:$0x2] =	stream.linear.gather [hbm4b:s8+s28], $0x80, $0x38;
	[tilespmem:$0x10200] =	vst v63  }
0x144: {  	s29 =	simm.s32 $0xCE80;
	s8 =	sld [smem:$0x7D0]  }
0x145: {  	[tilespmem:s29], [sflag:$0x2] =	stream.linear.gather [hbm4b:s15+s28], $0x80, $0x38;
	[tilespmem:$0x10200] =	vst v63  }
0x146: {  	s9 =	simm.s32 $0xCF80;
	s15 =	rddreg [dreg:$0x8]  }
0x147: {  	[tilespmem:s9], [sflag:$0x2] =	stream.linear.gather [hbm4b:s8+s28], $0x80, $0x38;
	[tilespmem:$0x10200] =	vst v63  }
0x148: {  	s29 =	simm.s32 $0xD080;
	s8 =	sld [smem:$0x7D1]  }
0x149: {  	[tilespmem:s29], [sflag:$0x2] =	stream.linear.gather [hbm4b:s15+s28], $0x80, $0x38;
	[tilespmem:$0x10200] =	vst v63  }
0x14a: {  	s9 =	simm.s32 $0xD180;
	s15 =	sld [smem:$0x7D2]  }
0x14b: {  	[tilespmem:s9], [sflag:$0x2] =	stream.linear.gather [hbm4b:s8+s28], $0x80, $0x38;
	[tilespmem:$0x10200] =	vst v63  }
0x14c: {  	s29 =	simm.s32 $0xD280;
	s8 =	sld [smem:$0x7D3]  }
0x14d: {  	[tilespmem:s29], [sflag:$0x2] =	stream.linear.gather [hbm4b:s15+s28], $0x80, $0x38;
	[tilespmem:$0x10200] =	vst v63  }
0x14e: {  	s9 =	simm.s32 $0xD380;
	s15 =	sld [smem:$0x7D4]  }
0x14f: {  	[tilespmem:s9], [sflag:$0x2] =	stream.linear.gather [hbm4b:s8+s28], $0x80, $0x38;
	[tilespmem:$0x10200] =	vst v63  }
0x150: {  	s29 =	simm.s32 $0xD480;
	s8 =	sld [smem:$0x7D5]  }
0x151: {  	[tilespmem:s29], [sflag:$0x2] =	stream.linear.gather [hbm4b:s15+s28], $0x80, $0x38;
	[tilespmem:$0x10200] =	vst v63  }
0x152: {  	s9 =	simm.s32 $0xD580;
	s15 =	sld [smem:$0x7D6]  }
0x153: {  	[tilespmem:s9], [sflag:$0x2] =	stream.linear.gather [hbm4b:s8+s28], $0x80, $0x38;
	[tilespmem:$0x10200] =	vst v63  }
0x154: {  	s29 =	simm.s32 $0xD680;
	s8 =	sld [smem:$0x7D7]  }
0x155: {  	[tilespmem:s29], [sflag:$0x2] =	stream.linear.gather [hbm4b:s15+s28], $0x80, $0x38;
	[tilespmem:$0x10200] =	vst v63  }
0x156: {  	s9 =	simm.s32 $0xD780;
	s15 =	sld [smem:$0x7D8]  }
0x157: {  	[tilespmem:s9], [sflag:$0x2] =	stream.linear.gather [hbm4b:s8+s28], $0x80, $0x38;
	[tilespmem:$0x10200] =	vst v63  }
0x158: {  	s29 =	simm.s32 $0xD880;
	s8 =	sld [smem:$0x7D9]  }
0x159: {  	[tilespmem:s29], [sflag:$0x2] =	stream.linear.gather [hbm4b:s15+s28], $0x80, $0x38;
	[tilespmem:$0x10200] =	vst v63  }
0x15a: {  	s9 =	simm.s32 $0xD980;
	s15 =	sld [smem:$0x7DA]  }
0x15b: {  	[tilespmem:s9], [sflag:$0x2] =	stream.linear.gather [hbm4b:s8+s28], $0x80, $0x38;
	[tilespmem:$0x10200] =	vst v63  }
0x15c: {  	s29 =	simm.s32 $0xDA80;
	s8 =	sld [smem:$0x7DB]  }
0x15d: {  	[tilespmem:s29], [sflag:$0x2] =	stream.linear.gather [hbm4b:s15+s28], $0x80, $0x38;
	[tilespmem:$0x10200] =	vst v63  }
0x15e: {  	s9 =	simm.s32 $0xDB80;
	s15 =	sld [smem:$0x7DC]  }
0x15f: {  	[tilespmem:s9], [sflag:$0x2] =	stream.linear.gather [hbm4b:s8+s28], $0x80, $0x38;
	[tilespmem:$0x10200] =	vst v63  }
0x160: {  	s29 =	simm.s32 $0xDC80;
	s8 =	sld [smem:$0x7DD]  }
0x161: {  	[tilespmem:s29], [sflag:$0x2] =	stream.linear.gather [hbm4b:s15+s28], $0x80, $0x38;
	[tilespmem:$0x10200] =	vst v63  }
0x162: {  	s9 =	simm.s32 $0xDD80;
	s15 =	sld [smem:$0x7DE]  }
0x163: {  	[tilespmem:s9], [sflag:$0x2] =	stream.linear.gather [hbm4b:s8+s28], $0x80, $0x38;
	[tilespmem:$0x10200] =	vst v63  }
0x164: {  	s29 =	simm.s32 $0xDE80;
	s8 =	sld [smem:$0x7DF]  }
0x165: {  	[tilespmem:s29], [sflag:$0x2] =	stream.linear.gather [hbm4b:s15+s28], $0x80, $0x38;
	[tilespmem:$0x10200] =	vst v63  }
0x166: {  	s9 =	simm.s32 $0xDF80;
	s15 =	rddreg [dreg:$0x9]  }
0x167: {  	[tilespmem:s9], [sflag:$0x2] =	stream.linear.gather [hbm4b:s8+s28], $0x80, $0x38;
	[tilespmem:$0x10200] =	vst v63  }
0x168: {  	s29 =	simm.s32 $0xE080;
	s8 =	sld [smem:$0x7E0]  }
0x169: {  	[tilespmem:s29], [sflag:$0x2] =	stream.linear.gather [hbm4b:s15+s28], $0x80, $0x38;
	[tilespmem:$0x10200] =	vst v63  }
0x16a: {  	s9 =	simm.s32 $0xE180;
	s15 =	sld [smem:$0x7E1]  }
0x16b: {  	[tilespmem:s9], [sflag:$0x2] =	stream.linear.gather [hbm4b:s8+s28], $0x80, $0x38;
	[tilespmem:$0x10200] =	vst v63  }
0x16c: {  	s29 =	simm.s32 $0xE280;
	s8 =	sld [smem:$0x7E2]  }
0x16d: {  	[tilespmem:s29], [sflag:$0x2] =	stream.linear.gather [hbm4b:s15+s28], $0x80, $0x38;
	[tilespmem:$0x10200] =	vst v63  }
0x16e: {  	s9 =	simm.s32 $0xE380;
	s15 =	sld [smem:$0x7E3]  }
0x16f: {  	[tilespmem:s9], [sflag:$0x2] =	stream.linear.gather [hbm4b:s8+s28], $0x80, $0x38;
	[tilespmem:$0x10200] =	vst v63  }
0x170: {  	s29 =	simm.s32 $0xE480;
	s8 =	sld [smem:$0x7E4]  }
0x171: {  	[tilespmem:s29], [sflag:$0x2] =	stream.linear.gather [hbm4b:s15+s28], $0x80, $0x38;
	[tilespmem:$0x10200] =	vst v63  }
0x172: {  	s9 =	simm.s32 $0xE580;
	s15 =	sld [smem:$0x7E5]  }
0x173: {  	[tilespmem:s9], [sflag:$0x2] =	stream.linear.gather [hbm4b:s8+s28], $0x80, $0x38;
	[tilespmem:$0x10200] =	vst v63  }
0x174: {  	s29 =	simm.s32 $0xE680;
	s8 =	sld [smem:$0x7E6]  }
0x175: {  	[tilespmem:s29], [sflag:$0x2] =	stream.linear.gather [hbm4b:s15+s28], $0x80, $0x38;
	[tilespmem:$0x10200] =	vst v63  }
0x176: {  	s9 =	simm.s32 $0xE780;
	s15 =	sld [smem:$0x7E7]  }
0x177: {  	[tilespmem:s9], [sflag:$0x2] =	stream.linear.gather [hbm4b:s8+s28], $0x80, $0x38;
	[tilespmem:$0x10200] =	vst v63  }
0x178: {  	s29 =	simm.s32 $0xE880;
	s8 =	sld [smem:$0x7E8]  }
0x179: {  	[tilespmem:s29], [sflag:$0x2] =	stream.linear.gather [hbm4b:s15+s28], $0x80, $0x38;
	[tilespmem:$0x10200] =	vst v63  }
0x17a: {  	s9 =	simm.s32 $0xE980;
	s15 =	sld [smem:$0x7E9]  }
0x17b: {  	[tilespmem:s9], [sflag:$0x2] =	stream.linear.gather [hbm4b:s8+s28], $0x80, $0x38;
	[tilespmem:$0x10200] =	vst v63  }
0x17c: {  	s29 =	simm.s32 $0xEA80;
	s8 =	sld [smem:$0x7EA]  }
0x17d: {  	[tilespmem:s29], [sflag:$0x2] =	stream.linear.gather [hbm4b:s15+s28], $0x80, $0x38;
	[tilespmem:$0x10200] =	vst v63  }
0x17e: {  	s9 =	simm.s32 $0xEB80;
	s15 =	sld [smem:$0x7EB]  }
0x17f: {  	[tilespmem:s9], [sflag:$0x2] =	stream.linear.gather [hbm4b:s8+s28], $0x80, $0x38;
	[tilespmem:$0x10200] =	vst v63  }
0x180: {  	s29 =	simm.s32 $0xEC80;
	s8 =	sld [smem:$0x7EC]  }
0x181: {  	[tilespmem:s29], [sflag:$0x2] =	stream.linear.gather [hbm4b:s15+s28], $0x80, $0x38;
	[tilespmem:$0x10200] =	vst v63  }
0x182: {  	s9 =	simm.s32 $0xED80;
	s15 =	sld [smem:$0x7ED]  }
0x183: {  	[tilespmem:s9], [sflag:$0x2] =	stream.linear.gather [hbm4b:s8+s28], $0x80, $0x38;
	[tilespmem:$0x10200] =	vst v63  }
0x184: {  	s29 =	simm.s32 $0xEE80;
	s8 =	sld [smem:$0x7EE]  }
0x185: {  	[tilespmem:s29], [sflag:$0x2] =	stream.linear.gather [hbm4b:s15+s28], $0x80, $0x38;
	[tilespmem:$0x10200] =	vst v63  }
0x186: {  	s9 =	simm.s32 $0xEF80;
	s15 =	rddreg [dreg:$0xa]  }
0x187: {  	[tilespmem:s9], [sflag:$0x2] =	stream.linear.gather [hbm4b:s8+s28], $0x80, $0x38;
	[tilespmem:$0x10200] =	vst v63  }
0x188: {  	s29 =	simm.s32 $0xF080;
	s8 =	sld [smem:$0x7EF]  }
0x189: {  	[tilespmem:s29], [sflag:$0x2] =	stream.linear.gather [hbm4b:s15+s28], $0x80, $0x38;
	[tilespmem:$0x10200] =	vst v63  }
0x18a: {  	s9 =	simm.s32 $0xF180;
	s15 =	sld [smem:$0x7F0]  }
0x18b: {  	[tilespmem:s9], [sflag:$0x2] =	stream.linear.gather [hbm4b:s8+s28], $0x80, $0x38;
	[tilespmem:$0x10200] =	vst v63  }
0x18c: {  	s29 =	simm.s32 $0xF280;
	s8 =	sld [smem:$0x7F1]  }
0x18d: {  	[tilespmem:s29], [sflag:$0x2] =	stream.linear.gather [hbm4b:s15+s28], $0x80, $0x38;
	[tilespmem:$0x10200] =	vst v63  }
0x18e: {  	s9 =	simm.s32 $0xF380;
	s15 =	sld [smem:$0x7F2]  }
0x18f: {  	[tilespmem:s9], [sflag:$0x2] =	stream.linear.gather [hbm4b:s8+s28], $0x80, $0x38;
	[tilespmem:$0x10200] =	vst v63  }
0x190: {  	s29 =	simm.s32 $0xF480;
	s9 =	sld [smem:$0x7F3]  }
0x191: {  	[tilespmem:s29], [sflag:$0x2] =	stream.linear.gather [hbm4b:s15+s28], $0x80, $0x38;
	[tilespmem:$0x10200] =	vst v63  }
0x192: {  	s15 =	sld [smem:$0x7F4]  }
0x193: {  	[tilespmem:s10], [sflag:$0x2] =	stream.linear.gather [hbm4b:s9+s28], $0x80, $0x38;
	[tilespmem:$0x10200] =	vst v63  }
0x194: {  	s29 =	sld [smem:$0x7F5]  }
0x195: {  	[tilespmem:s11], [sflag:$0x2] =	stream.linear.gather [hbm4b:s15+s28], $0x80, $0x38;
	[tilespmem:$0x10200] =	vst v63  }
0x196: {  	s8 =	sld [smem:$0x7F6]  }
0x197: {  	[tilespmem:s12], [sflag:$0x2] =	stream.linear.gather [hbm4b:s29+s28], $0x80, $0x38;
	[tilespmem:$0x10200] =	vst v63  }
0x198: {  	s9 =	sld [smem:$0x7F7]  }
0x199: {  	[tilespmem:s13], [sflag:$0x2] =	stream.linear.gather [hbm4b:s8+s28], $0x80, $0x38;
	[tilespmem:$0x10200] =	vst v63  }
0x19a: {  	s15 =	sld [smem:$0x7F8]  }
0x19b: {  	[tilespmem:s14], [sflag:$0x2] =	stream.linear.gather [hbm4b:s9+s28], $0x80, $0x38;
	[tilespmem:$0x10200] =	vst v63  }
0x19c: {  	s29 =	sld [smem:$0x7F9]  }
0x19d: {  	[tilespmem:s30], [sflag:$0x2] =	stream.linear.gather [hbm4b:s15+s28], $0x80, $0x38;
	[tilespmem:$0x10200] =	vst v63  }
0x19e: {  	s8 =	sld [smem:$0x7FA]  }
0x19f: {  	[tilespmem:s31], [sflag:$0x2] =	stream.linear.gather [hbm4b:s29+s28], $0x80, $0x38;
	[tilespmem:$0x10200] =	vst v63  }
0x1a0: {  	s9 =	sld [smem:$0x7FB]  }
0x1a1: {  	[tilespmem:s0], [sflag:$0x2] =	stream.linear.gather [hbm4b:s8+s28], $0x80, $0x38;
	[tilespmem:$0x10200] =	vst v63  }
0x1a2: {  	s15 =	sld [smem:$0x7FC]  }
0x1a3: {  	[tilespmem:s2], [sflag:$0x2] =	stream.linear.gather [hbm4b:s9+s28], $0x80, $0x38;
	[tilespmem:$0x10200] =	vst v63  }
0x1a4: {  	s29 =	sld [smem:$0x7FD]  }
0x1a5: {  	[tilespmem:s17], [sflag:$0x2] =	stream.linear.gather [hbm4b:s15+s28], $0x80, $0x38;
	[tilespmem:$0x10200] =	vst v63  }
0x1a6: {  	_ = 	snop  }
0x1a7: {  	[tilespmem:s18], [sflag:$0x2] =	stream.linear.gather [hbm4b:s29+s28], $0x80, $0x38;
	[tilespmem:$0x10200] =	vst v63  }
.LBB2_4:
0x1a8: {  	_ =	swait.ge [sflag:s19], $0x800  }
0x1a9: {  	[sflag:s19] =	ssyncset.done $0x0  }
0x1aa: {  	[sflag:s19] =	ssyncadd.s32 $0xFFFFF800  }
0x1ab: {  	_ =	swait.ge [sflag:s19], $0x800  }
0x1ac: {  	[sflag:s19] =	ssyncset.done $0x0  }
0x1ad: {  	[sflag:s19] =	ssyncadd.s32 $0xFFFFF800  }
0x1ae: {  	_ =	swait.ge [sflag:s19], $0x800  }
0x1af: {  	[sflag:s19] =	ssyncset.done $0x0  }
0x1b0: {  	[sflag:s19] =	ssyncadd.s32 $0xFFFFF800  }
0x1b1: {  	_ =	swait.ge [sflag:s19], $0x800  }
0x1b2: {  	[sflag:s19] =	ssyncset.done $0x0  }
0x1b3: {  	s29 =	simm.s32 $0x0;
	s15 =	simm.s32 $0x0;
	[sflag:s19] =	ssyncadd.s32 $0xFFFFF800  }
.LBB2_5:
0x1b4: {  	s7 =	sand.u32 $0x60, s15;
	s8 =	sand.u32 $0xF00, s29  }
0x1b5: {  	s7 =	sor.u32 s7, s8  }
0x1b6: {  	v6 =	vld [tilespmem:s7+$0xC000];
	_ =	sdelay $0x2  }
0x1b7: {  	v7 =	vld [tilespmem:s7+$0xD000]  }
0x1b8: {  	v8 =	vld [tilespmem:s7+$0xE000]  }
0x1b9: {  	v9 =	vld [tilespmem:s7+$0xF000];
	[tilespmem:$0x10000] =	vst v6  }
0x1ba: {  	v10 =	vld.idx.msk [tilespmem:v2+s20+$0x0], $0xffff;
	_ =	sdelay $0x4  }
0x1bb: {  	vm1 =	veq.s32 v6, v10  }
0x1bc: {  	(xrf2) =	vadd.scan.msk.f32 $0xffff, v7;
	v10 =	vsel vm1, $0x80000000, v4  }
0x1bd: {  	(xrf0) =	vmax.scan.msk.u32 $0xffff, v10  }
0x1be: {  	(xrf2) =	vadd.scan.msk.f32 $0xffff, v8;
	_ =	sdelay $0x2  }
0x1bf: {  	vm1 =	vlt.s32 v9, $0x40000000  }
0x1c0: {  	v7 =	vld.idx.msk [tilespmem:v3+s20+$0x0], $0xffff;
	v46 =	vsel vm1, $0x1, v5  }
0x1c1: {  	v10, _, _ =	vpop (xrf0);
	(xrf0) =	vadd.scan.msk.s32 $0xffff, v46  }
0x1c2: {  	v47 =	vadd.s32 $0x7FFFFFFF, v10  }
0x1c3: {  	vm2 =	vgt.s32 v47, $0x0  }
0x1c4: {  	v8 =	vnsel vm2, $0x0, v47  }
0x1c5: {  	vm2 =	vne.s32 v6, v7;
	v7, _, _ =	vpop (xrf2)  }
0x1c6: {  	vm2 =	vmor vm2, vm0;
	v11, _, _ =	vpop (xrf2);
	[tilespmem:$0x10080] =	vst v7  }
0x1c7: {  	[tilespmem:$0x10100] =	vst v11;
	v12, _, _ =	vpop (xrf0)  }
0x1c8: {  	[tilespmem:$0x10180] =	vst v12  }
0x1c9: {  	v13 =	vld.idx.msk [tilespmem:v8+s21+$0x0], $0xffff;
	_ =	sdelay $0x2  }
0x1ca: {  	v14 =	vld.idx.msk [tilespmem:v6+s3+$0x0], vm2  }
0x1cb: {  	vm3 =	vgt.u32 v10, $0x80000000  }
0x1cc: {  	v48 =	vld.idx.msk [tilespmem:v8+s23+$0x0], $0xffff;
	v10 =	vnsel vm3, $0x0, v13  }
0x1cd: {  	v7 =	vsub.f32 v7, v10;
	_ =	sdelay $0x1  }
0x1ce: {  	v8 =	vld.idx.msk [tilespmem:v8+s22+$0x0], $0xffff;
	v7 =	vadd.f32 v14, v7;
	_ =	sdelay $0x1  }
0x1cf: {  	v49 =	vnsel vm3, $0x0, v48;
	[tilespmem:v6+s3+$0x0] =	vst.idx.msk vm2, v7  }
0x1d0: {  	v7 =	vsub.s32 v12, v49;
	v50 =	vld.idx.msk [tilespmem:v6+s24+$0x0], vm2  }
0x1d1: {  	vm4 =	veq.s32 v7, $0x1  }
0x1d2: {  	v7 =	vnsel vm3, $0x0, v8;
	vm1 =	vmand vm1, vm4  }
0x1d3: {  	v7 =	vsub.f32 v11, v7;
	_ =	sdelay $0x1  }
0x1d4: {  	v7 =	vadd.f32 v50, v7;
	_ =	sdelay $0x1  }
0x1d5: {  	[tilespmem:v6+s24+$0x0] =	vst.idx.msk vm2, v7  }
0x1d6: {  	v7 =	vld.idx.msk [tilespmem:v6+s25+$0x0], vm1;
	_ =	sdelay $0x4  }
0x1d7: {  	vm2 =	vlt.s32 v7, v9  }
0x1d8: {  	v7 =	vsel vm2, v7, v9  }
0x1d9: {  	[tilespmem:v6+s25+$0x0] =	vst.idx.msk vm1, v7  }
0x1da: {  	v6 =	vld [tilespmem:s7+$0xC010];
	_ =	sdelay $0x2  }
0x1db: {  	v7 =	vld [tilespmem:s7+$0xD010]  }
0x1dc: {  	v51 =	vld [tilespmem:s7+$0xE010]  }
0x1dd: {  	v52 =	vld [tilespmem:s7+$0xF010];
	[tilespmem:$0x10000] =	vst v6  }
0x1de: {  	v53 =	vld.idx.msk [tilespmem:v2+s20+$0x0], $0xffff;
	_ =	sdelay $0x4  }
0x1df: {  	vm1 =	veq.s32 v6, v53  }
0x1e0: {  	(xrf2) =	vadd.scan.msk.f32 $0xffff, v7;
	v10 =	vsel vm1, $0x80000000, v4  }
0x1e1: {  	(xrf0) =	vmax.scan.msk.u32 $0xffff, v10  }
0x1e2: {  	(xrf2) =	vadd.scan.msk.f32 $0xffff, v51;
	_ =	sdelay $0x2  }
0x1e3: {  	vm1 =	vlt.s32 v52, $0x40000000  }
0x1e4: {  	v7 =	vld.idx.msk [tilespmem:v3+s20+$0x0], $0xffff;
	v54 =	vsel vm1, $0x1, v5  }
0x1e5: {  	v10, _, _ =	vpop (xrf0);
	(xrf0) =	vadd.scan.msk.s32 $0xffff, v54  }
0x1e6: {  	v55 =	vadd.s32 $0x7FFFFFFF, v10  }
0x1e7: {  	vm2 =	vgt.s32 v55, $0x0  }
0x1e8: {  	v8 =	vnsel vm2, $0x0, v55  }
0x1e9: {  	v56, _, _ =	vpop (xrf2);
	vm2 =	vne.s32 v6, v7  }
0x1ea: {  	[tilespmem:$0x10080] =	vst v56;
	v7, _, _ =	vpop (xrf2);
	vm2 =	vmor vm2, vm0  }
0x1eb: {  	[tilespmem:$0x10100] =	vst v7;
	v57, _, _ =	vpop (xrf0)  }
0x1ec: {  	[tilespmem:$0x10180] =	vst v57  }
0x1ed: {  	v58 =	vld.idx.msk [tilespmem:v8+s21+$0x0], $0xffff;
	_ =	sdelay $0x2  }
0x1ee: {  	v59 =	vld.idx.msk [tilespmem:v6+s3+$0x0], vm2  }
0x1ef: {  	vm3 =	vgt.u32 v10, $0x80000000  }
0x1f0: {  	v60 =	vld.idx.msk [tilespmem:v8+s23+$0x0], $0xffff;
	v10 =	vnsel vm3, $0x0, v58  }
0x1f1: {  	v10 =	vsub.f32 v56, v10;
	_ =	sdelay $0x1  }
0x1f2: {  	v8 =	vld.idx.msk [tilespmem:v8+s22+$0x0], $0xffff;
	v10 =	vadd.f32 v59, v10;
	_ =	sdelay $0x1  }
0x1f3: {  	v61 =	vnsel vm3, $0x0, v60;
	[tilespmem:v6+s3+$0x0] =	vst.idx.msk vm2, v10  }
0x1f4: {  	v62 =	vsub.s32 v57, v61;
	v63 =	vld.idx.msk [tilespmem:v6+s24+$0x0], vm2  }
0x1f5: {  	vm15 =	veq.s32 v62, $0x1  }
0x1f6: {  	v8 =	vnsel vm3, $0x0, v8;
	vm1 =	vmand vm1, vm15  }
0x1f7: {  	v7 =	vsub.f32 v7, v8;
	_ =	sdelay $0x1  }
0x1f8: {  	v7 =	vadd.f32 v63, v7;
	_ =	sdelay $0x1  }
0x1f9: {  	[tilespmem:v6+s24+$0x0] =	vst.idx.msk vm2, v7  }
0x1fa: {  	v7 =	vld.idx.msk [tilespmem:v6+s25+$0x0], vm1;
	_ =	sdelay $0x1  }
0x1fb: {  	p0 =	sne.s32 s15, $0x7E0  }
.Ltmp3:
0x1fc: {  	_ = 	snop;
	(pc) =	sbr.rel @p0 .LBB2_5-.Ltmp3, $4  }
0x1fd: {  	_ = 	snop  }
0x1fe: {  	vm2 =	vlt.s32 v7, v52  }
0x1ff: {  	v7 =	vsel vm2, v7, v52  }
0x200: {  	s29 =	sadd.s32 $0x40, s29;
	s15 =	sadd.s32 $0x20, s15;
	[tilespmem:v6+s25+$0x0] =	vst.idx.msk vm1, v7  }
0x201: {  	p0 =	seq.s32 s28, $0xF  }
.Ltmp4:
0x202: {  	_ = 	snop;
	(pc) =	sbr.rel @p0 .LBB2_8-.Ltmp4, $2  }
0x203: {  	_ =	sdelay $0x2  }
0x204: {  	s29 =	sshll.u32 s28, $0xC  }
0x205: {  	s7 =	rddreg [dreg:$0xb]  }
0x206: {  	s7 =	sadd.s32 s29, s7  }
0x207: {  	s7 =	sshrl.u32 s7, $0x3  }
0x208: {  	s9 =	simm.s32 $0xC000;
	s8 =	sadd.s32 s1, s7  }
0x209: {  	[tilespmem:s9], [sflag:$0x1] =	stream.linear.gather [hbm4b:s8+s3], $0x80, $0x38;
	[tilespmem:$0x10200] =	vst v63  }
0x20a: {  	s15 =	sadd.s32 $0x10, s8;
	s9 =	simm.s32 $0xC100  }
0x20b: {  	[tilespmem:s9], [sflag:$0x1] =	stream.linear.gather [hbm4b:s15+s3], $0x80, $0x38;
	[tilespmem:$0x10200] =	vst v63  }
0x20c: {  	s15 =	sadd.s32 $0x20, s8;
	s9 =	simm.s32 $0xC200  }
0x20d: {  	[tilespmem:s9], [sflag:$0x1] =	stream.linear.gather [hbm4b:s15+s3], $0x80, $0x38;
	[tilespmem:$0x10200] =	vst v63  }
0x20e: {  	s15 =	sadd.s32 $0x30, s8;
	s9 =	simm.s32 $0xC300  }
0x20f: {  	[tilespmem:s9], [sflag:$0x1] =	stream.linear.gather [hbm4b:s15+s3], $0x80, $0x38;
	[tilespmem:$0x10200] =	vst v63  }
0x210: {  	s15 =	sadd.s32 $0x40, s8;
	s9 =	simm.s32 $0xC400  }
0x211: {  	[tilespmem:s9], [sflag:$0x1] =	stream.linear.gather [hbm4b:s15+s3], $0x80, $0x38;
	[tilespmem:$0x10200] =	vst v63  }
0x212: {  	s15 =	sadd.s32 $0x50, s8;
	s9 =	simm.s32 $0xC500  }
0x213: {  	[tilespmem:s9], [sflag:$0x1] =	stream.linear.gather [hbm4b:s15+s3], $0x80, $0x38;
	[tilespmem:$0x10200] =	vst v63  }
0x214: {  	s15 =	sadd.s32 $0x60, s8;
	s9 =	simm.s32 $0xC600  }
0x215: {  	[tilespmem:s9], [sflag:$0x1] =	stream.linear.gather [hbm4b:s15+s3], $0x80, $0x38;
	[tilespmem:$0x10200] =	vst v63  }
0x216: {  	s15 =	sadd.s32 $0x70, s8;
	s9 =	simm.s32 $0xC700  }
0x217: {  	[tilespmem:s9], [sflag:$0x1] =	stream.linear.gather [hbm4b:s15+s3], $0x80, $0x38;
	[tilespmem:$0x10200] =	vst v63  }
0x218: {  	s15 =	sadd.s32 $0x80, s8;
	s9 =	simm.s32 $0xC800  }
0x219: {  	[tilespmem:s9], [sflag:$0x1] =	stream.linear.gather [hbm4b:s15+s3], $0x80, $0x38;
	[tilespmem:$0x10200] =	vst v63  }
0x21a: {  	s15 =	sadd.s32 $0x90, s8;
	s9 =	simm.s32 $0xC900  }
0x21b: {  	[tilespmem:s9], [sflag:$0x1] =	stream.linear.gather [hbm4b:s15+s3], $0x80, $0x38;
	[tilespmem:$0x10200] =	vst v63  }
0x21c: {  	s15 =	sadd.s32 $0xA0, s8;
	s9 =	simm.s32 $0xCA00  }
0x21d: {  	[tilespmem:s9], [sflag:$0x1] =	stream.linear.gather [hbm4b:s15+s3], $0x80, $0x38;
	[tilespmem:$0x10200] =	vst v63  }
0x21e: {  	s15 =	sadd.s32 $0xB0, s8;
	s9 =	simm.s32 $0xCB00  }
0x21f: {  	[tilespmem:s9], [sflag:$0x1] =	stream.linear.gather [hbm4b:s15+s3], $0x80, $0x38;
	[tilespmem:$0x10200] =	vst v63  }
0x220: {  	s15 =	sadd.s32 $0xC0, s8;
	s9 =	simm.s32 $0xCC00  }
0x221: {  	[tilespmem:s9], [sflag:$0x1] =	stream.linear.gather [hbm4b:s15+s3], $0x80, $0x38;
	[tilespmem:$0x10200] =	vst v63  }
0x222: {  	s15 =	sadd.s32 $0xD0, s8;
	s9 =	simm.s32 $0xCD00  }
0x223: {  	[tilespmem:s9], [sflag:$0x1] =	stream.linear.gather [hbm4b:s15+s3], $0x80, $0x38;
	[tilespmem:$0x10200] =	vst v63  }
0x224: {  	s15 =	sadd.s32 $0xE0, s8;
	s9 =	simm.s32 $0xCE00  }
0x225: {  	[tilespmem:s9], [sflag:$0x1] =	stream.linear.gather [hbm4b:s15+s3], $0x80, $0x38;
	[tilespmem:$0x10200] =	vst v63  }
0x226: {  	s8 =	sadd.s32 $0xF0, s8;
	s15 =	simm.s32 $0xCF00  }
0x227: {  	[tilespmem:s15], [sflag:$0x1] =	stream.linear.gather [hbm4b:s8+s3], $0x80, $0x38;
	[tilespmem:$0x10200] =	vst v63  }
0x228: {  	s8 =	sadd.s32 s4, s7;
	s15 =	simm.s32 $0xD000  }
0x229: {  	[tilespmem:s15], [sflag:$0x1] =	stream.linear.gather [hbm4b:s8+s3], $0x80, $0x38;
	[tilespmem:$0x10200] =	vst v63  }
0x22a: {  	s9 =	simm.s32 $0xD100;
	s15 =	sadd.s32 $0x10, s8  }
0x22b: {  	[tilespmem:s9], [sflag:$0x1] =	stream.linear.gather [hbm4b:s15+s3], $0x80, $0x38;
	[tilespmem:$0x10200] =	vst v63  }
0x22c: {  	s15 =	sadd.s32 $0x20, s8;
	s9 =	simm.s32 $0xD200  }
0x22d: {  	[tilespmem:s9], [sflag:$0x1] =	stream.linear.gather [hbm4b:s15+s3], $0x80, $0x38;
	[tilespmem:$0x10200] =	vst v63  }
0x22e: {  	s15 =	sadd.s32 $0x30, s8;
	s9 =	simm.s32 $0xD300  }
0x22f: {  	[tilespmem:s9], [sflag:$0x1] =	stream.linear.gather [hbm4b:s15+s3], $0x80, $0x38;
	[tilespmem:$0x10200] =	vst v63  }
0x230: {  	s15 =	sadd.s32 $0x40, s8;
	s9 =	simm.s32 $0xD400  }
0x231: {  	[tilespmem:s9], [sflag:$0x1] =	stream.linear.gather [hbm4b:s15+s3], $0x80, $0x38;
	[tilespmem:$0x10200] =	vst v63  }
0x232: {  	s15 =	sadd.s32 $0x50, s8;
	s9 =	simm.s32 $0xD500  }
0x233: {  	[tilespmem:s9], [sflag:$0x1] =	stream.linear.gather [hbm4b:s15+s3], $0x80, $0x38;
	[tilespmem:$0x10200] =	vst v63  }
0x234: {  	s15 =	sadd.s32 $0x60, s8;
	s9 =	simm.s32 $0xD600  }
0x235: {  	[tilespmem:s9], [sflag:$0x1] =	stream.linear.gather [hbm4b:s15+s3], $0x80, $0x38;
	[tilespmem:$0x10200] =	vst v63  }
0x236: {  	s15 =	sadd.s32 $0x70, s8;
	s9 =	simm.s32 $0xD700  }
0x237: {  	[tilespmem:s9], [sflag:$0x1] =	stream.linear.gather [hbm4b:s15+s3], $0x80, $0x38;
	[tilespmem:$0x10200] =	vst v63  }
0x238: {  	s15 =	sadd.s32 $0x80, s8;
	s9 =	simm.s32 $0xD800  }
0x239: {  	[tilespmem:s9], [sflag:$0x1] =	stream.linear.gather [hbm4b:s15+s3], $0x80, $0x38;
	[tilespmem:$0x10200] =	vst v63  }
0x23a: {  	s15 =	sadd.s32 $0x90, s8;
	s9 =	simm.s32 $0xD900  }
0x23b: {  	[tilespmem:s9], [sflag:$0x1] =	stream.linear.gather [hbm4b:s15+s3], $0x80, $0x38;
	[tilespmem:$0x10200] =	vst v63  }
0x23c: {  	s15 =	sadd.s32 $0xA0, s8;
	s9 =	simm.s32 $0xDA00  }
0x23d: {  	[tilespmem:s9], [sflag:$0x1] =	stream.linear.gather [hbm4b:s15+s3], $0x80, $0x38;
	[tilespmem:$0x10200] =	vst v63  }
0x23e: {  	s15 =	sadd.s32 $0xB0, s8;
	s9 =	simm.s32 $0xDB00  }
0x23f: {  	[tilespmem:s9], [sflag:$0x1] =	stream.linear.gather [hbm4b:s15+s3], $0x80, $0x38;
	[tilespmem:$0x10200] =	vst v63  }
0x240: {  	s15 =	sadd.s32 $0xC0, s8;
	s9 =	simm.s32 $0xDC00  }
0x241: {  	[tilespmem:s9], [sflag:$0x1] =	stream.linear.gather [hbm4b:s15+s3], $0x80, $0x38;
	[tilespmem:$0x10200] =	vst v63  }
0x242: {  	s15 =	sadd.s32 $0xD0, s8;
	s9 =	simm.s32 $0xDD00  }
0x243: {  	[tilespmem:s9], [sflag:$0x1] =	stream.linear.gather [hbm4b:s15+s3], $0x80, $0x38;
	[tilespmem:$0x10200] =	vst v63  }
0x244: {  	s15 =	sadd.s32 $0xE0, s8;
	s9 =	simm.s32 $0xDE00  }
0x245: {  	[tilespmem:s9], [sflag:$0x1] =	stream.linear.gather [hbm4b:s15+s3], $0x80, $0x38;
	[tilespmem:$0x10200] =	vst v63  }
0x246: {  	s8 =	sadd.s32 $0xF0, s8;
	s15 =	simm.s32 $0xDF00  }
0x247: {  	[tilespmem:s15], [sflag:$0x1] =	stream.linear.gather [hbm4b:s8+s3], $0x80, $0x38;
	[tilespmem:$0x10200] =	vst v63  }
0x248: {  	s8 =	sadd.s32 s5, s7;
	s15 =	simm.s32 $0xE000  }
0x249: {  	[tilespmem:s15], [sflag:$0x1] =	stream.linear.gather [hbm4b:s8+s3], $0x80, $0x38;
	[tilespmem:$0x10200] =	vst v63  }
0x24a: {  	s9 =	simm.s32 $0xE100;
	s15 =	sadd.s32 $0x10, s8  }
0x24b: {  	[tilespmem:s9], [sflag:$0x1] =	stream.linear.gather [hbm4b:s15+s3], $0x80, $0x38;
	[tilespmem:$0x10200] =	vst v63  }
0x24c: {  	s15 =	sadd.s32 $0x20, s8;
	s9 =	simm.s32 $0xE200  }
0x24d: {  	[tilespmem:s9], [sflag:$0x1] =	stream.linear.gather [hbm4b:s15+s3], $0x80, $0x38;
	[tilespmem:$0x10200] =	vst v63  }
0x24e: {  	s15 =	sadd.s32 $0x30, s8;
	s9 =	simm.s32 $0xE300  }
0x24f: {  	[tilespmem:s9], [sflag:$0x1] =	stream.linear.gather [hbm4b:s15+s3], $0x80, $0x38;
	[tilespmem:$0x10200] =	vst v63  }
0x250: {  	s15 =	sadd.s32 $0x40, s8;
	s9 =	simm.s32 $0xE400  }
0x251: {  	[tilespmem:s9], [sflag:$0x1] =	stream.linear.gather [hbm4b:s15+s3], $0x80, $0x38;
	[tilespmem:$0x10200] =	vst v63  }
0x252: {  	s15 =	sadd.s32 $0x50, s8;
	s9 =	simm.s32 $0xE500  }
0x253: {  	[tilespmem:s9], [sflag:$0x1] =	stream.linear.gather [hbm4b:s15+s3], $0x80, $0x38;
	[tilespmem:$0x10200] =	vst v63  }
0x254: {  	s15 =	sadd.s32 $0x60, s8;
	s9 =	simm.s32 $0xE600  }
0x255: {  	[tilespmem:s9], [sflag:$0x1] =	stream.linear.gather [hbm4b:s15+s3], $0x80, $0x38;
	[tilespmem:$0x10200] =	vst v63  }
0x256: {  	s15 =	sadd.s32 $0x70, s8;
	s9 =	simm.s32 $0xE700  }
0x257: {  	[tilespmem:s9], [sflag:$0x1] =	stream.linear.gather [hbm4b:s15+s3], $0x80, $0x38;
	[tilespmem:$0x10200] =	vst v63  }
0x258: {  	s15 =	sadd.s32 $0x80, s8;
	s9 =	simm.s32 $0xE800  }
0x259: {  	[tilespmem:s9], [sflag:$0x1] =	stream.linear.gather [hbm4b:s15+s3], $0x80, $0x38;
	[tilespmem:$0x10200] =	vst v63  }
0x25a: {  	s15 =	sadd.s32 $0x90, s8;
	s9 =	simm.s32 $0xE900  }
0x25b: {  	[tilespmem:s9], [sflag:$0x1] =	stream.linear.gather [hbm4b:s15+s3], $0x80, $0x38;
	[tilespmem:$0x10200] =	vst v63  }
0x25c: {  	s15 =	sadd.s32 $0xA0, s8;
	s9 =	simm.s32 $0xEA00  }
0x25d: {  	[tilespmem:s9], [sflag:$0x1] =	stream.linear.gather [hbm4b:s15+s3], $0x80, $0x38;
	[tilespmem:$0x10200] =	vst v63  }
0x25e: {  	s15 =	sadd.s32 $0xB0, s8;
	s9 =	simm.s32 $0xEB00  }
0x25f: {  	[tilespmem:s9], [sflag:$0x1] =	stream.linear.gather [hbm4b:s15+s3], $0x80, $0x38;
	[tilespmem:$0x10200] =	vst v63  }
0x260: {  	s15 =	sadd.s32 $0xC0, s8;
	s9 =	simm.s32 $0xEC00  }
0x261: {  	[tilespmem:s9], [sflag:$0x1] =	stream.linear.gather [hbm4b:s15+s3], $0x80, $0x38;
	[tilespmem:$0x10200] =	vst v63  }
0x262: {  	s15 =	sadd.s32 $0xD0, s8;
	s9 =	simm.s32 $0xED00  }
0x263: {  	[tilespmem:s9], [sflag:$0x1] =	stream.linear.gather [hbm4b:s15+s3], $0x80, $0x38;
	[tilespmem:$0x10200] =	vst v63  }
0x264: {  	s15 =	sadd.s32 $0xE0, s8;
	s9 =	simm.s32 $0xEE00  }
0x265: {  	[tilespmem:s9], [sflag:$0x1] =	stream.linear.gather [hbm4b:s15+s3], $0x80, $0x38;
	[tilespmem:$0x10200] =	vst v63  }
0x266: {  	s8 =	sadd.s32 $0xF0, s8;
	s15 =	simm.s32 $0xEF00  }
0x267: {  	[tilespmem:s15], [sflag:$0x1] =	stream.linear.gather [hbm4b:s8+s3], $0x80, $0x38;
	[tilespmem:$0x10200] =	vst v63  }
0x268: {  	s7 =	sadd.s32 s6, s7;
	s15 =	simm.s32 $0xF000  }
0x269: {  	[tilespmem:s15], [sflag:$0x1] =	stream.linear.gather [hbm4b:s7+s3], $0x80, $0x38;
	[tilespmem:$0x10200] =	vst v63  }
0x26a: {  	s9 =	sadd.s32 $0x10, s7;
	s15 =	simm.s32 $0xF100  }
0x26b: {  	[tilespmem:s15], [sflag:$0x1] =	stream.linear.gather [hbm4b:s9+s3], $0x80, $0x38;
	[tilespmem:$0x10200] =	vst v63  }
0x26c: {  	s9 =	sadd.s32 $0x20, s7;
	s15 =	simm.s32 $0xF200  }
0x26d: {  	[tilespmem:s15], [sflag:$0x1] =	stream.linear.gather [hbm4b:s9+s3], $0x80, $0x38;
	[tilespmem:$0x10200] =	vst v63  }
0x26e: {  	s9 =	sadd.s32 $0x30, s7;
	s15 =	simm.s32 $0xF300  }
0x26f: {  	[tilespmem:s15], [sflag:$0x1] =	stream.linear.gather [hbm4b:s9+s3], $0x80, $0x38;
	[tilespmem:$0x10200] =	vst v63  }
0x270: {  	s9 =	sadd.s32 $0x40, s7;
	s15 =	simm.s32 $0xF400  }
0x271: {  	[tilespmem:s15], [sflag:$0x1] =	stream.linear.gather [hbm4b:s9+s3], $0x80, $0x38;
	[tilespmem:$0x10200] =	vst v63  }
0x272: {  	s9 =	sadd.s32 $0x50, s7;
	s15 =	simm.s32 $0xF500  }
0x273: {  	[tilespmem:s15], [sflag:$0x1] =	stream.linear.gather [hbm4b:s9+s3], $0x80, $0x38;
	[tilespmem:$0x10200] =	vst v63  }
0x274: {  	s9 =	sadd.s32 $0x60, s7;
	s15 =	simm.s32 $0xF600  }
0x275: {  	[tilespmem:s15], [sflag:$0x1] =	stream.linear.gather [hbm4b:s9+s3], $0x80, $0x38;
	[tilespmem:$0x10200] =	vst v63  }
0x276: {  	s9 =	sadd.s32 $0x70, s7;
	s15 =	simm.s32 $0xF700  }
0x277: {  	[tilespmem:s15], [sflag:$0x1] =	stream.linear.gather [hbm4b:s9+s3], $0x80, $0x38;
	[tilespmem:$0x10200] =	vst v63  }
0x278: {  	s9 =	sadd.s32 $0x80, s7;
	s15 =	simm.s32 $0xF800  }
0x279: {  	[tilespmem:s15], [sflag:$0x1] =	stream.linear.gather [hbm4b:s9+s3], $0x80, $0x38;
	[tilespmem:$0x10200] =	vst v63  }
0x27a: {  	s9 =	sadd.s32 $0x90, s7;
	s15 =	simm.s32 $0xF900  }
0x27b: {  	[tilespmem:s15], [sflag:$0x1] =	stream.linear.gather [hbm4b:s9+s3], $0x80, $0x38;
	[tilespmem:$0x10200] =	vst v63  }
0x27c: {  	s9 =	sadd.s32 $0xA0, s7;
	s15 =	simm.s32 $0xFA00  }
0x27d: {  	[tilespmem:s15], [sflag:$0x1] =	stream.linear.gather [hbm4b:s9+s3], $0x80, $0x38;
	[tilespmem:$0x10200] =	vst v63  }
0x27e: {  	s9 =	sadd.s32 $0xB0, s7;
	s15 =	simm.s32 $0xFB00  }
0x27f: {  	[tilespmem:s15], [sflag:$0x1] =	stream.linear.gather [hbm4b:s9+s3], $0x80, $0x38;
	[tilespmem:$0x10200] =	vst v63  }
0x280: {  	s9 =	sadd.s32 $0xC0, s7;
	s15 =	simm.s32 $0xFC00  }
0x281: {  	[tilespmem:s15], [sflag:$0x1] =	stream.linear.gather [hbm4b:s9+s3], $0x80, $0x38;
	[tilespmem:$0x10200] =	vst v63  }
0x282: {  	s9 =	sadd.s32 $0xD0, s7;
	s15 =	simm.s32 $0xFD00  }
0x283: {  	[tilespmem:s15], [sflag:$0x1] =	stream.linear.gather [hbm4b:s9+s3], $0x80, $0x38;
	[tilespmem:$0x10200] =	vst v63  }
0x284: {  	s9 =	sadd.s32 $0xE0, s7;
	s15 =	simm.s32 $0xFE00  }
0x285: {  	[tilespmem:s15], [sflag:$0x1] =	stream.linear.gather [hbm4b:s9+s3], $0x80, $0x38;
	[tilespmem:$0x10200] =	vst v63  }
0x286: {  	s7 =	sadd.s32 $0xF0, s7;
	s15 =	simm.s32 $0xFF00  }
0x287: {  	[tilespmem:s15], [sflag:$0x1] =	stream.linear.gather [hbm4b:s7+s3], $0x80, $0x38;
	[tilespmem:$0x10200] =	vst v63  }
.LBB2_8:
0x288: {  	_ =	swait.ge [sflag:s26], $0x800  }
0x289: {  	[sflag:s26] =	ssyncset.done $0x0  }
0x28a: {  	[sflag:s26] =	ssyncadd.s32 $0xFFFFF800  }
0x28b: {  	_ =	swait.ge [sflag:s26], $0x800  }
0x28c: {  	[sflag:s26] =	ssyncset.done $0x0  }
0x28d: {  	[sflag:s26] =	ssyncadd.s32 $0xFFFFF800  }
0x28e: {  	_ =	swait.ge [sflag:s26], $0x800  }
0x28f: {  	[sflag:s26] =	ssyncset.done $0x0  }
0x290: {  	[sflag:s26] =	ssyncadd.s32 $0xFFFFF800  }
0x291: {  	_ =	swait.ge [sflag:s26], $0x800  }
0x292: {  	s28 =	sadd.s32 $0x1, s28;
	[sflag:s26] =	ssyncset.done $0x0  }
0x293: {  	s15 =	simm.s32 $0x0;
	s7 =	simm.s32 $0x0;
	[sflag:s26] =	ssyncadd.s32 $0xFFFFF800  }
.LBB2_9:
0x294: {  	s8 =	sand.u32 $0x60, s7;
	s9 =	sand.u32 $0xF00, s15  }
0x295: {  	s8 =	sor.u32 s8, s9  }
0x296: {  	v6 =	vld [tilespmem:s8+$0xC080];
	_ =	sdelay $0x2  }
0x297: {  	v7 =	vld [tilespmem:s8+$0xD080]  }
0x298: {  	v8 =	vld [tilespmem:s8+$0xE080]  }
0x299: {  	v9 =	vld [tilespmem:s8+$0xF080];
	[tilespmem:$0x10000] =	vst v6  }
0x29a: {  	v10 =	vld.idx.msk [tilespmem:v2+s20+$0x0], $0xffff;
	_ =	sdelay $0x4  }
0x29b: {  	vm1 =	veq.s32 v6, v10  }
0x29c: {  	(xrf2) =	vadd.scan.msk.f32 $0xffff, v7;
	v10 =	vsel vm1, $0x80000000, v4  }
0x29d: {  	(xrf0) =	vmax.scan.msk.u32 $0xffff, v10  }
0x29e: {  	(xrf2) =	vadd.scan.msk.f32 $0xffff, v8;
	_ =	sdelay $0x2  }
0x29f: {  	vm1 =	vlt.s32 v9, $0x40000000  }
0x2a0: {  	v7 =	vld.idx.msk [tilespmem:v3+s20+$0x0], $0xffff;
	v46 =	vsel vm1, $0x1, v5  }
0x2a1: {  	v10, _, _ =	vpop (xrf0);
	(xrf0) =	vadd.scan.msk.s32 $0xffff, v46  }
0x2a2: {  	v47 =	vadd.s32 $0x7FFFFFFF, v10  }
0x2a3: {  	vm2 =	vgt.s32 v47, $0x0  }
0x2a4: {  	v8 =	vnsel vm2, $0x0, v47  }
0x2a5: {  	vm2 =	vne.s32 v6, v7;
	v7, _, _ =	vpop (xrf2)  }
0x2a6: {  	vm2 =	vmor vm2, vm0;
	v11, _, _ =	vpop (xrf2);
	[tilespmem:$0x10080] =	vst v7  }
0x2a7: {  	[tilespmem:$0x10100] =	vst v11;
	v12, _, _ =	vpop (xrf0)  }
0x2a8: {  	[tilespmem:$0x10180] =	vst v12  }
0x2a9: {  	v13 =	vld.idx.msk [tilespmem:v8+s21+$0x0], $0xffff;
	_ =	sdelay $0x2  }
0x2aa: {  	v14 =	vld.idx.msk [tilespmem:v6+s3+$0x0], vm2  }
0x2ab: {  	vm3 =	vgt.u32 v10, $0x80000000  }
0x2ac: {  	v48 =	vld.idx.msk [tilespmem:v8+s23+$0x0], $0xffff;
	v10 =	vnsel vm3, $0x0, v13  }
0x2ad: {  	v7 =	vsub.f32 v7, v10;
	_ =	sdelay $0x1  }
0x2ae: {  	v8 =	vld.idx.msk [tilespmem:v8+s22+$0x0], $0xffff;
	v7 =	vadd.f32 v14, v7;
	_ =	sdelay $0x1  }
0x2af: {  	v49 =	vnsel vm3, $0x0, v48;
	[tilespmem:v6+s3+$0x0] =	vst.idx.msk vm2, v7  }
0x2b0: {  	v7 =	vsub.s32 v12, v49;
	v50 =	vld.idx.msk [tilespmem:v6+s24+$0x0], vm2  }
0x2b1: {  	vm4 =	veq.s32 v7, $0x1  }
0x2b2: {  	v7 =	vnsel vm3, $0x0, v8;
	vm1 =	vmand vm1, vm4  }
0x2b3: {  	v7 =	vsub.f32 v11, v7;
	_ =	sdelay $0x1  }
0x2b4: {  	v7 =	vadd.f32 v50, v7;
	_ =	sdelay $0x1  }
0x2b5: {  	[tilespmem:v6+s24+$0x0] =	vst.idx.msk vm2, v7  }
0x2b6: {  	v7 =	vld.idx.msk [tilespmem:v6+s25+$0x0], vm1;
	_ =	sdelay $0x4  }
0x2b7: {  	vm2 =	vlt.s32 v7, v9  }
0x2b8: {  	v7 =	vsel vm2, v7, v9  }
0x2b9: {  	[tilespmem:v6+s25+$0x0] =	vst.idx.msk vm1, v7  }
0x2ba: {  	v6 =	vld [tilespmem:s8+$0xC090];
	_ =	sdelay $0x2  }
0x2bb: {  	v7 =	vld [tilespmem:s8+$0xD090]  }
0x2bc: {  	v51 =	vld [tilespmem:s8+$0xE090]  }
0x2bd: {  	v52 =	vld [tilespmem:s8+$0xF090];
	[tilespmem:$0x10000] =	vst v6  }
0x2be: {  	v53 =	vld.idx.msk [tilespmem:v2+s20+$0x0], $0xffff;
	_ =	sdelay $0x4  }
0x2bf: {  	vm1 =	veq.s32 v6, v53  }
0x2c0: {  	(xrf2) =	vadd.scan.msk.f32 $0xffff, v7;
	v10 =	vsel vm1, $0x80000000, v4  }
0x2c1: {  	(xrf0) =	vmax.scan.msk.u32 $0xffff, v10  }
0x2c2: {  	(xrf2) =	vadd.scan.msk.f32 $0xffff, v51;
	_ =	sdelay $0x2  }
0x2c3: {  	vm1 =	vlt.s32 v52, $0x40000000  }
0x2c4: {  	v7 =	vld.idx.msk [tilespmem:v3+s20+$0x0], $0xffff;
	v54 =	vsel vm1, $0x1, v5  }
0x2c5: {  	v10, _, _ =	vpop (xrf0);
	(xrf0) =	vadd.scan.msk.s32 $0xffff, v54  }
0x2c6: {  	v55 =	vadd.s32 $0x7FFFFFFF, v10  }
0x2c7: {  	vm2 =	vgt.s32 v55, $0x0  }
0x2c8: {  	v8 =	vnsel vm2, $0x0, v55  }
0x2c9: {  	v56, _, _ =	vpop (xrf2);
	vm2 =	vne.s32 v6, v7  }
0x2ca: {  	[tilespmem:$0x10080] =	vst v56;
	v7, _, _ =	vpop (xrf2);
	vm2 =	vmor vm2, vm0  }
0x2cb: {  	[tilespmem:$0x10100] =	vst v7;
	v57, _, _ =	vpop (xrf0)  }
0x2cc: {  	[tilespmem:$0x10180] =	vst v57  }
0x2cd: {  	v58 =	vld.idx.msk [tilespmem:v8+s21+$0x0], $0xffff;
	_ =	sdelay $0x2  }
0x2ce: {  	v59 =	vld.idx.msk [tilespmem:v6+s3+$0x0], vm2  }
0x2cf: {  	vm3 =	vgt.u32 v10, $0x80000000  }
0x2d0: {  	v60 =	vld.idx.msk [tilespmem:v8+s23+$0x0], $0xffff;
	v10 =	vnsel vm3, $0x0, v58  }
0x2d1: {  	v10 =	vsub.f32 v56, v10;
	_ =	sdelay $0x1  }
0x2d2: {  	v8 =	vld.idx.msk [tilespmem:v8+s22+$0x0], $0xffff;
	v10 =	vadd.f32 v59, v10;
	_ =	sdelay $0x1  }
0x2d3: {  	v61 =	vnsel vm3, $0x0, v60;
	[tilespmem:v6+s3+$0x0] =	vst.idx.msk vm2, v10  }
0x2d4: {  	v62 =	vsub.s32 v57, v61;
	v63 =	vld.idx.msk [tilespmem:v6+s24+$0x0], vm2  }
0x2d5: {  	vm15 =	veq.s32 v62, $0x1  }
0x2d6: {  	v8 =	vnsel vm3, $0x0, v8;
	vm1 =	vmand vm1, vm15  }
0x2d7: {  	v7 =	vsub.f32 v7, v8;
	_ =	sdelay $0x1  }
0x2d8: {  	v7 =	vadd.f32 v63, v7;
	_ =	sdelay $0x1  }
0x2d9: {  	[tilespmem:v6+s24+$0x0] =	vst.idx.msk vm2, v7  }
0x2da: {  	v7 =	vld.idx.msk [tilespmem:v6+s25+$0x0], vm1;
	_ =	sdelay $0x1  }
0x2db: {  	p1 =	sne.s32 s7, $0x7E0  }
.Ltmp5:
0x2dc: {  	_ = 	snop;
	(pc) =	sbr.rel @p1 .LBB2_9-.Ltmp5, $4  }
0x2dd: {  	_ = 	snop  }
0x2de: {  	vm2 =	vlt.s32 v7, v52  }
0x2df: {  	v7 =	vsel vm2, v7, v52  }
0x2e0: {  	s15 =	sadd.s32 $0x40, s15;
	s7 =	sadd.s32 $0x20, s7;
	[tilespmem:v6+s25+$0x0] =	vst.idx.msk vm1, v7  }
.Ltmp6:
0x2e1: {  	(pc) =	sbr.rel @p0 .LBB2_12-.Ltmp6, $1  }
0x2e2: {  	_ =	sdelay $0x3  }
0x2e3: {  	s7 =	sadd.s32 s29, s16  }
0x2e4: {  	s7 =	sshrl.u32 s7, $0x3  }
0x2e5: {  	s9 =	simm.s32 $0xC080;
	s8 =	sadd.s32 s1, s7  }
0x2e6: {  	[tilespmem:s9], [sflag:$0x2] =	stream.linear.gather [hbm4b:s8+s3], $0x80, $0x38;
	[tilespmem:$0x10200] =	vst v63  }
0x2e7: {  	s15 =	simm.s32 $0xC180;
	s29 =	sadd.s32 $0x10, s8  }
0x2e8: {  	[tilespmem:s15], [sflag:$0x2] =	stream.linear.gather [hbm4b:s29+s3], $0x80, $0x38;
	[tilespmem:$0x10200] =	vst v63  }
0x2e9: {  	s15 =	sadd.s32 $0x20, s8;
	s29 =	simm.s32 $0xC280  }
0x2ea: {  	[tilespmem:s29], [sflag:$0x2] =	stream.linear.gather [hbm4b:s15+s3], $0x80, $0x38;
	[tilespmem:$0x10200] =	vst v63  }
0x2eb: {  	s15 =	sadd.s32 $0x30, s8;
	s29 =	simm.s32 $0xC380  }
0x2ec: {  	[tilespmem:s29], [sflag:$0x2] =	stream.linear.gather [hbm4b:s15+s3], $0x80, $0x38;
	[tilespmem:$0x10200] =	vst v63  }
0x2ed: {  	s15 =	sadd.s32 $0x40, s8;
	s29 =	simm.s32 $0xC480  }
0x2ee: {  	[tilespmem:s29], [sflag:$0x2] =	stream.linear.gather [hbm4b:s15+s3], $0x80, $0x38;
	[tilespmem:$0x10200] =	vst v63  }
0x2ef: {  	s15 =	sadd.s32 $0x50, s8;
	s29 =	simm.s32 $0xC580  }
0x2f0: {  	[tilespmem:s29], [sflag:$0x2] =	stream.linear.gather [hbm4b:s15+s3], $0x80, $0x38;
	[tilespmem:$0x10200] =	vst v63  }
0x2f1: {  	s15 =	sadd.s32 $0x60, s8;
	s29 =	simm.s32 $0xC680  }
0x2f2: {  	[tilespmem:s29], [sflag:$0x2] =	stream.linear.gather [hbm4b:s15+s3], $0x80, $0x38;
	[tilespmem:$0x10200] =	vst v63  }
0x2f3: {  	s15 =	sadd.s32 $0x70, s8;
	s29 =	simm.s32 $0xC780  }
0x2f4: {  	[tilespmem:s29], [sflag:$0x2] =	stream.linear.gather [hbm4b:s15+s3], $0x80, $0x38;
	[tilespmem:$0x10200] =	vst v63  }
0x2f5: {  	s15 =	sadd.s32 $0x80, s8;
	s29 =	simm.s32 $0xC880  }
0x2f6: {  	[tilespmem:s29], [sflag:$0x2] =	stream.linear.gather [hbm4b:s15+s3], $0x80, $0x38;
	[tilespmem:$0x10200] =	vst v63  }
0x2f7: {  	s15 =	sadd.s32 $0x90, s8;
	s29 =	simm.s32 $0xC980  }
0x2f8: {  	[tilespmem:s29], [sflag:$0x2] =	stream.linear.gather [hbm4b:s15+s3], $0x80, $0x38;
	[tilespmem:$0x10200] =	vst v63  }
0x2f9: {  	s15 =	sadd.s32 $0xA0, s8;
	s29 =	simm.s32 $0xCA80  }
0x2fa: {  	[tilespmem:s29], [sflag:$0x2] =	stream.linear.gather [hbm4b:s15+s3], $0x80, $0x38;
	[tilespmem:$0x10200] =	vst v63  }
0x2fb: {  	s15 =	sadd.s32 $0xB0, s8;
	s29 =	simm.s32 $0xCB80  }
0x2fc: {  	[tilespmem:s29], [sflag:$0x2] =	stream.linear.gather [hbm4b:s15+s3], $0x80, $0x38;
	[tilespmem:$0x10200] =	vst v63  }
0x2fd: {  	s15 =	sadd.s32 $0xC0, s8;
	s29 =	simm.s32 $0xCC80  }
0x2fe: {  	[tilespmem:s29], [sflag:$0x2] =	stream.linear.gather [hbm4b:s15+s3], $0x80, $0x38;
	[tilespmem:$0x10200] =	vst v63  }
0x2ff: {  	s15 =	sadd.s32 $0xD0, s8;
	s29 =	simm.s32 $0xCD80  }
0x300: {  	[tilespmem:s29], [sflag:$0x2] =	stream.linear.gather [hbm4b:s15+s3], $0x80, $0x38;
	[tilespmem:$0x10200] =	vst v63  }
0x301: {  	s15 =	sadd.s32 $0xE0, s8;
	s29 =	simm.s32 $0xCE80  }
0x302: {  	[tilespmem:s29], [sflag:$0x2] =	stream.linear.gather [hbm4b:s15+s3], $0x80, $0x38;
	[tilespmem:$0x10200] =	vst v63  }
0x303: {  	s8 =	sadd.s32 $0xF0, s8;
	s15 =	simm.s32 $0xCF80  }
0x304: {  	[tilespmem:s15], [sflag:$0x2] =	stream.linear.gather [hbm4b:s8+s3], $0x80, $0x38;
	[tilespmem:$0x10200] =	vst v63  }
0x305: {  	s29 =	simm.s32 $0xD080;
	s8 =	sadd.s32 s4, s7  }
0x306: {  	[tilespmem:s29], [sflag:$0x2] =	stream.linear.gather [hbm4b:s8+s3], $0x80, $0x38;
	[tilespmem:$0x10200] =	vst v63  }
0x307: {  	s15 =	sadd.s32 $0x10, s8;
	s29 =	simm.s32 $0xD180  }
0x308: {  	[tilespmem:s29], [sflag:$0x2] =	stream.linear.gather [hbm4b:s15+s3], $0x80, $0x38;
	[tilespmem:$0x10200] =	vst v63  }
0x309: {  	s15 =	sadd.s32 $0x20, s8;
	s29 =	simm.s32 $0xD280  }
0x30a: {  	[tilespmem:s29], [sflag:$0x2] =	stream.linear.gather [hbm4b:s15+s3], $0x80, $0x38;
	[tilespmem:$0x10200] =	vst v63  }
0x30b: {  	s15 =	sadd.s32 $0x30, s8;
	s29 =	simm.s32 $0xD380  }
0x30c: {  	[tilespmem:s29], [sflag:$0x2] =	stream.linear.gather [hbm4b:s15+s3], $0x80, $0x38;
	[tilespmem:$0x10200] =	vst v63  }
0x30d: {  	s15 =	sadd.s32 $0x40, s8;
	s29 =	simm.s32 $0xD480  }
0x30e: {  	[tilespmem:s29], [sflag:$0x2] =	stream.linear.gather [hbm4b:s15+s3], $0x80, $0x38;
	[tilespmem:$0x10200] =	vst v63  }
0x30f: {  	s15 =	sadd.s32 $0x50, s8;
	s29 =	simm.s32 $0xD580  }
0x310: {  	[tilespmem:s29], [sflag:$0x2] =	stream.linear.gather [hbm4b:s15+s3], $0x80, $0x38;
	[tilespmem:$0x10200] =	vst v63  }
0x311: {  	s15 =	sadd.s32 $0x60, s8;
	s29 =	simm.s32 $0xD680  }
0x312: {  	[tilespmem:s29], [sflag:$0x2] =	stream.linear.gather [hbm4b:s15+s3], $0x80, $0x38;
	[tilespmem:$0x10200] =	vst v63  }
0x313: {  	s15 =	sadd.s32 $0x70, s8;
	s29 =	simm.s32 $0xD780  }
0x314: {  	[tilespmem:s29], [sflag:$0x2] =	stream.linear.gather [hbm4b:s15+s3], $0x80, $0x38;
	[tilespmem:$0x10200] =	vst v63  }
0x315: {  	s15 =	sadd.s32 $0x80, s8;
	s29 =	simm.s32 $0xD880  }
0x316: {  	[tilespmem:s29], [sflag:$0x2] =	stream.linear.gather [hbm4b:s15+s3], $0x80, $0x38;
	[tilespmem:$0x10200] =	vst v63  }
0x317: {  	s15 =	sadd.s32 $0x90, s8;
	s29 =	simm.s32 $0xD980  }
0x318: {  	[tilespmem:s29], [sflag:$0x2] =	stream.linear.gather [hbm4b:s15+s3], $0x80, $0x38;
	[tilespmem:$0x10200] =	vst v63  }
0x319: {  	s15 =	sadd.s32 $0xA0, s8;
	s29 =	simm.s32 $0xDA80  }
0x31a: {  	[tilespmem:s29], [sflag:$0x2] =	stream.linear.gather [hbm4b:s15+s3], $0x80, $0x38;
	[tilespmem:$0x10200] =	vst v63  }
0x31b: {  	s15 =	sadd.s32 $0xB0, s8;
	s29 =	simm.s32 $0xDB80  }
0x31c: {  	[tilespmem:s29], [sflag:$0x2] =	stream.linear.gather [hbm4b:s15+s3], $0x80, $0x38;
	[tilespmem:$0x10200] =	vst v63  }
0x31d: {  	s15 =	sadd.s32 $0xC0, s8;
	s29 =	simm.s32 $0xDC80  }
0x31e: {  	[tilespmem:s29], [sflag:$0x2] =	stream.linear.gather [hbm4b:s15+s3], $0x80, $0x38;
	[tilespmem:$0x10200] =	vst v63  }
0x31f: {  	s15 =	sadd.s32 $0xD0, s8;
	s29 =	simm.s32 $0xDD80  }
0x320: {  	[tilespmem:s29], [sflag:$0x2] =	stream.linear.gather [hbm4b:s15+s3], $0x80, $0x38;
	[tilespmem:$0x10200] =	vst v63  }
0x321: {  	s15 =	sadd.s32 $0xE0, s8;
	s29 =	simm.s32 $0xDE80  }
0x322: {  	[tilespmem:s29], [sflag:$0x2] =	stream.linear.gather [hbm4b:s15+s3], $0x80, $0x38;
	[tilespmem:$0x10200] =	vst v63  }
0x323: {  	s8 =	sadd.s32 $0xF0, s8;
	s15 =	simm.s32 $0xDF80  }
0x324: {  	[tilespmem:s15], [sflag:$0x2] =	stream.linear.gather [hbm4b:s8+s3], $0x80, $0x38;
	[tilespmem:$0x10200] =	vst v63  }
0x325: {  	s29 =	simm.s32 $0xE080;
	s8 =	sadd.s32 s5, s7  }
0x326: {  	[tilespmem:s29], [sflag:$0x2] =	stream.linear.gather [hbm4b:s8+s3], $0x80, $0x38;
	[tilespmem:$0x10200] =	vst v63  }
0x327: {  	s15 =	sadd.s32 $0x10, s8;
	s29 =	simm.s32 $0xE180  }
0x328: {  	[tilespmem:s29], [sflag:$0x2] =	stream.linear.gather [hbm4b:s15+s3], $0x80, $0x38;
	[tilespmem:$0x10200] =	vst v63  }
0x329: {  	s15 =	sadd.s32 $0x20, s8;
	s29 =	simm.s32 $0xE280  }
0x32a: {  	[tilespmem:s29], [sflag:$0x2] =	stream.linear.gather [hbm4b:s15+s3], $0x80, $0x38;
	[tilespmem:$0x10200] =	vst v63  }
0x32b: {  	s15 =	sadd.s32 $0x30, s8;
	s29 =	simm.s32 $0xE380  }
0x32c: {  	[tilespmem:s29], [sflag:$0x2] =	stream.linear.gather [hbm4b:s15+s3], $0x80, $0x38;
	[tilespmem:$0x10200] =	vst v63  }
0x32d: {  	s15 =	sadd.s32 $0x40, s8;
	s29 =	simm.s32 $0xE480  }
0x32e: {  	[tilespmem:s29], [sflag:$0x2] =	stream.linear.gather [hbm4b:s15+s3], $0x80, $0x38;
	[tilespmem:$0x10200] =	vst v63  }
0x32f: {  	s15 =	sadd.s32 $0x50, s8;
	s29 =	simm.s32 $0xE580  }
0x330: {  	[tilespmem:s29], [sflag:$0x2] =	stream.linear.gather [hbm4b:s15+s3], $0x80, $0x38;
	[tilespmem:$0x10200] =	vst v63  }
0x331: {  	s15 =	sadd.s32 $0x60, s8;
	s29 =	simm.s32 $0xE680  }
0x332: {  	[tilespmem:s29], [sflag:$0x2] =	stream.linear.gather [hbm4b:s15+s3], $0x80, $0x38;
	[tilespmem:$0x10200] =	vst v63  }
0x333: {  	s15 =	sadd.s32 $0x70, s8;
	s29 =	simm.s32 $0xE780  }
0x334: {  	[tilespmem:s29], [sflag:$0x2] =	stream.linear.gather [hbm4b:s15+s3], $0x80, $0x38;
	[tilespmem:$0x10200] =	vst v63  }
0x335: {  	s15 =	sadd.s32 $0x80, s8;
	s29 =	simm.s32 $0xE880  }
0x336: {  	[tilespmem:s29], [sflag:$0x2] =	stream.linear.gather [hbm4b:s15+s3], $0x80, $0x38;
	[tilespmem:$0x10200] =	vst v63  }
0x337: {  	s15 =	sadd.s32 $0x90, s8;
	s29 =	simm.s32 $0xE980  }
0x338: {  	[tilespmem:s29], [sflag:$0x2] =	stream.linear.gather [hbm4b:s15+s3], $0x80, $0x38;
	[tilespmem:$0x10200] =	vst v63  }
0x339: {  	s15 =	sadd.s32 $0xA0, s8;
	s29 =	simm.s32 $0xEA80  }
0x33a: {  	[tilespmem:s29], [sflag:$0x2] =	stream.linear.gather [hbm4b:s15+s3], $0x80, $0x38;
	[tilespmem:$0x10200] =	vst v63  }
0x33b: {  	s15 =	sadd.s32 $0xB0, s8;
	s29 =	simm.s32 $0xEB80  }
0x33c: {  	[tilespmem:s29], [sflag:$0x2] =	stream.linear.gather [hbm4b:s15+s3], $0x80, $0x38;
	[tilespmem:$0x10200] =	vst v63  }
0x33d: {  	s15 =	sadd.s32 $0xC0, s8;
	s29 =	simm.s32 $0xEC80  }
0x33e: {  	[tilespmem:s29], [sflag:$0x2] =	stream.linear.gather [hbm4b:s15+s3], $0x80, $0x38;
	[tilespmem:$0x10200] =	vst v63  }
0x33f: {  	s15 =	sadd.s32 $0xD0, s8;
	s29 =	simm.s32 $0xED80  }
0x340: {  	[tilespmem:s29], [sflag:$0x2] =	stream.linear.gather [hbm4b:s15+s3], $0x80, $0x38;
	[tilespmem:$0x10200] =	vst v63  }
0x341: {  	s15 =	sadd.s32 $0xE0, s8;
	s29 =	simm.s32 $0xEE80  }
0x342: {  	[tilespmem:s29], [sflag:$0x2] =	stream.linear.gather [hbm4b:s15+s3], $0x80, $0x38;
	[tilespmem:$0x10200] =	vst v63  }
0x343: {  	s8 =	sadd.s32 $0xF0, s8;
	s29 =	simm.s32 $0xEF80  }
0x344: {  	[tilespmem:s29], [sflag:$0x2] =	stream.linear.gather [hbm4b:s8+s3], $0x80, $0x38;
	[tilespmem:$0x10200] =	vst v63  }
0x345: {  	s9 =	simm.s32 $0xF080;
	s7 =	sadd.s32 s6, s7  }
0x346: {  	[tilespmem:s9], [sflag:$0x2] =	stream.linear.gather [hbm4b:s7+s3], $0x80, $0x38;
	[tilespmem:$0x10200] =	vst v63  }
0x347: {  	s15 =	sadd.s32 $0x10, s7;
	s29 =	simm.s32 $0xF180  }
0x348: {  	[tilespmem:s29], [sflag:$0x2] =	stream.linear.gather [hbm4b:s15+s3], $0x80, $0x38;
	[tilespmem:$0x10200] =	vst v63  }
0x349: {  	s15 =	sadd.s32 $0x20, s7;
	s29 =	simm.s32 $0xF280  }
0x34a: {  	[tilespmem:s29], [sflag:$0x2] =	stream.linear.gather [hbm4b:s15+s3], $0x80, $0x38;
	[tilespmem:$0x10200] =	vst v63  }
0x34b: {  	s15 =	sadd.s32 $0x30, s7;
	s29 =	simm.s32 $0xF380  }
0x34c: {  	[tilespmem:s29], [sflag:$0x2] =	stream.linear.gather [hbm4b:s15+s3], $0x80, $0x38;
	[tilespmem:$0x10200] =	vst v63  }
0x34d: {  	s9 =	sadd.s32 $0x40, s7;
	s15 =	simm.s32 $0xF480  }
0x34e: {  	[tilespmem:s15], [sflag:$0x2] =	stream.linear.gather [hbm4b:s9+s3], $0x80, $0x38;
	[tilespmem:$0x10200] =	vst v63  }
0x34f: {  	s29 =	sadd.s32 $0x50, s7  }
0x350: {  	[tilespmem:s10], [sflag:$0x2] =	stream.linear.gather [hbm4b:s29+s3], $0x80, $0x38;
	[tilespmem:$0x10200] =	vst v63  }
0x351: {  	s9 =	sadd.s32 $0x60, s7  }
0x352: {  	[tilespmem:s11], [sflag:$0x2] =	stream.linear.gather [hbm4b:s9+s3], $0x80, $0x38;
	[tilespmem:$0x10200] =	vst v63  }
0x353: {  	s15 =	sadd.s32 $0x70, s7  }
0x354: {  	[tilespmem:s12], [sflag:$0x2] =	stream.linear.gather [hbm4b:s15+s3], $0x80, $0x38;
	[tilespmem:$0x10200] =	vst v63  }
0x355: {  	s29 =	sadd.s32 $0x80, s7  }
0x356: {  	[tilespmem:s13], [sflag:$0x2] =	stream.linear.gather [hbm4b:s29+s3], $0x80, $0x38;
	[tilespmem:$0x10200] =	vst v63  }
0x357: {  	s9 =	sadd.s32 $0x90, s7  }
0x358: {  	[tilespmem:s14], [sflag:$0x2] =	stream.linear.gather [hbm4b:s9+s3], $0x80, $0x38;
	[tilespmem:$0x10200] =	vst v63  }
0x359: {  	s15 =	sadd.s32 $0xA0, s7  }
0x35a: {  	[tilespmem:s30], [sflag:$0x2] =	stream.linear.gather [hbm4b:s15+s3], $0x80, $0x38;
	[tilespmem:$0x10200] =	vst v63  }
0x35b: {  	s29 =	sadd.s32 $0xB0, s7  }
0x35c: {  	[tilespmem:s31], [sflag:$0x2] =	stream.linear.gather [hbm4b:s29+s3], $0x80, $0x38;
	[tilespmem:$0x10200] =	vst v63  }
0x35d: {  	s9 =	sadd.s32 $0xC0, s7  }
0x35e: {  	[tilespmem:s0], [sflag:$0x2] =	stream.linear.gather [hbm4b:s9+s3], $0x80, $0x38;
	[tilespmem:$0x10200] =	vst v63  }
0x35f: {  	p0 =	sne.s32 s28, $0x10;
	s15 =	sadd.s32 $0xD0, s7  }
0x360: {  	[tilespmem:s2], [sflag:$0x2] =	stream.linear.gather [hbm4b:s15+s3], $0x80, $0x38;
	[tilespmem:$0x10200] =	vst v63  }
.Ltmp7:
0x361: {  	_ = 	snop;
	(pc) =	sbr.rel @p0 .LBB2_4-.Ltmp7, $4  }
.Ltmp8:
0x362: {  	s29 =	sadd.s32 $0xE0, s7;
	(pc) =	sbr.rel @!p0 .LBB2_12-.Ltmp8, $4  }
0x363: {  	[tilespmem:s17], [sflag:$0x2] =	stream.linear.gather [hbm4b:s29+s3], $0x80, $0x38;
	[tilespmem:$0x10200] =	vst v63  }
0x364: {  	s7 =	sadd.s32 $0xF0, s7  }
0x365: {  	[tilespmem:s18], [sflag:$0x2] =	stream.linear.gather [hbm4b:s7+s3], $0x80, $0x38;
	[tilespmem:$0x10200] =	vst v63  }
0x366: {  	_ = 	snop  }
.LBB2_13:
0x367: {  	_ =	sfence.sel $0x180000  }
0x368: {  	[bflag:$0x0] =	sbarrier.arrive $0xFFFF  }
0x369: {  	_ =	strace $0x90000047  }
0x36a: {  	s0 =	stileid.u32;
	[bflag:$0x2] =	sbarrier.arrive $0xFFFF  }
0x36b: {  	p0 =	sne.s32 s0, $0x0;
	s0 =	rddreg [dreg:$0x2]  }
0x36c: {  	s0 =	sadd.s32 @!p0 $0x100000, s0  }
0x36d: {  	[sflag:s0] =	ssyncadd.tile.s32 @!p0 $0x1;
	_ =	shalt  }
.Lfunc_end2:
_tile_overlayer_lowered:
.L_overlay_start_2:
0x36e: {  	(tag) =	ssettag $0x2  }
0x36f: {  	s0 =	rddreg [dreg:$0x0];
	s2 =	stileid.u32  }
0x370: {  	s1 =	rddreg [dreg:$0x1];
	p0 =	sne.s32 s2, $0x0  }
0x371: {  	s3 =	rddreg [dreg:$0x2];
	[bflag:$0x3] =	sbarrier.arrive $0xFFFF;
	s2 =	simm.s32 @!p0 $0x1C03  }
0x372: {  	[timem:s3], [sflag:s2] =	dma.local @!p0 [hbm:s0], s1  }
0x373: {  	s0 =	simm.s32 @!p0 $0x3  }
0x374: {  	_ =	swait.ge @!p0 [sflag:s0], s1  }
0x375: {  	s1 =	ssub.s32 @!p0 $0x0, s1;
	[sflag:s0] =	ssyncset.done @!p0 $0x0  }
0x376: {  	[sflag:s0] =	ssyncadd.s32 @!p0 s1  }
0x377: {  	[bflag:$0x3] =	sbarrier.arrive $0xFFFF  }
0x378: {  	_ =	shalt  }

</sc_bundles>
